<compile_context>
chip_gen: v7x
topology: tpu7x:2x2x1
jax: 0.10.2.dev20260603
libtpu: 0.0.44.dev20260713+nightly
codegen_flags: <defaults>
</compile_context>

<pallas_src>
import functools

import jax
import jax.numpy as jnp
from jax import lax
from jax.experimental import pallas as pl
from jax.experimental.pallas import tpu as pltpu
from jax.experimental.pallas import tpu_sc as plsc

N_ROWS = 1_000_000
D = 32
B = 16_384

NUM_CORES = 2
NUM_TILES = 16
LANES = 16

ROWS_PER_CORE = N_ROWS // NUM_CORES
CHUNK = 20_000
CHUNKS_PER_CORE = ROWS_PER_CORE // CHUNK
ROWS_PER_TILE = 1248
TAIL_ROWS = CHUNK - NUM_TILES * ROWS_PER_TILE
IDX_PER_TILE = B // NUM_TILES
IDX_GROUPS = IDX_PER_TILE // 128
VECS_PER_TILE = IDX_PER_TILE // LANES
DUMMY_ROWS = 2048


def _body(inp_hbm, idx_hbm, src_hbm, out_hbm, idx_v, src_v, ridx_v, buf):
    c = lax.axis_index("c")
    s = lax.axis_index("s")

    pltpu.sync_copy(idx_hbm.at[pl.ds(s * IDX_GROUPS, IDX_GROUPS)], idx_v)
    pltpu.sync_copy(src_hbm.at[pl.ds(s * IDX_PER_TILE, IDX_PER_TILE)], src_v)

    def chunk_body(ci, carry):
        base = c * ROWS_PER_CORE + ci * CHUNK

        pltpu.sync_copy(
            inp_hbm.at[pl.ds(pl.multiple_of(base + s * ROWS_PER_TILE, 8),
                             ROWS_PER_TILE)],
            buf.at[pl.ds(pl.multiple_of(s * ROWS_PER_TILE, 8), ROWS_PER_TILE)],
        )

        @pl.when(s == 0)
        def _copy_in_tail():
            pltpu.sync_copy(
                inp_hbm.at[pl.ds(pl.multiple_of(base + NUM_TILES * ROWS_PER_TILE, 8),
                                 TAIL_ROWS)],
                buf.at[pl.ds(NUM_TILES * ROWS_PER_TILE, TAIL_ROWS)],
            )

        plsc.subcore_barrier()

        for v in range(VECS_PER_TILE):
            r, col = v // (128 // LANES), (v % (128 // LANES)) * LANES
            iv = idx_v[r, pl.ds(col, LANES)]
            local = iv - base
            ok = (local >= 0) & (local < CHUNK)
            lane = s * IDX_PER_TILE + v * LANES + lax.iota(jnp.int32, LANES)
            dummy = CHUNK + (lane & (DUMMY_ROWS - 1))
            ridx_v[r, pl.ds(col, LANES)] = jnp.where(ok, local, dummy)

        for j in range(IDX_GROUPS):
            pltpu.sync_copy(
                src_v.at[pl.ds(j * 128, 128)],
                buf.at[ridx_v.at[j]],
                add=True,
            )
        plsc.subcore_barrier()

        pltpu.sync_copy(
            buf.at[pl.ds(pl.multiple_of(s * ROWS_PER_TILE, 8), ROWS_PER_TILE)],
            out_hbm.at[pl.ds(pl.multiple_of(base + s * ROWS_PER_TILE, 8),
                             ROWS_PER_TILE)],
        )

        @pl.when(s == 0)
        def _copy_out_tail():
            pltpu.sync_copy(
                buf.at[pl.ds(NUM_TILES * ROWS_PER_TILE, TAIL_ROWS)],
                out_hbm.at[pl.ds(pl.multiple_of(base + NUM_TILES * ROWS_PER_TILE, 8),
                                 TAIL_ROWS)],
            )

        plsc.subcore_barrier()
        return carry

    lax.fori_loop(0, CHUNKS_PER_CORE, chunk_body, 0)


_index_add_sc = functools.partial(
    pl.kernel,
    out_type=jax.ShapeDtypeStruct((N_ROWS, D), jnp.float32),
    mesh=plsc.VectorSubcoreMesh(core_axis_name="c", subcore_axis_name="s"),
    scratch_types=[
        pltpu.VMEM((IDX_GROUPS, 128), jnp.int32),
        pltpu.VMEM((IDX_PER_TILE, D), jnp.float32),
        pltpu.VMEM((IDX_GROUPS, 128), jnp.int32),
        pltpu.VMEM_SHARED((CHUNK + DUMMY_ROWS, D), jnp.float32),
    ],
    compiler_params=pltpu.CompilerParams(use_tc_tiling_on_sc=False),
)(_body)


def kernel(input_tensor, index, source_tensor):
    idx = index.astype(jnp.int32).reshape(B // 128, 128)
    return _index_add_sc(input_tensor, idx, source_tensor)

# --- scband reference (transcript-rebuilt; emitter-appended) ---
"""Pipeline reference for scband-index-add-op-32349693674020 (READ-ONLY COPY).

The authoritative reference and input builder live on the scoring server;
editing this copy changes nothing except your own understanding.
"""

import jax, jax.numpy as jnp
import numpy as np


def setup_inputs(seed: int = 0) -> dict:
    key = jax.random.key(seed)
    k1, k2, k3 = jax.random.split(key, 3)
    input_tensor = jax.random.normal(k1, (1000000, 32), dtype=jnp.float32)
    index = jax.random.randint(k2, (16384,), 0, 1000000, dtype=jnp.int64 if jax.config.read('jax_enable_x64') else jnp.int32)
    source_tensor = jax.random.normal(k3, (16384, 32), dtype=jnp.float32)
    return {"input_tensor": input_tensor, "index": index, "source_tensor": source_tensor}


def reference(input_tensor, index, source_tensor):
    # torch index_add_(0, index, source): out[index[i], :] += source[i, :]
    result = input_tensor.at[index].add(source_tensor)
    return result

if __name__ == "__main__":
    import jax
    _d = setup_inputs()
    print(jax.jit(kernel)(*tuple(_d.values())))

</pallas_src>

<mosaic_0001>
#map = affine_map<(d0, d1) -> (0, 0)>
module attributes {stable_mosaic.version = 14 : i64} {
  func.func @_body(%arg0: i32, %arg1: i32, %arg2: memref<1000000x32xf32, #tpu.memory_space<hbm>>, %arg3: memref<128x128xi32, #tpu.memory_space<hbm>>, %arg4: memref<16384x32xf32, #tpu.memory_space<hbm>>, %arg5: memref<1000000x32xf32, #tpu.memory_space<hbm>>, %arg6: memref<8x128xi32, #tpu.memory_space<vmem>>, %arg7: memref<1024x32xf32, #tpu.memory_space<vmem>>, %arg8: memref<8x128xi32, #tpu.memory_space<vmem>>, %arg9: memref<22048x32xf32, #tpu.memory_space<vmem_shared>>) attributes {dimension_semantics = [#tpu.dimension_semantics<core_parallel>, #tpu.dimension_semantics<subcore_parallel>], iteration_bounds = array<i64: 2, 16>, scalar_prefetch = 0 : i64, scratch_operands = 4 : i64, tpu.core_type = #tpu.core_type<sc_vector_subcore>, window_params = [{transform_indices = #map}, {transform_indices = #map}, {transform_indices = #map}, {transform_indices = #map}]} {
    %mul3A = arith.constant 8 : i32
    %mul3A_0 = arith.muli %arg1, %mul3A : i32
    "tpu.region"() ({
      %run_scoped3A = tpu.sem_alloc : memref<!tpu.dma_semaphore, #tpu.memory_space<semaphore_mem>>
      %dma_start3A = arith.constant 0 : i32
      %dma_start3A_8 = tpu.memref_slice %arg3[%mul3A_0, %dma_start3A] : memref<128x128xi32, #tpu.memory_space<hbm>> -> memref<8x128xi32, #tpu.memory_space<hbm>>
      %dma_start3A_9 = arith.constant 0 : i32
      %dma_start3A_10 = tpu.memref_slice %arg3[%mul3A_0, %dma_start3A_9] : memref<128x128xi32, #tpu.memory_space<hbm>> -> memref<8x128xi32, #tpu.memory_space<hbm>>
      tpu.enqueue_dma source(%dma_start3A_10 : memref<8x128xi32, #tpu.memory_space<hbm>>) target(%arg6 : memref<8x128xi32, #tpu.memory_space<vmem>>) target_semaphore(%run_scoped3A : memref<!tpu.dma_semaphore, #tpu.memory_space<semaphore_mem>>)
      %dma_wait3A = arith.constant 0 : i32
      %dma_wait3A_11 = tpu.memref_slice %arg3[%mul3A_0, %dma_wait3A] : memref<128x128xi32, #tpu.memory_space<hbm>> -> memref<8x128xi32, #tpu.memory_space<hbm>>
      %dma_wait3A_12 = arith.constant 0 : i32
      %dma_wait3A_13 = tpu.memref_slice %arg3[%mul3A_0, %dma_wait3A_12] : memref<128x128xi32, #tpu.memory_space<hbm>> -> memref<8x128xi32, #tpu.memory_space<hbm>>
      tpu.wait_dma2 semaphore(%run_scoped3A : memref<!tpu.dma_semaphore, #tpu.memory_space<semaphore_mem>>) src(%dma_wait3A_13 : memref<8x128xi32, #tpu.memory_space<hbm>>) dst(%arg6 : memref<8x128xi32, #tpu.memory_space<vmem>>)
      tpu.yield
    }) : () -> ()
    %mul3A_1 = arith.constant 1024 : i32
    %mul3A_2 = arith.muli %arg1, %mul3A_1 : i32
    "tpu.region"() ({
      %run_scoped3A = tpu.sem_alloc : memref<!tpu.dma_semaphore, #tpu.memory_space<semaphore_mem>>
      %dma_start3A = arith.constant 0 : i32
      %dma_start3A_8 = tpu.memref_slice %arg4[%mul3A_2, %dma_start3A] : memref<16384x32xf32, #tpu.memory_space<hbm>> -> memref<1024x32xf32, #tpu.memory_space<hbm>>
      %dma_start3A_9 = arith.constant 0 : i32
      %dma_start3A_10 = tpu.memref_slice %arg4[%mul3A_2, %dma_start3A_9] : memref<16384x32xf32, #tpu.memory_space<hbm>> -> memref<1024x32xf32, #tpu.memory_space<hbm>>
      tpu.enqueue_dma source(%dma_start3A_10 : memref<1024x32xf32, #tpu.memory_space<hbm>>) target(%arg7 : memref<1024x32xf32, #tpu.memory_space<vmem>>) target_semaphore(%run_scoped3A : memref<!tpu.dma_semaphore, #tpu.memory_space<semaphore_mem>>)
      %dma_wait3A = arith.constant 0 : i32
      %dma_wait3A_11 = tpu.memref_slice %arg4[%mul3A_2, %dma_wait3A] : memref<16384x32xf32, #tpu.memory_space<hbm>> -> memref<1024x32xf32, #tpu.memory_space<hbm>>
      %dma_wait3A_12 = arith.constant 0 : i32
      %dma_wait3A_13 = tpu.memref_slice %arg4[%mul3A_2, %dma_wait3A_12] : memref<16384x32xf32, #tpu.memory_space<hbm>> -> memref<1024x32xf32, #tpu.memory_space<hbm>>
      tpu.wait_dma2 semaphore(%run_scoped3A : memref<!tpu.dma_semaphore, #tpu.memory_space<semaphore_mem>>) src(%dma_wait3A_13 : memref<1024x32xf32, #tpu.memory_space<hbm>>) dst(%arg7 : memref<1024x32xf32, #tpu.memory_space<vmem>>)
      tpu.yield
    }) : () -> ()
    %scan3A = arith.constant 0 : i32
    %scan3A_3 = arith.constant 0 : i32
    %scan3A_4 = arith.constant 25 : i32
    %scan3A_5 = arith.addi %scan3A_3, %scan3A_4 : i32
    %scan3A_6 = arith.constant 1 : i32
    scf.for %scan3A_8 = %scan3A_3 to %scan3A_5 step %scan3A_6  : i32 {
      %mul3A_9 = arith.constant 500000 : i32
      %mul3A_10 = arith.muli %arg0, %mul3A_9 : i32
      %mul3A_11 = arith.constant 20000 : i32
      %mul3A_12 = arith.muli %scan3A_8, %mul3A_11 : i32
      %add3A = arith.addi %mul3A_10, %mul3A_12 : i32
      %mul3A_13 = arith.constant 1248 : i32
      %mul3A_14 = arith.muli %arg1, %mul3A_13 : i32
      %add3A_15 = arith.addi %add3A, %mul3A_14 : i32
      %multiple_of3A = tpu.assume_multiple %add3A_15, 8 : i32
      %mul3A_16 = arith.constant 1248 : i32
      %mul3A_17 = arith.muli %arg1, %mul3A_16 : i32
      %multiple_of3A_18 = tpu.assume_multiple %mul3A_17, 8 : i32
      "tpu.region"() ({
        %run_scoped3A_2210 = tpu.sem_alloc : memref<!tpu.dma_semaphore, #tpu.memory_space<semaphore_mem>>
        %dma_start3A = arith.constant 0 : i32
        %dma_start3A_2211 = tpu.memref_slice %arg9[%multiple_of3A_18, %dma_start3A] : memref<22048x32xf32, #tpu.memory_space<vmem_shared>> -> memref<1248x32xf32, #tpu.memory_space<vmem_shared>>
        %dma_start3A_2212 = arith.constant 0 : i32
        %dma_start3A_2213 = tpu.memref_slice %arg2[%multiple_of3A, %dma_start3A_2212] : memref<1000000x32xf32, #tpu.memory_space<hbm>> -> memref<1248x32xf32, #tpu.memory_space<hbm>>
        tpu.enqueue_dma source(%dma_start3A_2213 : memref<1248x32xf32, #tpu.memory_space<hbm>>) target(%dma_start3A_2211 : memref<1248x32xf32, #tpu.memory_space<vmem_shared>>) target_semaphore(%run_scoped3A_2210 : memref<!tpu.dma_semaphore, #tpu.memory_space<semaphore_mem>>)
        %dma_wait3A = arith.constant 0 : i32
        %dma_wait3A_2214 = tpu.memref_slice %arg9[%multiple_of3A_18, %dma_wait3A] : memref<22048x32xf32, #tpu.memory_space<vmem_shared>> -> memref<1248x32xf32, #tpu.memory_space<vmem_shared>>
        %dma_wait3A_2215 = arith.constant 0 : i32
        %dma_wait3A_2216 = tpu.memref_slice %arg2[%multiple_of3A, %dma_wait3A_2215] : memref<1000000x32xf32, #tpu.memory_space<hbm>> -> memref<1248x32xf32, #tpu.memory_space<hbm>>
        tpu.wait_dma2 semaphore(%run_scoped3A_2210 : memref<!tpu.dma_semaphore, #tpu.memory_space<semaphore_mem>>) src(%dma_wait3A_2216 : memref<1248x32xf32, #tpu.memory_space<hbm>>) dst(%dma_wait3A_2214 : memref<1248x32xf32, #tpu.memory_space<vmem_shared>>)
        tpu.yield
      }) : () -> ()
      %eq3A = arith.constant 0 : i32
      %eq3A_19 = arith.cmpi eq, %arg1, %eq3A : i32
      %convert_element_type3A = arith.extui %eq3A_19 : i1 to i32
      %cond3A = arith.constant 0 : i32
      %cond3A_20 = arith.cmpi ne, %convert_element_type3A, %cond3A : i32
      scf.if %cond3A_20 {
        %add3A_2210 = arith.constant 19968 : i32
        %add3A_2211 = arith.addi %add3A, %add3A_2210 : i32
        %multiple_of3A_2212 = tpu.assume_multiple %add3A_2211, 8 : i32
        "tpu.region"() ({
          %run_scoped3A_2213 = tpu.sem_alloc : memref<!tpu.dma_semaphore, #tpu.memory_space<semaphore_mem>>
          %dma_start3A = arith.constant 19968 : i32
          %dma_start3A_2214 = arith.constant 0 : i32
          %dma_start3A_2215 = tpu.memref_slice %arg9[%dma_start3A, %dma_start3A_2214] : memref<22048x32xf32, #tpu.memory_space<vmem_shared>> -> memref<32x32xf32, #tpu.memory_space<vmem_shared>>
          %dma_start3A_2216 = arith.constant 0 : i32
          %dma_start3A_2217 = tpu.memref_slice %arg2[%multiple_of3A_2212, %dma_start3A_2216] : memref<1000000x32xf32, #tpu.memory_space<hbm>> -> memref<32x32xf32, #tpu.memory_space<hbm>>
          tpu.enqueue_dma source(%dma_start3A_2217 : memref<32x32xf32, #tpu.memory_space<hbm>>) target(%dma_start3A_2215 : memref<32x32xf32, #tpu.memory_space<vmem_shared>>) target_semaphore(%run_scoped3A_2213 : memref<!tpu.dma_semaphore, #tpu.memory_space<semaphore_mem>>)
          %dma_wait3A = arith.constant 19968 : i32
          %dma_wait3A_2218 = arith.constant 0 : i32
          %dma_wait3A_2219 = tpu.memref_slice %arg9[%dma_wait3A, %dma_wait3A_2218] : memref<22048x32xf32, #tpu.memory_space<vmem_shared>> -> memref<32x32xf32, #tpu.memory_space<vmem_shared>>
          %dma_wait3A_2220 = arith.constant 0 : i32
          %dma_wait3A_2221 = tpu.memref_slice %arg2[%multiple_of3A_2212, %dma_wait3A_2220] : memref<1000000x32xf32, #tpu.memory_space<hbm>> -> memref<32x32xf32, #tpu.memory_space<hbm>>
          tpu.wait_dma2 semaphore(%run_scoped3A_2213 : memref<!tpu.dma_semaphore, #tpu.memory_space<semaphore_mem>>) src(%dma_wait3A_2221 : memref<32x32xf32, #tpu.memory_space<hbm>>) dst(%dma_wait3A_2219 : memref<32x32xf32, #tpu.memory_space<vmem_shared>>)
          tpu.yield
        }) : () -> ()
      } else {
      }
      %barrier3A = arith.constant 0 : index
      tpu.barrier barrier_id(%barrier3A)
      %get3A = arith.constant 0 : i32
      %get3A_21 = arith.index_cast %get3A : i32 to index
      %get3A_22 = arith.constant 0 : index
      %get3A_23 = tpu.vector_load %arg6[%get3A_21, %get3A_22] {strides = array<i32>} : memref<8x128xi32, #tpu.memory_space<vmem>>, vector<1x16xi32>,
      %get3A_24 = vector.shape_cast %get3A_23 : vector<1x16xi32> to vector<16xi32>
      %sub3A = vector.broadcast %add3A : i32 to vector<16xi32>
      %sub3A_25 = arith.subi %get3A_24, %sub3A : vector<16xi32>
      %ge3A = arith.constant 0 : i32
      %ge3A_26 = vector.broadcast %ge3A : i32 to vector<16xi32>
      %ge3A_27 = arith.cmpi sge, %sub3A_25, %ge3A_26 : vector<16xi32>
      %lt3A = arith.constant 20000 : i32
      %lt3A_28 = vector.broadcast %lt3A : i32 to vector<16xi32>
      %lt3A_29 = arith.cmpi slt, %sub3A_25, %lt3A_28 : vector<16xi32>
      %and3A = arith.andi %ge3A_27, %lt3A_29 : vector<16xi1>
      %mul3A_30 = arith.constant 1024 : i32
      %mul3A_31 = arith.muli %arg1, %mul3A_30 : i32
      %add3A_32 = arith.constant 0 : i32
      %add3A_33 = arith.addi %mul3A_31, %add3A_32 : i32
      %iota3A = tpu.iota {dimensions = array<i32: 0>} : vector<16xi32>
      %add3A_34 = vector.broadcast %add3A_33 : i32 to vector<16xi32>
      %add3A_35 = arith.addi %add3A_34, %iota3A : vector<16xi32>
      %and3A_36 = arith.constant 2047 : i32
      %and3A_37 = vector.broadcast %and3A_36 : i32 to vector<16xi32>
      %and3A_38 = arith.andi %add3A_35, %and3A_37 : vector<16xi32>
      %add3A_39 = arith.constant 20000 : i32
      %add3A_40 = vector.broadcast %add3A_39 : i32 to vector<16xi32>
      %add3A_41 = arith.addi %add3A_40, %and3A_38 : vector<16xi32>
      %select_n3A = arith.select %and3A, %sub3A_25, %add3A_41 : vector<16xi1>, vector<16xi32>
      %swap3A = arith.constant 0 : i32
      %swap3A_42 = arith.index_cast %swap3A : i32 to index
      %swap3A_43 = arith.constant 0 : index
      %swap3A_44 = tpu.vector_load %arg8[%swap3A_42, %swap3A_43] {strides = array<i32>} : memref<8x128xi32, #tpu.memory_space<vmem>>, vector<1x16xi32>,
      %swap3A_45 = vector.shape_cast %swap3A_44 : vector<1x16xi32> to vector<16xi32>
      %swap3A_46 = vector.shape_cast %select_n3A : vector<16xi32> to vector<1x16xi32>
      tpu.vector_store %arg8[%swap3A_42, %swap3A_43], %swap3A_46 {strides = array<i32>} : memref<8x128xi32, #tpu.memory_space<vmem>>, vector<1x16xi32>,
      %get3A_47 = arith.constant 0 : i32
      %get3A_48 = arith.index_cast %get3A_47 : i32 to index
      %get3A_49 = arith.constant 16 : index
      %get3A_50 = tpu.vector_load %arg6[%get3A_48, %get3A_49] {strides = array<i32>} : memref<8x128xi32, #tpu.memory_space<vmem>>, vector<1x16xi32>,
      %get3A_51 = vector.shape_cast %get3A_50 : vector<1x16xi32> to vector<16xi32>
      %sub3A_52 = vector.broadcast %add3A : i32 to vector<16xi32>
      %sub3A_53 = arith.subi %get3A_51, %sub3A_52 : vector<16xi32>
      %ge3A_54 = arith.constant 0 : i32
      %ge3A_55 = vector.broadcast %ge3A_54 : i32 to vector<16xi32>
      %ge3A_56 = arith.cmpi sge, %sub3A_53, %ge3A_55 : vector<16xi32>
      %lt3A_57 = arith.constant 20000 : i32
      %lt3A_58 = vector.broadcast %lt3A_57 : i32 to vector<16xi32>
      %lt3A_59 = arith.cmpi slt, %sub3A_53, %lt3A_58 : vector<16xi32>
      %and3A_60 = arith.andi %ge3A_56, %lt3A_59 : vector<16xi1>
      %mul3A_61 = arith.constant 1024 : i32
      %mul3A_62 = arith.muli %arg1, %mul3A_61 : i32
      %add3A_63 = arith.constant 16 : i32
      %add3A_64 = arith.addi %mul3A_62, %add3A_63 : i32
      %iota3A_65 = tpu.iota {dimensions = array<i32: 0>} : vector<16xi32>
      %add3A_66 = vector.broadcast %add3A_64 : i32 to vector<16xi32>
      %add3A_67 = arith.addi %add3A_66, %iota3A_65 : vector<16xi32>
      %and3A_68 = arith.constant 2047 : i32
      %and3A_69 = vector.broadcast %and3A_68 : i32 to vector<16xi32>
      %and3A_70 = arith.andi %add3A_67, %and3A_69 : vector<16xi32>
      %add3A_71 = arith.constant 20000 : i32
      %add3A_72 = vector.broadcast %add3A_71 : i32 to vector<16xi32>
      %add3A_73 = arith.addi %add3A_72, %and3A_70 : vector<16xi32>
      %select_n3A_74 = arith.select %and3A_60, %sub3A_53, %add3A_73 : vector<16xi1>, vector<16xi32>
      %swap3A_75 = arith.constant 0 : i32
      %swap3A_76 = arith.index_cast %swap3A_75 : i32 to index
      %swap3A_77 = arith.constant 16 : index
      %swap3A_78 = tpu.vector_load %arg8[%swap3A_76, %swap3A_77] {strides = array<i32>} : memref<8x128xi32, #tpu.memory_space<vmem>>, vector<1x16xi32>,
      %swap3A_79 = vector.shape_cast %swap3A_78 : vector<1x16xi32> to vector<16xi32>
      %swap3A_80 = vector.shape_cast %select_n3A_74 : vector<16xi32> to vector<1x16xi32>
      tpu.vector_store %arg8[%swap3A_76, %swap3A_77], %swap3A_80 {strides = array<i32>} : memref<8x128xi32, #tpu.memory_space<vmem>>, vector<1x16xi32>,
      %get3A_81 = arith.constant 0 : i32
      %get3A_82 = arith.index_cast %get3A_81 : i32 to index
      %get3A_83 = arith.constant 32 : index
      %get3A_84 = tpu.vector_load %arg6[%get3A_82, %get3A_83] {strides = array<i32>} : memref<8x128xi32, #tpu.memory_space<vmem>>, vector<1x16xi32>,
      %get3A_85 = vector.shape_cast %get3A_84 : vector<1x16xi32> to vector<16xi32>
      %sub3A_86 = vector.broadcast %add3A : i32 to vector<16xi32>
      %sub3A_87 = arith.subi %get3A_85, %sub3A_86 : vector<16xi32>
      %ge3A_88 = arith.constant 0 : i32
      %ge3A_89 = vector.broadcast %ge3A_88 : i32 to vector<16xi32>
      %ge3A_90 = arith.cmpi sge, %sub3A_87, %ge3A_89 : vector<16xi32>
      %lt3A_91 = arith.constant 20000 : i32
      %lt3A_92 = vector.broadcast %lt3A_91 : i32 to vector<16xi32>
      %lt3A_93 = arith.cmpi slt, %sub3A_87, %lt3A_92 : vector<16xi32>
      %and3A_94 = arith.andi %ge3A_90, %lt3A_93 : vector<16xi1>
      %mul3A_95 = arith.constant 1024 : i32
      %mul3A_96 = arith.muli %arg1, %mul3A_95 : i32
      %add3A_97 = arith.constant 32 : i32
      %add3A_98 = arith.addi %mul3A_96, %add3A_97 : i32
      %iota3A_99 = tpu.iota {dimensions = array<i32: 0>} : vector<16xi32>
      %add3A_100 = vector.broadcast %add3A_98 : i32 to vector<16xi32>
      %add3A_101 = arith.addi %add3A_100, %iota3A_99 : vector<16xi32>
      %and3A_102 = arith.constant 2047 : i32
      %and3A_103 = vector.broadcast %and3A_102 : i32 to vector<16xi32>
      %and3A_104 = arith.andi %add3A_101, %and3A_103 : vector<16xi32>
      %add3A_105 = arith.constant 20000 : i32
      %add3A_106 = vector.broadcast %add3A_105 : i32 to vector<16xi32>
      %add3A_107 = arith.addi %add3A_106, %and3A_104 : vector<16xi32>
      %select_n3A_108 = arith.select %and3A_94, %sub3A_87, %add3A_107 : vector<16xi1>, vector<16xi32>
      %swap3A_109 = arith.constant 0 : i32
      %swap3A_110 = arith.index_cast %swap3A_109 : i32 to index
      %swap3A_111 = arith.constant 32 : index
      %swap3A_112 = tpu.vector_load %arg8[%swap3A_110, %swap3A_111] {strides = array<i32>} : memref<8x128xi32, #tpu.memory_space<vmem>>, vector<1x16xi32>,
      %swap3A_113 = vector.shape_cast %swap3A_112 : vector<1x16xi32> to vector<16xi32>
      %swap3A_114 = vector.shape_cast %select_n3A_108 : vector<16xi32> to vector<1x16xi32>
      tpu.vector_store %arg8[%swap3A_110, %swap3A_111], %swap3A_114 {strides = array<i32>} : memref<8x128xi32, #tpu.memory_space<vmem>>, vector<1x16xi32>,
      %get3A_115 = arith.constant 0 : i32
      %get3A_116 = arith.index_cast %get3A_115 : i32 to index
      %get3A_117 = arith.constant 48 : index
      %get3A_118 = tpu.vector_load %arg6[%get3A_116, %get3A_117] {strides = array<i32>} : memref<8x128xi32, #tpu.memory_space<vmem>>, vector<1x16xi32>,
      %get3A_119 = vector.shape_cast %get3A_118 : vector<1x16xi32> to vector<16xi32>
      %sub3A_120 = vector.broadcast %add3A : i32 to vector<16xi32>
      %sub3A_121 = arith.subi %get3A_119, %sub3A_120 : vector<16xi32>
      %ge3A_122 = arith.constant 0 : i32
      %ge3A_123 = vector.broadcast %ge3A_122 : i32 to vector<16xi32>
      %ge3A_124 = arith.cmpi sge, %sub3A_121, %ge3A_123 : vector<16xi32>
      %lt3A_125 = arith.constant 20000 : i32
      %lt3A_126 = vector.broadcast %lt3A_125 : i32 to vector<16xi32>
      %lt3A_127 = arith.cmpi slt, %sub3A_121, %lt3A_126 : vector<16xi32>
      %and3A_128 = arith.andi %ge3A_124, %lt3A_127 : vector<16xi1>
      %mul3A_129 = arith.constant 1024 : i32
      %mul3A_130 = arith.muli %arg1, %mul3A_129 : i32
      %add3A_131 = arith.constant 48 : i32
      %add3A_132 = arith.addi %mul3A_130, %add3A_131 : i32
      %iota3A_133 = tpu.iota {dimensions = array<i32: 0>} : vector<16xi32>
      %add3A_134 = vector.broadcast %add3A_132 : i32 to vector<16xi32>
      %add3A_135 = arith.addi %add3A_134, %iota3A_133 : vector<16xi32>
      %and3A_136 = arith.constant 2047 : i32
      %and3A_137 = vector.broadcast %and3A_136 : i32 to vector<16xi32>
      %and3A_138 = arith.andi %add3A_135, %and3A_137 : vector<16xi32>
      %add3A_139 = arith.constant 20000 : i32
      %add3A_140 = vector.broadcast %add3A_139 : i32 to vector<16xi32>
      %add3A_141 = arith.addi %add3A_140, %and3A_138 : vector<16xi32>
      %select_n3A_142 = arith.select %and3A_128, %sub3A_121, %add3A_141 : vector<16xi1>, vector<16xi32>
      %swap3A_143 = arith.constant 0 : i32
      %swap3A_144 = arith.index_cast %swap3A_143 : i32 to index
      %swap3A_145 = arith.constant 48 : index
      %swap3A_146 = tpu.vector_load %arg8[%swap3A_144, %swap3A_145] {strides = array<i32>} : memref<8x128xi32, #tpu.memory_space<vmem>>, vector<1x16xi32>,
      %swap3A_147 = vector.shape_cast %swap3A_146 : vector<1x16xi32> to vector<16xi32>
      %swap3A_148 = vector.shape_cast %select_n3A_142 : vector<16xi32> to vector<1x16xi32>
      tpu.vector_store %arg8[%swap3A_144, %swap3A_145], %swap3A_148 {strides = array<i32>} : memref<8x128xi32, #tpu.memory_space<vmem>>, vector<1x16xi32>,
      %get3A_149 = arith.constant 0 : i32
      %get3A_150 = arith.index_cast %get3A_149 : i32 to index
      %get3A_151 = arith.constant 64 : index
      %get3A_152 = tpu.vector_load %arg6[%get3A_150, %get3A_151] {strides = array<i32>} : memref<8x128xi32, #tpu.memory_space<vmem>>, vector<1x16xi32>,
      %get3A_153 = vector.shape_cast %get3A_152 : vector<1x16xi32> to vector<16xi32>
      %sub3A_154 = vector.broadcast %add3A : i32 to vector<16xi32>
      %sub3A_155 = arith.subi %get3A_153, %sub3A_154 : vector<16xi32>
      %ge3A_156 = arith.constant 0 : i32
      %ge3A_157 = vector.broadcast %ge3A_156 : i32 to vector<16xi32>
      %ge3A_158 = arith.cmpi sge, %sub3A_155, %ge3A_157 : vector<16xi32>
      %lt3A_159 = arith.constant 20000 : i32
      %lt3A_160 = vector.broadcast %lt3A_159 : i32 to vector<16xi32>
      %lt3A_161 = arith.cmpi slt, %sub3A_155, %lt3A_160 : vector<16xi32>
      %and3A_162 = arith.andi %ge3A_158, %lt3A_161 : vector<16xi1>
      %mul3A_163 = arith.constant 1024 : i32
      %mul3A_164 = arith.muli %arg1, %mul3A_163 : i32
      %add3A_165 = arith.constant 64 : i32
      %add3A_166 = arith.addi %mul3A_164, %add3A_165 : i32
      %iota3A_167 = tpu.iota {dimensions = array<i32: 0>} : vector<16xi32>
      %add3A_168 = vector.broadcast %add3A_166 : i32 to vector<16xi32>
      %add3A_169 = arith.addi %add3A_168, %iota3A_167 : vector<16xi32>
      %and3A_170 = arith.constant 2047 : i32
      %and3A_171 = vector.broadcast %and3A_170 : i32 to vector<16xi32>
      %and3A_172 = arith.andi %add3A_169, %and3A_171 : vector<16xi32>
      %add3A_173 = arith.constant 20000 : i32
      %add3A_174 = vector.broadcast %add3A_173 : i32 to vector<16xi32>
      %add3A_175 = arith.addi %add3A_174, %and3A_172 : vector<16xi32>
      %select_n3A_176 = arith.select %and3A_162, %sub3A_155, %add3A_175 : vector<16xi1>, vector<16xi32>
      %swap3A_177 = arith.constant 0 : i32
      %swap3A_178 = arith.index_cast %swap3A_177 : i32 to index
      %swap3A_179 = arith.constant 64 : index
      %swap3A_180 = tpu.vector_load %arg8[%swap3A_178, %swap3A_179] {strides = array<i32>} : memref<8x128xi32, #tpu.memory_space<vmem>>, vector<1x16xi32>,
      %swap3A_181 = vector.shape_cast %swap3A_180 : vector<1x16xi32> to vector<16xi32>
      %swap3A_182 = vector.shape_cast %select_n3A_176 : vector<16xi32> to vector<1x16xi32>
      tpu.vector_store %arg8[%swap3A_178, %swap3A_179], %swap3A_182 {strides = array<i32>} : memref<8x128xi32, #tpu.memory_space<vmem>>, vector<1x16xi32>,
      %get3A_183 = arith.constant 0 : i32
      %get3A_184 = arith.index_cast %get3A_183 : i32 to index
      %get3A_185 = arith.constant 80 : index
      %get3A_186 = tpu.vector_load %arg6[%get3A_184, %get3A_185] {strides = array<i32>} : memref<8x128xi32, #tpu.memory_space<vmem>>, vector<1x16xi32>,
      %get3A_187 = vector.shape_cast %get3A_186 : vector<1x16xi32> to vector<16xi32>
      %sub3A_188 = vector.broadcast %add3A : i32 to vector<16xi32>
      %sub3A_189 = arith.subi %get3A_187, %sub3A_188 : vector<16xi32>
      %ge3A_190 = arith.constant 0 : i32
      %ge3A_191 = vector.broadcast %ge3A_190 : i32 to vector<16xi32>
      %ge3A_192 = arith.cmpi sge, %sub3A_189, %ge3A_191 : vector<16xi32>
      %lt3A_193 = arith.constant 20000 : i32
      %lt3A_194 = vector.broadcast %lt3A_193 : i32 to vector<16xi32>
      %lt3A_195 = arith.cmpi slt, %sub3A_189, %lt3A_194 : vector<16xi32>
      %and3A_196 = arith.andi %ge3A_192, %lt3A_195 : vector<16xi1>
      %mul3A_197 = arith.constant 1024 : i32
      %mul3A_198 = arith.muli %arg1, %mul3A_197 : i32
      %add3A_199 = arith.constant 80 : i32
      %add3A_200 = arith.addi %mul3A_198, %add3A_199 : i32
      %iota3A_201 = tpu.iota {dimensions = array<i32: 0>} : vector<16xi32>
      %add3A_202 = vector.broadcast %add3A_200 : i32 to vector<16xi32>
      %add3A_203 = arith.addi %add3A_202, %iota3A_201 : vector<16xi32>
      %and3A_204 = arith.constant 2047 : i32
      %and3A_205 = vector.broadcast %and3A_204 : i32 to vector<16xi32>
      %and3A_206 = arith.andi %add3A_203, %and3A_205 : vector<16xi32>
      %add3A_207 = arith.constant 20000 : i32
      %add3A_208 = vector.broadcast %add3A_207 : i32 to vector<16xi32>
      %add3A_209 = arith.addi %add3A_208, %and3A_206 : vector<16xi32>
      %select_n3A_210 = arith.select %and3A_196, %sub3A_189, %add3A_209 : vector<16xi1>, vector<16xi32>
      %swap3A_211 = arith.constant 0 : i32
      %swap3A_212 = arith.index_cast %swap3A_211 : i32 to index
      %swap3A_213 = arith.constant 80 : index
      %swap3A_214 = tpu.vector_load %arg8[%swap3A_212, %swap3A_213] {strides = array<i32>} : memref<8x128xi32, #tpu.memory_space<vmem>>, vector<1x16xi32>,
      %swap3A_215 = vector.shape_cast %swap3A_214 : vector<1x16xi32> to vector<16xi32>
      %swap3A_216 = vector.shape_cast %select_n3A_210 : vector<16xi32> to vector<1x16xi32>
      tpu.vector_store %arg8[%swap3A_212, %swap3A_213], %swap3A_216 {strides = array<i32>} : memref<8x128xi32, #tpu.memory_space<vmem>>, vector<1x16xi32>,
      %get3A_217 = arith.constant 0 : i32
      %get3A_218 = arith.index_cast %get3A_217 : i32 to index
      %get3A_219 = arith.constant 96 : index
      %get3A_220 = tpu.vector_load %arg6[%get3A_218, %get3A_219] {strides = array<i32>} : memref<8x128xi32, #tpu.memory_space<vmem>>, vector<1x16xi32>,
      %get3A_221 = vector.shape_cast %get3A_220 : vector<1x16xi32> to vector<16xi32>
      %sub3A_222 = vector.broadcast %add3A : i32 to vector<16xi32>
      %sub3A_223 = arith.subi %get3A_221, %sub3A_222 : vector<16xi32>
      %ge3A_224 = arith.constant 0 : i32
      %ge3A_225 = vector.broadcast %ge3A_224 : i32 to vector<16xi32>
      %ge3A_226 = arith.cmpi sge, %sub3A_223, %ge3A_225 : vector<16xi32>
      %lt3A_227 = arith.constant 20000 : i32
      %lt3A_228 = vector.broadcast %lt3A_227 : i32 to vector<16xi32>
      %lt3A_229 = arith.cmpi slt, %sub3A_223, %lt3A_228 : vector<16xi32>
      %and3A_230 = arith.andi %ge3A_226, %lt3A_229 : vector<16xi1>
      %mul3A_231 = arith.constant 1024 : i32
      %mul3A_232 = arith.muli %arg1, %mul3A_231 : i32
      %add3A_233 = arith.constant 96 : i32
      %add3A_234 = arith.addi %mul3A_232, %add3A_233 : i32
      %iota3A_235 = tpu.iota {dimensions = array<i32: 0>} : vector<16xi32>
      %add3A_236 = vector.broadcast %add3A_234 : i32 to vector<16xi32>
      %add3A_237 = arith.addi %add3A_236, %iota3A_235 : vector<16xi32>
      %and3A_238 = arith.constant 2047 : i32
      %and3A_239 = vector.broadcast %and3A_238 : i32 to vector<16xi32>
      %and3A_240 = arith.andi %add3A_237, %and3A_239 : vector<16xi32>
      %add3A_241 = arith.constant 20000 : i32
      %add3A_242 = vector.broadcast %add3A_241 : i32 to vector<16xi32>
      %add3A_243 = arith.addi %add3A_242, %and3A_240 : vector<16xi32>
      %select_n3A_244 = arith.select %and3A_230, %sub3A_223, %add3A_243 : vector<16xi1>, vector<16xi32>
      %swap3A_245 = arith.constant 0 : i32
      %swap3A_246 = arith.index_cast %swap3A_245 : i32 to index
      %swap3A_247 = arith.constant 96 : index
      %swap3A_248 = tpu.vector_load %arg8[%swap3A_246, %swap3A_247] {strides = array<i32>} : memref<8x128xi32, #tpu.memory_space<vmem>>, vector<1x16xi32>,
      %swap3A_249 = vector.shape_cast %swap3A_248 : vector<1x16xi32> to vector<16xi32>
      %swap3A_250 = vector.shape_cast %select_n3A_244 : vector<16xi32> to vector<1x16xi32>
      tpu.vector_store %arg8[%swap3A_246, %swap3A_247], %swap3A_250 {strides = array<i32>} : memref<8x128xi32, #tpu.memory_space<vmem>>, vector<1x16xi32>,
      %get3A_251 = arith.constant 0 : i32
      %get3A_252 = arith.index_cast %get3A_251 : i32 to index
      %get3A_253 = arith.constant 112 : index
      %get3A_254 = tpu.vector_load %arg6[%get3A_252, %get3A_253] {strides = array<i32>} : memref<8x128xi32, #tpu.memory_space<vmem>>, vector<1x16xi32>,
      %get3A_255 = vector.shape_cast %get3A_254 : vector<1x16xi32> to vector<16xi32>
      %sub3A_256 = vector.broadcast %add3A : i32 to vector<16xi32>
      %sub3A_257 = arith.subi %get3A_255, %sub3A_256 : vector<16xi32>
      %ge3A_258 = arith.constant 0 : i32
      %ge3A_259 = vector.broadcast %ge3A_258 : i32 to vector<16xi32>
      %ge3A_260 = arith.cmpi sge, %sub3A_257, %ge3A_259 : vector<16xi32>
      %lt3A_261 = arith.constant 20000 : i32
      %lt3A_262 = vector.broadcast %lt3A_261 : i32 to vector<16xi32>
      %lt3A_263 = arith.cmpi slt, %sub3A_257, %lt3A_262 : vector<16xi32>
      %and3A_264 = arith.andi %ge3A_260, %lt3A_263 : vector<16xi1>
      %mul3A_265 = arith.constant 1024 : i32
      %mul3A_266 = arith.muli %arg1, %mul3A_265 : i32
      %add3A_267 = arith.constant 112 : i32
      %add3A_268 = arith.addi %mul3A_266, %add3A_267 : i32
      %iota3A_269 = tpu.iota {dimensions = array<i32: 0>} : vector<16xi32>
      %add3A_270 = vector.broadcast %add3A_268 : i32 to vector<16xi32>
      %add3A_271 = arith.addi %add3A_270, %iota3A_269 : vector<16xi32>
      %and3A_272 = arith.constant 2047 : i32
      %and3A_273 = vector.broadcast %and3A_272 : i32 to vector<16xi32>
      %and3A_274 = arith.andi %add3A_271, %and3A_273 : vector<16xi32>
      %add3A_275 = arith.constant 20000 : i32
      %add3A_276 = vector.broadcast %add3A_275 : i32 to vector<16xi32>
      %add3A_277 = arith.addi %add3A_276, %and3A_274 : vector<16xi32>
      %select_n3A_278 = arith.select %and3A_264, %sub3A_257, %add3A_277 : vector<16xi1>, vector<16xi32>
      %swap3A_279 = arith.constant 0 : i32
      %swap3A_280 = arith.index_cast %swap3A_279 : i32 to index
      %swap3A_281 = arith.constant 112 : index
      %swap3A_282 = tpu.vector_load %arg8[%swap3A_280, %swap3A_281] {strides = array<i32>} : memref<8x128xi32, #tpu.memory_space<vmem>>, vector<1x16xi32>,
      %swap3A_283 = vector.shape_cast %swap3A_282 : vector<1x16xi32> to vector<16xi32>
      %swap3A_284 = vector.shape_cast %select_n3A_278 : vector<16xi32> to vector<1x16xi32>
      tpu.vector_store %arg8[%swap3A_280, %swap3A_281], %swap3A_284 {strides = array<i32>} : memref<8x128xi32, #tpu.memory_space<vmem>>, vector<1x16xi32>,
      %get3A_285 = arith.constant 1 : i32
      %get3A_286 = arith.index_cast %get3A_285 : i32 to index
      %get3A_287 = arith.constant 0 : index
      %get3A_288 = tpu.vector_load %arg6[%get3A_286, %get3A_287] {strides = array<i32>} : memref<8x128xi32, #tpu.memory_space<vmem>>, vector<1x16xi32>,
      %get3A_289 = vector.shape_cast %get3A_288 : vector<1x16xi32> to vector<16xi32>
      %sub3A_290 = vector.broadcast %add3A : i32 to vector<16xi32>
      %sub3A_291 = arith.subi %get3A_289, %sub3A_290 : vector<16xi32>
      %ge3A_292 = arith.constant 0 : i32
      %ge3A_293 = vector.broadcast %ge3A_292 : i32 to vector<16xi32>
      %ge3A_294 = arith.cmpi sge, %sub3A_291, %ge3A_293 : vector<16xi32>
      %lt3A_295 = arith.constant 20000 : i32
      %lt3A_296 = vector.broadcast %lt3A_295 : i32 to vector<16xi32>
      %lt3A_297 = arith.cmpi slt, %sub3A_291, %lt3A_296 : vector<16xi32>
      %and3A_298 = arith.andi %ge3A_294, %lt3A_297 : vector<16xi1>
      %mul3A_299 = arith.constant 1024 : i32
      %mul3A_300 = arith.muli %arg1, %mul3A_299 : i32
      %add3A_301 = arith.constant 128 : i32
      %add3A_302 = arith.addi %mul3A_300, %add3A_301 : i32
      %iota3A_303 = tpu.iota {dimensions = array<i32: 0>} : vector<16xi32>
      %add3A_304 = vector.broadcast %add3A_302 : i32 to vector<16xi32>
      %add3A_305 = arith.addi %add3A_304, %iota3A_303 : vector<16xi32>
      %and3A_306 = arith.constant 2047 : i32
      %and3A_307 = vector.broadcast %and3A_306 : i32 to vector<16xi32>
      %and3A_308 = arith.andi %add3A_305, %and3A_307 : vector<16xi32>
      %add3A_309 = arith.constant 20000 : i32
      %add3A_310 = vector.broadcast %add3A_309 : i32 to vector<16xi32>
      %add3A_311 = arith.addi %add3A_310, %and3A_308 : vector<16xi32>
      %select_n3A_312 = arith.select %and3A_298, %sub3A_291, %add3A_311 : vector<16xi1>, vector<16xi32>
      %swap3A_313 = arith.constant 1 : i32
      %swap3A_314 = arith.index_cast %swap3A_313 : i32 to index
      %swap3A_315 = arith.constant 0 : index
      %swap3A_316 = tpu.vector_load %arg8[%swap3A_314, %swap3A_315] {strides = array<i32>} : memref<8x128xi32, #tpu.memory_space<vmem>>, vector<1x16xi32>,
      %swap3A_317 = vector.shape_cast %swap3A_316 : vector<1x16xi32> to vector<16xi32>
      %swap3A_318 = vector.shape_cast %select_n3A_312 : vector<16xi32> to vector<1x16xi32>
      tpu.vector_store %arg8[%swap3A_314, %swap3A_315], %swap3A_318 {strides = array<i32>} : memref<8x128xi32, #tpu.memory_space<vmem>>, vector<1x16xi32>,
      %get3A_319 = arith.constant 1 : i32
      %get3A_320 = arith.index_cast %get3A_319 : i32 to index
      %get3A_321 = arith.constant 16 : index
      %get3A_322 = tpu.vector_load %arg6[%get3A_320, %get3A_321] {strides = array<i32>} : memref<8x128xi32, #tpu.memory_space<vmem>>, vector<1x16xi32>,
      %get3A_323 = vector.shape_cast %get3A_322 : vector<1x16xi32> to vector<16xi32>
      %sub3A_324 = vector.broadcast %add3A : i32 to vector<16xi32>
      %sub3A_325 = arith.subi %get3A_323, %sub3A_324 : vector<16xi32>
      %ge3A_326 = arith.constant 0 : i32
      %ge3A_327 = vector.broadcast %ge3A_326 : i32 to vector<16xi32>
      %ge3A_328 = arith.cmpi sge, %sub3A_325, %ge3A_327 : vector<16xi32>
      %lt3A_329 = arith.constant 20000 : i32
      %lt3A_330 = vector.broadcast %lt3A_329 : i32 to vector<16xi32>
      %lt3A_331 = arith.cmpi slt, %sub3A_325, %lt3A_330 : vector<16xi32>
      %and3A_332 = arith.andi %ge3A_328, %lt3A_331 : vector<16xi1>
      %mul3A_333 = arith.constant 1024 : i32
      %mul3A_334 = arith.muli %arg1, %mul3A_333 : i32
      %add3A_335 = arith.constant 144 : i32
      %add3A_336 = arith.addi %mul3A_334, %add3A_335 : i32
      %iota3A_337 = tpu.iota {dimensions = array<i32: 0>} : vector<16xi32>
      %add3A_338 = vector.broadcast %add3A_336 : i32 to vector<16xi32>
      %add3A_339 = arith.addi %add3A_338, %iota3A_337 : vector<16xi32>
      %and3A_340 = arith.constant 2047 : i32
      %and3A_341 = vector.broadcast %and3A_340 : i32 to vector<16xi32>
      %and3A_342 = arith.andi %add3A_339, %and3A_341 : vector<16xi32>
      %add3A_343 = arith.constant 20000 : i32
      %add3A_344 = vector.broadcast %add3A_343 : i32 to vector<16xi32>
      %add3A_345 = arith.addi %add3A_344, %and3A_342 : vector<16xi32>
      %select_n3A_346 = arith.select %and3A_332, %sub3A_325, %add3A_345 : vector<16xi1>, vector<16xi32>
      %swap3A_347 = arith.constant 1 : i32
      %swap3A_348 = arith.index_cast %swap3A_347 : i32 to index
      %swap3A_349 = arith.constant 16 : index
      %swap3A_350 = tpu.vector_load %arg8[%swap3A_348, %swap3A_349] {strides = array<i32>} : memref<8x128xi32, #tpu.memory_space<vmem>>, vector<1x16xi32>,
      %swap3A_351 = vector.shape_cast %swap3A_350 : vector<1x16xi32> to vector<16xi32>
      %swap3A_352 = vector.shape_cast %select_n3A_346 : vector<16xi32> to vector<1x16xi32>
      tpu.vector_store %arg8[%swap3A_348, %swap3A_349], %swap3A_352 {strides = array<i32>} : memref<8x128xi32, #tpu.memory_space<vmem>>, vector<1x16xi32>,
      %get3A_353 = arith.constant 1 : i32
      %get3A_354 = arith.index_cast %get3A_353 : i32 to index
      %get3A_355 = arith.constant 32 : index
      %get3A_356 = tpu.vector_load %arg6[%get3A_354, %get3A_355] {strides = array<i32>} : memref<8x128xi32, #tpu.memory_space<vmem>>, vector<1x16xi32>,
      %get3A_357 = vector.shape_cast %get3A_356 : vector<1x16xi32> to vector<16xi32>
      %sub3A_358 = vector.broadcast %add3A : i32 to vector<16xi32>
      %sub3A_359 = arith.subi %get3A_357, %sub3A_358 : vector<16xi32>
      %ge3A_360 = arith.constant 0 : i32
      %ge3A_361 = vector.broadcast %ge3A_360 : i32 to vector<16xi32>
      %ge3A_362 = arith.cmpi sge, %sub3A_359, %ge3A_361 : vector<16xi32>
      %lt3A_363 = arith.constant 20000 : i32
      %lt3A_364 = vector.broadcast %lt3A_363 : i32 to vector<16xi32>
      %lt3A_365 = arith.cmpi slt, %sub3A_359, %lt3A_364 : vector<16xi32>
      %and3A_366 = arith.andi %ge3A_362, %lt3A_365 : vector<16xi1>
      %mul3A_367 = arith.constant 1024 : i32
      %mul3A_368 = arith.muli %arg1, %mul3A_367 : i32
      %add3A_369 = arith.constant 160 : i32
      %add3A_370 = arith.addi %mul3A_368, %add3A_369 : i32
      %iota3A_371 = tpu.iota {dimensions = array<i32: 0>} : vector<16xi32>
      %add3A_372 = vector.broadcast %add3A_370 : i32 to vector<16xi32>
      %add3A_373 = arith.addi %add3A_372, %iota3A_371 : vector<16xi32>
      %and3A_374 = arith.constant 2047 : i32
      %and3A_375 = vector.broadcast %and3A_374 : i32 to vector<16xi32>
      %and3A_376 = arith.andi %add3A_373, %and3A_375 : vector<16xi32>
      %add3A_377 = arith.constant 20000 : i32
      %add3A_378 = vector.broadcast %add3A_377 : i32 to vector<16xi32>
      %add3A_379 = arith.addi %add3A_378, %and3A_376 : vector<16xi32>
      %select_n3A_380 = arith.select %and3A_366, %sub3A_359, %add3A_379 : vector<16xi1>, vector<16xi32>
      %swap3A_381 = arith.constant 1 : i32
      %swap3A_382 = arith.index_cast %swap3A_381 : i32 to index
      %swap3A_383 = arith.constant 32 : index
      %swap3A_384 = tpu.vector_load %arg8[%swap3A_382, %swap3A_383] {strides = array<i32>} : memref<8x128xi32, #tpu.memory_space<vmem>>, vector<1x16xi32>,
      %swap3A_385 = vector.shape_cast %swap3A_384 : vector<1x16xi32> to vector<16xi32>
      %swap3A_386 = vector.shape_cast %select_n3A_380 : vector<16xi32> to vector<1x16xi32>
      tpu.vector_store %arg8[%swap3A_382, %swap3A_383], %swap3A_386 {strides = array<i32>} : memref<8x128xi32, #tpu.memory_space<vmem>>, vector<1x16xi32>,
      %get3A_387 = arith.constant 1 : i32
      %get3A_388 = arith.index_cast %get3A_387 : i32 to index
      %get3A_389 = arith.constant 48 : index
      %get3A_390 = tpu.vector_load %arg6[%get3A_388, %get3A_389] {strides = array<i32>} : memref<8x128xi32, #tpu.memory_space<vmem>>, vector<1x16xi32>,
      %get3A_391 = vector.shape_cast %get3A_390 : vector<1x16xi32> to vector<16xi32>
      %sub3A_392 = vector.broadcast %add3A : i32 to vector<16xi32>
      %sub3A_393 = arith.subi %get3A_391, %sub3A_392 : vector<16xi32>
      %ge3A_394 = arith.constant 0 : i32
      %ge3A_395 = vector.broadcast %ge3A_394 : i32 to vector<16xi32>
      %ge3A_396 = arith.cmpi sge, %sub3A_393, %ge3A_395 : vector<16xi32>
      %lt3A_397 = arith.constant 20000 : i32
      %lt3A_398 = vector.broadcast %lt3A_397 : i32 to vector<16xi32>
      %lt3A_399 = arith.cmpi slt, %sub3A_393, %lt3A_398 : vector<16xi32>
      %and3A_400 = arith.andi %ge3A_396, %lt3A_399 : vector<16xi1>
      %mul3A_401 = arith.constant 1024 : i32
      %mul3A_402 = arith.muli %arg1, %mul3A_401 : i32
      %add3A_403 = arith.constant 176 : i32
      %add3A_404 = arith.addi %mul3A_402, %add3A_403 : i32
      %iota3A_405 = tpu.iota {dimensions = array<i32: 0>} : vector<16xi32>
      %add3A_406 = vector.broadcast %add3A_404 : i32 to vector<16xi32>
      %add3A_407 = arith.addi %add3A_406, %iota3A_405 : vector<16xi32>
      %and3A_408 = arith.constant 2047 : i32
      %and3A_409 = vector.broadcast %and3A_408 : i32 to vector<16xi32>
      %and3A_410 = arith.andi %add3A_407, %and3A_409 : vector<16xi32>
      %add3A_411 = arith.constant 20000 : i32
      %add3A_412 = vector.broadcast %add3A_411 : i32 to vector<16xi32>
      %add3A_413 = arith.addi %add3A_412, %and3A_410 : vector<16xi32>
      %select_n3A_414 = arith.select %and3A_400, %sub3A_393, %add3A_413 : vector<16xi1>, vector<16xi32>
      %swap3A_415 = arith.constant 1 : i32
      %swap3A_416 = arith.index_cast %swap3A_415 : i32 to index
      %swap3A_417 = arith.constant 48 : index
      %swap3A_418 = tpu.vector_load %arg8[%swap3A_416, %swap3A_417] {strides = array<i32>} : memref<8x128xi32, #tpu.memory_space<vmem>>, vector<1x16xi32>,
      %swap3A_419 = vector.shape_cast %swap3A_418 : vector<1x16xi32> to vector<16xi32>
      %swap3A_420 = vector.shape_cast %select_n3A_414 : vector<16xi32> to vector<1x16xi32>
      tpu.vector_store %arg8[%swap3A_416, %swap3A_417], %swap3A_420 {strides = array<i32>} : memref<8x128xi32, #tpu.memory_space<vmem>>, vector<1x16xi32>,
      %get3A_421 = arith.constant 1 : i32
      %get3A_422 = arith.index_cast %get3A_421 : i32 to index
      %get3A_423 = arith.constant 64 : index
      %get3A_424 = tpu.vector_load %arg6[%get3A_422, %get3A_423] {strides = array<i32>} : memref<8x128xi32, #tpu.memory_space<vmem>>, vector<1x16xi32>,
      %get3A_425 = vector.shape_cast %get3A_424 : vector<1x16xi32> to vector<16xi32>
      %sub3A_426 = vector.broadcast %add3A : i32 to vector<16xi32>
      %sub3A_427 = arith.subi %get3A_425, %sub3A_426 : vector<16xi32>
      %ge3A_428 = arith.constant 0 : i32
      %ge3A_429 = vector.broadcast %ge3A_428 : i32 to vector<16xi32>
      %ge3A_430 = arith.cmpi sge, %sub3A_427, %ge3A_429 : vector<16xi32>
      %lt3A_431 = arith.constant 20000 : i32
      %lt3A_432 = vector.broadcast %lt3A_431 : i32 to vector<16xi32>
      %lt3A_433 = arith.cmpi slt, %sub3A_427, %lt3A_432 : vector<16xi32>
      %and3A_434 = arith.andi %ge3A_430, %lt3A_433 : vector<16xi1>
      %mul3A_435 = arith.constant 1024 : i32
      %mul3A_436 = arith.muli %arg1, %mul3A_435 : i32
      %add3A_437 = arith.constant 192 : i32
      %add3A_438 = arith.addi %mul3A_436, %add3A_437 : i32
      %iota3A_439 = tpu.iota {dimensions = array<i32: 0>} : vector<16xi32>
      %add3A_440 = vector.broadcast %add3A_438 : i32 to vector<16xi32>
      %add3A_441 = arith.addi %add3A_440, %iota3A_439 : vector<16xi32>
      %and3A_442 = arith.constant 2047 : i32
      %and3A_443 = vector.broadcast %and3A_442 : i32 to vector<16xi32>
      %and3A_444 = arith.andi %add3A_441, %and3A_443 : vector<16xi32>
      %add3A_445 = arith.constant 20000 : i32
      %add3A_446 = vector.broadcast %add3A_445 : i32 to vector<16xi32>
      %add3A_447 = arith.addi %add3A_446, %and3A_444 : vector<16xi32>
      %select_n3A_448 = arith.select %and3A_434, %sub3A_427, %add3A_447 : vector<16xi1>, vector<16xi32>
      %swap3A_449 = arith.constant 1 : i32
      %swap3A_450 = arith.index_cast %swap3A_449 : i32 to index
      %swap3A_451 = arith.constant 64 : index
      %swap3A_452 = tpu.vector_load %arg8[%swap3A_450, %swap3A_451] {strides = array<i32>} : memref<8x128xi32, #tpu.memory_space<vmem>>, vector<1x16xi32>,
      %swap3A_453 = vector.shape_cast %swap3A_452 : vector<1x16xi32> to vector<16xi32>
      %swap3A_454 = vector.shape_cast %select_n3A_448 : vector<16xi32> to vector<1x16xi32>
      tpu.vector_store %arg8[%swap3A_450, %swap3A_451], %swap3A_454 {strides = array<i32>} : memref<8x128xi32, #tpu.memory_space<vmem>>, vector<1x16xi32>,
      %get3A_455 = arith.constant 1 : i32
      %get3A_456 = arith.index_cast %get3A_455 : i32 to index
      %get3A_457 = arith.constant 80 : index
      %get3A_458 = tpu.vector_load %arg6[%get3A_456, %get3A_457] {strides = array<i32>} : memref<8x128xi32, #tpu.memory_space<vmem>>, vector<1x16xi32>,
      %get3A_459 = vector.shape_cast %get3A_458 : vector<1x16xi32> to vector<16xi32>
      %sub3A_460 = vector.broadcast %add3A : i32 to vector<16xi32>
      %sub3A_461 = arith.subi %get3A_459, %sub3A_460 : vector<16xi32>
      %ge3A_462 = arith.constant 0 : i32
      %ge3A_463 = vector.broadcast %ge3A_462 : i32 to vector<16xi32>
      %ge3A_464 = arith.cmpi sge, %sub3A_461, %ge3A_463 : vector<16xi32>
      %lt3A_465 = arith.constant 20000 : i32
      %lt3A_466 = vector.broadcast %lt3A_465 : i32 to vector<16xi32>
      %lt3A_467 = arith.cmpi slt, %sub3A_461, %lt3A_466 : vector<16xi32>
      %and3A_468 = arith.andi %ge3A_464, %lt3A_467 : vector<16xi1>
      %mul3A_469 = arith.constant 1024 : i32
      %mul3A_470 = arith.muli %arg1, %mul3A_469 : i32
      %add3A_471 = arith.constant 208 : i32
      %add3A_472 = arith.addi %mul3A_470, %add3A_471 : i32
      %iota3A_473 = tpu.iota {dimensions = array<i32: 0>} : vector<16xi32>
      %add3A_474 = vector.broadcast %add3A_472 : i32 to vector<16xi32>
      %add3A_475 = arith.addi %add3A_474, %iota3A_473 : vector<16xi32>
      %and3A_476 = arith.constant 2047 : i32
      %and3A_477 = vector.broadcast %and3A_476 : i32 to vector<16xi32>
      %and3A_478 = arith.andi %add3A_475, %and3A_477 : vector<16xi32>
      %add3A_479 = arith.constant 20000 : i32
      %add3A_480 = vector.broadcast %add3A_479 : i32 to vector<16xi32>
      %add3A_481 = arith.addi %add3A_480, %and3A_478 : vector<16xi32>
      %select_n3A_482 = arith.select %and3A_468, %sub3A_461, %add3A_481 : vector<16xi1>, vector<16xi32>
      %swap3A_483 = arith.constant 1 : i32
      %swap3A_484 = arith.index_cast %swap3A_483 : i32 to index
      %swap3A_485 = arith.constant 80 : index
      %swap3A_486 = tpu.vector_load %arg8[%swap3A_484, %swap3A_485] {strides = array<i32>} : memref<8x128xi32, #tpu.memory_space<vmem>>, vector<1x16xi32>,
      %swap3A_487 = vector.shape_cast %swap3A_486 : vector<1x16xi32> to vector<16xi32>
      %swap3A_488 = vector.shape_cast %select_n3A_482 : vector<16xi32> to vector<1x16xi32>
      tpu.vector_store %arg8[%swap3A_484, %swap3A_485], %swap3A_488 {strides = array<i32>} : memref<8x128xi32, #tpu.memory_space<vmem>>, vector<1x16xi32>,
      %get3A_489 = arith.constant 1 : i32
      %get3A_490 = arith.index_cast %get3A_489 : i32 to index
      %get3A_491 = arith.constant 96 : index
      %get3A_492 = tpu.vector_load %arg6[%get3A_490, %get3A_491] {strides = array<i32>} : memref<8x128xi32, #tpu.memory_space<vmem>>, vector<1x16xi32>,
      %get3A_493 = vector.shape_cast %get3A_492 : vector<1x16xi32> to vector<16xi32>
      %sub3A_494 = vector.broadcast %add3A : i32 to vector<16xi32>
      %sub3A_495 = arith.subi %get3A_493, %sub3A_494 : vector<16xi32>
      %ge3A_496 = arith.constant 0 : i32
      %ge3A_497 = vector.broadcast %ge3A_496 : i32 to vector<16xi32>
      %ge3A_498 = arith.cmpi sge, %sub3A_495, %ge3A_497 : vector<16xi32>
      %lt3A_499 = arith.constant 20000 : i32
      %lt3A_500 = vector.broadcast %lt3A_499 : i32 to vector<16xi32>
      %lt3A_501 = arith.cmpi slt, %sub3A_495, %lt3A_500 : vector<16xi32>
      %and3A_502 = arith.andi %ge3A_498, %lt3A_501 : vector<16xi1>
      %mul3A_503 = arith.constant 1024 : i32
      %mul3A_504 = arith.muli %arg1, %mul3A_503 : i32
      %add3A_505 = arith.constant 224 : i32
      %add3A_506 = arith.addi %mul3A_504, %add3A_505 : i32
      %iota3A_507 = tpu.iota {dimensions = array<i32: 0>} : vector<16xi32>
      %add3A_508 = vector.broadcast %add3A_506 : i32 to vector<16xi32>
      %add3A_509 = arith.addi %add3A_508, %iota3A_507 : vector<16xi32>
      %and3A_510 = arith.constant 2047 : i32
      %and3A_511 = vector.broadcast %and3A_510 : i32 to vector<16xi32>
      %and3A_512 = arith.andi %add3A_509, %and3A_511 : vector<16xi32>
      %add3A_513 = arith.constant 20000 : i32
      %add3A_514 = vector.broadcast %add3A_513 : i32 to vector<16xi32>
      %add3A_515 = arith.addi %add3A_514, %and3A_512 : vector<16xi32>
      %select_n3A_516 = arith.select %and3A_502, %sub3A_495, %add3A_515 : vector<16xi1>, vector<16xi32>
      %swap3A_517 = arith.constant 1 : i32
      %swap3A_518 = arith.index_cast %swap3A_517 : i32 to index
      %swap3A_519 = arith.constant 96 : index
      %swap3A_520 = tpu.vector_load %arg8[%swap3A_518, %swap3A_519] {strides = array<i32>} : memref<8x128xi32, #tpu.memory_space<vmem>>, vector<1x16xi32>,
      %swap3A_521 = vector.shape_cast %swap3A_520 : vector<1x16xi32> to vector<16xi32>
      %swap3A_522 = vector.shape_cast %select_n3A_516 : vector<16xi32> to vector<1x16xi32>
      tpu.vector_store %arg8[%swap3A_518, %swap3A_519], %swap3A_522 {strides = array<i32>} : memref<8x128xi32, #tpu.memory_space<vmem>>, vector<1x16xi32>,
      %get3A_523 = arith.constant 1 : i32
      %get3A_524 = arith.index_cast %get3A_523 : i32 to index
      %get3A_525 = arith.constant 112 : index
      %get3A_526 = tpu.vector_load %arg6[%get3A_524, %get3A_525] {strides = array<i32>} : memref<8x128xi32, #tpu.memory_space<vmem>>, vector<1x16xi32>,
      %get3A_527 = vector.shape_cast %get3A_526 : vector<1x16xi32> to vector<16xi32>
      %sub3A_528 = vector.broadcast %add3A : i32 to vector<16xi32>
      %sub3A_529 = arith.subi %get3A_527, %sub3A_528 : vector<16xi32>
      %ge3A_530 = arith.constant 0 : i32
      %ge3A_531 = vector.broadcast %ge3A_530 : i32 to vector<16xi32>
      %ge3A_532 = arith.cmpi sge, %sub3A_529, %ge3A_531 : vector<16xi32>
      %lt3A_533 = arith.constant 20000 : i32
      %lt3A_534 = vector.broadcast %lt3A_533 : i32 to vector<16xi32>
      %lt3A_535 = arith.cmpi slt, %sub3A_529, %lt3A_534 : vector<16xi32>
      %and3A_536 = arith.andi %ge3A_532, %lt3A_535 : vector<16xi1>
      %mul3A_537 = arith.constant 1024 : i32
      %mul3A_538 = arith.muli %arg1, %mul3A_537 : i32
      %add3A_539 = arith.constant 240 : i32
      %add3A_540 = arith.addi %mul3A_538, %add3A_539 : i32
      %iota3A_541 = tpu.iota {dimensions = array<i32: 0>} : vector<16xi32>
      %add3A_542 = vector.broadcast %add3A_540 : i32 to vector<16xi32>
      %add3A_543 = arith.addi %add3A_542, %iota3A_541 : vector<16xi32>
      %and3A_544 = arith.constant 2047 : i32
      %and3A_545 = vector.broadcast %and3A_544 : i32 to vector<16xi32>
      %and3A_546 = arith.andi %add3A_543, %and3A_545 : vector<16xi32>
      %add3A_547 = arith.constant 20000 : i32
      %add3A_548 = vector.broadcast %add3A_547 : i32 to vector<16xi32>
      %add3A_549 = arith.addi %add3A_548, %and3A_546 : vector<16xi32>
      %select_n3A_550 = arith.select %and3A_536, %sub3A_529, %add3A_549 : vector<16xi1>, vector<16xi32>
      %swap3A_551 = arith.constant 1 : i32
      %swap3A_552 = arith.index_cast %swap3A_551 : i32 to index
      %swap3A_553 = arith.constant 112 : index
      %swap3A_554 = tpu.vector_load %arg8[%swap3A_552, %swap3A_553] {strides = array<i32>} : memref<8x128xi32, #tpu.memory_space<vmem>>, vector<1x16xi32>,
      %swap3A_555 = vector.shape_cast %swap3A_554 : vector<1x16xi32> to vector<16xi32>
      %swap3A_556 = vector.shape_cast %select_n3A_550 : vector<16xi32> to vector<1x16xi32>
      tpu.vector_store %arg8[%swap3A_552, %swap3A_553], %swap3A_556 {strides = array<i32>} : memref<8x128xi32, #tpu.memory_space<vmem>>, vector<1x16xi32>,
      %get3A_557 = arith.constant 2 : i32
      %get3A_558 = arith.index_cast %get3A_557 : i32 to index
      %get3A_559 = arith.constant 0 : index
      %get3A_560 = tpu.vector_load %arg6[%get3A_558, %get3A_559] {strides = array<i32>} : memref<8x128xi32, #tpu.memory_space<vmem>>, vector<1x16xi32>,
      %get3A_561 = vector.shape_cast %get3A_560 : vector<1x16xi32> to vector<16xi32>
      %sub3A_562 = vector.broadcast %add3A : i32 to vector<16xi32>
      %sub3A_563 = arith.subi %get3A_561, %sub3A_562 : vector<16xi32>
      %ge3A_564 = arith.constant 0 : i32
      %ge3A_565 = vector.broadcast %ge3A_564 : i32 to vector<16xi32>
      %ge3A_566 = arith.cmpi sge, %sub3A_563, %ge3A_565 : vector<16xi32>
      %lt3A_567 = arith.constant 20000 : i32
      %lt3A_568 = vector.broadcast %lt3A_567 : i32 to vector<16xi32>
      %lt3A_569 = arith.cmpi slt, %sub3A_563, %lt3A_568 : vector<16xi32>
      %and3A_570 = arith.andi %ge3A_566, %lt3A_569 : vector<16xi1>
      %mul3A_571 = arith.constant 1024 : i32
      %mul3A_572 = arith.muli %arg1, %mul3A_571 : i32
      %add3A_573 = arith.constant 256 : i32
      %add3A_574 = arith.addi %mul3A_572, %add3A_573 : i32
      %iota3A_575 = tpu.iota {dimensions = array<i32: 0>} : vector<16xi32>
      %add3A_576 = vector.broadcast %add3A_574 : i32 to vector<16xi32>
      %add3A_577 = arith.addi %add3A_576, %iota3A_575 : vector<16xi32>
      %and3A_578 = arith.constant 2047 : i32
      %and3A_579 = vector.broadcast %and3A_578 : i32 to vector<16xi32>
      %and3A_580 = arith.andi %add3A_577, %and3A_579 : vector<16xi32>
      %add3A_581 = arith.constant 20000 : i32
      %add3A_582 = vector.broadcast %add3A_581 : i32 to vector<16xi32>
      %add3A_583 = arith.addi %add3A_582, %and3A_580 : vector<16xi32>
      %select_n3A_584 = arith.select %and3A_570, %sub3A_563, %add3A_583 : vector<16xi1>, vector<16xi32>
      %swap3A_585 = arith.constant 2 : i32
      %swap3A_586 = arith.index_cast %swap3A_585 : i32 to index
      %swap3A_587 = arith.constant 0 : index
      %swap3A_588 = tpu.vector_load %arg8[%swap3A_586, %swap3A_587] {strides = array<i32>} : memref<8x128xi32, #tpu.memory_space<vmem>>, vector<1x16xi32>,
      %swap3A_589 = vector.shape_cast %swap3A_588 : vector<1x16xi32> to vector<16xi32>
      %swap3A_590 = vector.shape_cast %select_n3A_584 : vector<16xi32> to vector<1x16xi32>
      tpu.vector_store %arg8[%swap3A_586, %swap3A_587], %swap3A_590 {strides = array<i32>} : memref<8x128xi32, #tpu.memory_space<vmem>>, vector<1x16xi32>,
      %get3A_591 = arith.constant 2 : i32
      %get3A_592 = arith.index_cast %get3A_591 : i32 to index
      %get3A_593 = arith.constant 16 : index
      %get3A_594 = tpu.vector_load %arg6[%get3A_592, %get3A_593] {strides = array<i32>} : memref<8x128xi32, #tpu.memory_space<vmem>>, vector<1x16xi32>,
      %get3A_595 = vector.shape_cast %get3A_594 : vector<1x16xi32> to vector<16xi32>
      %sub3A_596 = vector.broadcast %add3A : i32 to vector<16xi32>
      %sub3A_597 = arith.subi %get3A_595, %sub3A_596 : vector<16xi32>
      %ge3A_598 = arith.constant 0 : i32
      %ge3A_599 = vector.broadcast %ge3A_598 : i32 to vector<16xi32>
      %ge3A_600 = arith.cmpi sge, %sub3A_597, %ge3A_599 : vector<16xi32>
      %lt3A_601 = arith.constant 20000 : i32
      %lt3A_602 = vector.broadcast %lt3A_601 : i32 to vector<16xi32>
      %lt3A_603 = arith.cmpi slt, %sub3A_597, %lt3A_602 : vector<16xi32>
      %and3A_604 = arith.andi %ge3A_600, %lt3A_603 : vector<16xi1>
      %mul3A_605 = arith.constant 1024 : i32
      %mul3A_606 = arith.muli %arg1, %mul3A_605 : i32
      %add3A_607 = arith.constant 272 : i32
      %add3A_608 = arith.addi %mul3A_606, %add3A_607 : i32
      %iota3A_609 = tpu.iota {dimensions = array<i32: 0>} : vector<16xi32>
      %add3A_610 = vector.broadcast %add3A_608 : i32 to vector<16xi32>
      %add3A_611 = arith.addi %add3A_610, %iota3A_609 : vector<16xi32>
      %and3A_612 = arith.constant 2047 : i32
      %and3A_613 = vector.broadcast %and3A_612 : i32 to vector<16xi32>
      %and3A_614 = arith.andi %add3A_611, %and3A_613 : vector<16xi32>
      %add3A_615 = arith.constant 20000 : i32
      %add3A_616 = vector.broadcast %add3A_615 : i32 to vector<16xi32>
      %add3A_617 = arith.addi %add3A_616, %and3A_614 : vector<16xi32>
      %select_n3A_618 = arith.select %and3A_604, %sub3A_597, %add3A_617 : vector<16xi1>, vector<16xi32>
      %swap3A_619 = arith.constant 2 : i32
      %swap3A_620 = arith.index_cast %swap3A_619 : i32 to index
      %swap3A_621 = arith.constant 16 : index
      %swap3A_622 = tpu.vector_load %arg8[%swap3A_620, %swap3A_621] {strides = array<i32>} : memref<8x128xi32, #tpu.memory_space<vmem>>, vector<1x16xi32>,
      %swap3A_623 = vector.shape_cast %swap3A_622 : vector<1x16xi32> to vector<16xi32>
      %swap3A_624 = vector.shape_cast %select_n3A_618 : vector<16xi32> to vector<1x16xi32>
      tpu.vector_store %arg8[%swap3A_620, %swap3A_621], %swap3A_624 {strides = array<i32>} : memref<8x128xi32, #tpu.memory_space<vmem>>, vector<1x16xi32>,
      %get3A_625 = arith.constant 2 : i32
      %get3A_626 = arith.index_cast %get3A_625 : i32 to index
      %get3A_627 = arith.constant 32 : index
      %get3A_628 = tpu.vector_load %arg6[%get3A_626, %get3A_627] {strides = array<i32>} : memref<8x128xi32, #tpu.memory_space<vmem>>, vector<1x16xi32>,
      %get3A_629 = vector.shape_cast %get3A_628 : vector<1x16xi32> to vector<16xi32>
      %sub3A_630 = vector.broadcast %add3A : i32 to vector<16xi32>
      %sub3A_631 = arith.subi %get3A_629, %sub3A_630 : vector<16xi32>
      %ge3A_632 = arith.constant 0 : i32
      %ge3A_633 = vector.broadcast %ge3A_632 : i32 to vector<16xi32>
      %ge3A_634 = arith.cmpi sge, %sub3A_631, %ge3A_633 : vector<16xi32>
      %lt3A_635 = arith.constant 20000 : i32
      %lt3A_636 = vector.broadcast %lt3A_635 : i32 to vector<16xi32>
      %lt3A_637 = arith.cmpi slt, %sub3A_631, %lt3A_636 : vector<16xi32>
      %and3A_638 = arith.andi %ge3A_634, %lt3A_637 : vector<16xi1>
      %mul3A_639 = arith.constant 1024 : i32
      %mul3A_640 = arith.muli %arg1, %mul3A_639 : i32
      %add3A_641 = arith.constant 288 : i32
      %add3A_642 = arith.addi %mul3A_640, %add3A_641 : i32
      %iota3A_643 = tpu.iota {dimensions = array<i32: 0>} : vector<16xi32>
      %add3A_644 = vector.broadcast %add3A_642 : i32 to vector<16xi32>
      %add3A_645 = arith.addi %add3A_644, %iota3A_643 : vector<16xi32>
      %and3A_646 = arith.constant 2047 : i32
      %and3A_647 = vector.broadcast %and3A_646 : i32 to vector<16xi32>
      %and3A_648 = arith.andi %add3A_645, %and3A_647 : vector<16xi32>
      %add3A_649 = arith.constant 20000 : i32
      %add3A_650 = vector.broadcast %add3A_649 : i32 to vector<16xi32>
      %add3A_651 = arith.addi %add3A_650, %and3A_648 : vector<16xi32>
      %select_n3A_652 = arith.select %and3A_638, %sub3A_631, %add3A_651 : vector<16xi1>, vector<16xi32>
      %swap3A_653 = arith.constant 2 : i32
      %swap3A_654 = arith.index_cast %swap3A_653 : i32 to index
      %swap3A_655 = arith.constant 32 : index
      %swap3A_656 = tpu.vector_load %arg8[%swap3A_654, %swap3A_655] {strides = array<i32>} : memref<8x128xi32, #tpu.memory_space<vmem>>, vector<1x16xi32>,
      %swap3A_657 = vector.shape_cast %swap3A_656 : vector<1x16xi32> to vector<16xi32>
      %swap3A_658 = vector.shape_cast %select_n3A_652 : vector<16xi32> to vector<1x16xi32>
      tpu.vector_store %arg8[%swap3A_654, %swap3A_655], %swap3A_658 {strides = array<i32>} : memref<8x128xi32, #tpu.memory_space<vmem>>, vector<1x16xi32>,
      %get3A_659 = arith.constant 2 : i32
      %get3A_660 = arith.index_cast %get3A_659 : i32 to index
      %get3A_661 = arith.constant 48 : index
      %get3A_662 = tpu.vector_load %arg6[%get3A_660, %get3A_661] {strides = array<i32>} : memref<8x128xi32, #tpu.memory_space<vmem>>, vector<1x16xi32>,
      %get3A_663 = vector.shape_cast %get3A_662 : vector<1x16xi32> to vector<16xi32>
      %sub3A_664 = vector.broadcast %add3A : i32 to vector<16xi32>
      %sub3A_665 = arith.subi %get3A_663, %sub3A_664 : vector<16xi32>
      %ge3A_666 = arith.constant 0 : i32
      %ge3A_667 = vector.broadcast %ge3A_666 : i32 to vector<16xi32>
      %ge3A_668 = arith.cmpi sge, %sub3A_665, %ge3A_667 : vector<16xi32>
      %lt3A_669 = arith.constant 20000 : i32
      %lt3A_670 = vector.broadcast %lt3A_669 : i32 to vector<16xi32>
      %lt3A_671 = arith.cmpi slt, %sub3A_665, %lt3A_670 : vector<16xi32>
      %and3A_672 = arith.andi %ge3A_668, %lt3A_671 : vector<16xi1>
      %mul3A_673 = arith.constant 1024 : i32
      %mul3A_674 = arith.muli %arg1, %mul3A_673 : i32
      %add3A_675 = arith.constant 304 : i32
      %add3A_676 = arith.addi %mul3A_674, %add3A_675 : i32
      %iota3A_677 = tpu.iota {dimensions = array<i32: 0>} : vector<16xi32>
      %add3A_678 = vector.broadcast %add3A_676 : i32 to vector<16xi32>
      %add3A_679 = arith.addi %add3A_678, %iota3A_677 : vector<16xi32>
      %and3A_680 = arith.constant 2047 : i32
      %and3A_681 = vector.broadcast %and3A_680 : i32 to vector<16xi32>
      %and3A_682 = arith.andi %add3A_679, %and3A_681 : vector<16xi32>
      %add3A_683 = arith.constant 20000 : i32
      %add3A_684 = vector.broadcast %add3A_683 : i32 to vector<16xi32>
      %add3A_685 = arith.addi %add3A_684, %and3A_682 : vector<16xi32>
      %select_n3A_686 = arith.select %and3A_672, %sub3A_665, %add3A_685 : vector<16xi1>, vector<16xi32>
      %swap3A_687 = arith.constant 2 : i32
      %swap3A_688 = arith.index_cast %swap3A_687 : i32 to index
      %swap3A_689 = arith.constant 48 : index
      %swap3A_690 = tpu.vector_load %arg8[%swap3A_688, %swap3A_689] {strides = array<i32>} : memref<8x128xi32, #tpu.memory_space<vmem>>, vector<1x16xi32>,
      %swap3A_691 = vector.shape_cast %swap3A_690 : vector<1x16xi32> to vector<16xi32>
      %swap3A_692 = vector.shape_cast %select_n3A_686 : vector<16xi32> to vector<1x16xi32>
      tpu.vector_store %arg8[%swap3A_688, %swap3A_689], %swap3A_692 {strides = array<i32>} : memref<8x128xi32, #tpu.memory_space<vmem>>, vector<1x16xi32>,
      %get3A_693 = arith.constant 2 : i32
      %get3A_694 = arith.index_cast %get3A_693 : i32 to index
      %get3A_695 = arith.constant 64 : index
      %get3A_696 = tpu.vector_load %arg6[%get3A_694, %get3A_695] {strides = array<i32>} : memref<8x128xi32, #tpu.memory_space<vmem>>, vector<1x16xi32>,
      %get3A_697 = vector.shape_cast %get3A_696 : vector<1x16xi32> to vector<16xi32>
      %sub3A_698 = vector.broadcast %add3A : i32 to vector<16xi32>
      %sub3A_699 = arith.subi %get3A_697, %sub3A_698 : vector<16xi32>
      %ge3A_700 = arith.constant 0 : i32
      %ge3A_701 = vector.broadcast %ge3A_700 : i32 to vector<16xi32>
      %ge3A_702 = arith.cmpi sge, %sub3A_699, %ge3A_701 : vector<16xi32>
      %lt3A_703 = arith.constant 20000 : i32
      %lt3A_704 = vector.broadcast %lt3A_703 : i32 to vector<16xi32>
      %lt3A_705 = arith.cmpi slt, %sub3A_699, %lt3A_704 : vector<16xi32>
      %and3A_706 = arith.andi %ge3A_702, %lt3A_705 : vector<16xi1>
      %mul3A_707 = arith.constant 1024 : i32
      %mul3A_708 = arith.muli %arg1, %mul3A_707 : i32
      %add3A_709 = arith.constant 320 : i32
      %add3A_710 = arith.addi %mul3A_708, %add3A_709 : i32
      %iota3A_711 = tpu.iota {dimensions = array<i32: 0>} : vector<16xi32>
      %add3A_712 = vector.broadcast %add3A_710 : i32 to vector<16xi32>
      %add3A_713 = arith.addi %add3A_712, %iota3A_711 : vector<16xi32>
      %and3A_714 = arith.constant 2047 : i32
      %and3A_715 = vector.broadcast %and3A_714 : i32 to vector<16xi32>
      %and3A_716 = arith.andi %add3A_713, %and3A_715 : vector<16xi32>
      %add3A_717 = arith.constant 20000 : i32
      %add3A_718 = vector.broadcast %add3A_717 : i32 to vector<16xi32>
      %add3A_719 = arith.addi %add3A_718, %and3A_716 : vector<16xi32>
      %select_n3A_720 = arith.select %and3A_706, %sub3A_699, %add3A_719 : vector<16xi1>, vector<16xi32>
      %swap3A_721 = arith.constant 2 : i32
      %swap3A_722 = arith.index_cast %swap3A_721 : i32 to index
      %swap3A_723 = arith.constant 64 : index
      %swap3A_724 = tpu.vector_load %arg8[%swap3A_722, %swap3A_723] {strides = array<i32>} : memref<8x128xi32, #tpu.memory_space<vmem>>, vector<1x16xi32>,
      %swap3A_725 = vector.shape_cast %swap3A_724 : vector<1x16xi32> to vector<16xi32>
      %swap3A_726 = vector.shape_cast %select_n3A_720 : vector<16xi32> to vector<1x16xi32>
      tpu.vector_store %arg8[%swap3A_722, %swap3A_723], %swap3A_726 {strides = array<i32>} : memref<8x128xi32, #tpu.memory_space<vmem>>, vector<1x16xi32>,
      %get3A_727 = arith.constant 2 : i32
      %get3A_728 = arith.index_cast %get3A_727 : i32 to index
      %get3A_729 = arith.constant 80 : index
      %get3A_730 = tpu.vector_load %arg6[%get3A_728, %get3A_729] {strides = array<i32>} : memref<8x128xi32, #tpu.memory_space<vmem>>, vector<1x16xi32>,
      %get3A_731 = vector.shape_cast %get3A_730 : vector<1x16xi32> to vector<16xi32>
      %sub3A_732 = vector.broadcast %add3A : i32 to vector<16xi32>
      %sub3A_733 = arith.subi %get3A_731, %sub3A_732 : vector<16xi32>
      %ge3A_734 = arith.constant 0 : i32
      %ge3A_735 = vector.broadcast %ge3A_734 : i32 to vector<16xi32>
      %ge3A_736 = arith.cmpi sge, %sub3A_733, %ge3A_735 : vector<16xi32>
      %lt3A_737 = arith.constant 20000 : i32
      %lt3A_738 = vector.broadcast %lt3A_737 : i32 to vector<16xi32>
      %lt3A_739 = arith.cmpi slt, %sub3A_733, %lt3A_738 : vector<16xi32>
      %and3A_740 = arith.andi %ge3A_736, %lt3A_739 : vector<16xi1>
      %mul3A_741 = arith.constant 1024 : i32
      %mul3A_742 = arith.muli %arg1, %mul3A_741 : i32
      %add3A_743 = arith.constant 336 : i32
      %add3A_744 = arith.addi %mul3A_742, %add3A_743 : i32
      %iota3A_745 = tpu.iota {dimensions = array<i32: 0>} : vector<16xi32>
      %add3A_746 = vector.broadcast %add3A_744 : i32 to vector<16xi32>
      %add3A_747 = arith.addi %add3A_746, %iota3A_745 : vector<16xi32>
      %and3A_748 = arith.constant 2047 : i32
      %and3A_749 = vector.broadcast %and3A_748 : i32 to vector<16xi32>
      %and3A_750 = arith.andi %add3A_747, %and3A_749 : vector<16xi32>
      %add3A_751 = arith.constant 20000 : i32
      %add3A_752 = vector.broadcast %add3A_751 : i32 to vector<16xi32>
      %add3A_753 = arith.addi %add3A_752, %and3A_750 : vector<16xi32>
      %select_n3A_754 = arith.select %and3A_740, %sub3A_733, %add3A_753 : vector<16xi1>, vector<16xi32>
      %swap3A_755 = arith.constant 2 : i32
      %swap3A_756 = arith.index_cast %swap3A_755 : i32 to index
      %swap3A_757 = arith.constant 80 : index
      %swap3A_758 = tpu.vector_load %arg8[%swap3A_756, %swap3A_757] {strides = array<i32>} : memref<8x128xi32, #tpu.memory_space<vmem>>, vector<1x16xi32>,
      %swap3A_759 = vector.shape_cast %swap3A_758 : vector<1x16xi32> to vector<16xi32>
      %swap3A_760 = vector.shape_cast %select_n3A_754 : vector<16xi32> to vector<1x16xi32>
      tpu.vector_store %arg8[%swap3A_756, %swap3A_757], %swap3A_760 {strides = array<i32>} : memref<8x128xi32, #tpu.memory_space<vmem>>, vector<1x16xi32>,
      %get3A_761 = arith.constant 2 : i32
      %get3A_762 = arith.index_cast %get3A_761 : i32 to index
      %get3A_763 = arith.constant 96 : index
      %get3A_764 = tpu.vector_load %arg6[%get3A_762, %get3A_763] {strides = array<i32>} : memref<8x128xi32, #tpu.memory_space<vmem>>, vector<1x16xi32>,
      %get3A_765 = vector.shape_cast %get3A_764 : vector<1x16xi32> to vector<16xi32>
      %sub3A_766 = vector.broadcast %add3A : i32 to vector<16xi32>
      %sub3A_767 = arith.subi %get3A_765, %sub3A_766 : vector<16xi32>
      %ge3A_768 = arith.constant 0 : i32
      %ge3A_769 = vector.broadcast %ge3A_768 : i32 to vector<16xi32>
      %ge3A_770 = arith.cmpi sge, %sub3A_767, %ge3A_769 : vector<16xi32>
      %lt3A_771 = arith.constant 20000 : i32
      %lt3A_772 = vector.broadcast %lt3A_771 : i32 to vector<16xi32>
      %lt3A_773 = arith.cmpi slt, %sub3A_767, %lt3A_772 : vector<16xi32>
      %and3A_774 = arith.andi %ge3A_770, %lt3A_773 : vector<16xi1>
      %mul3A_775 = arith.constant 1024 : i32
      %mul3A_776 = arith.muli %arg1, %mul3A_775 : i32
      %add3A_777 = arith.constant 352 : i32
      %add3A_778 = arith.addi %mul3A_776, %add3A_777 : i32
      %iota3A_779 = tpu.iota {dimensions = array<i32: 0>} : vector<16xi32>
      %add3A_780 = vector.broadcast %add3A_778 : i32 to vector<16xi32>
      %add3A_781 = arith.addi %add3A_780, %iota3A_779 : vector<16xi32>
      %and3A_782 = arith.constant 2047 : i32
      %and3A_783 = vector.broadcast %and3A_782 : i32 to vector<16xi32>
      %and3A_784 = arith.andi %add3A_781, %and3A_783 : vector<16xi32>
      %add3A_785 = arith.constant 20000 : i32
      %add3A_786 = vector.broadcast %add3A_785 : i32 to vector<16xi32>
      %add3A_787 = arith.addi %add3A_786, %and3A_784 : vector<16xi32>
      %select_n3A_788 = arith.select %and3A_774, %sub3A_767, %add3A_787 : vector<16xi1>, vector<16xi32>
      %swap3A_789 = arith.constant 2 : i32
      %swap3A_790 = arith.index_cast %swap3A_789 : i32 to index
      %swap3A_791 = arith.constant 96 : index
      %swap3A_792 = tpu.vector_load %arg8[%swap3A_790, %swap3A_791] {strides = array<i32>} : memref<8x128xi32, #tpu.memory_space<vmem>>, vector<1x16xi32>,
      %swap3A_793 = vector.shape_cast %swap3A_792 : vector<1x16xi32> to vector<16xi32>
      %swap3A_794 = vector.shape_cast %select_n3A_788 : vector<16xi32> to vector<1x16xi32>
      tpu.vector_store %arg8[%swap3A_790, %swap3A_791], %swap3A_794 {strides = array<i32>} : memref<8x128xi32, #tpu.memory_space<vmem>>, vector<1x16xi32>,
      %get3A_795 = arith.constant 2 : i32
      %get3A_796 = arith.index_cast %get3A_795 : i32 to index
      %get3A_797 = arith.constant 112 : index
      %get3A_798 = tpu.vector_load %arg6[%get3A_796, %get3A_797] {strides = array<i32>} : memref<8x128xi32, #tpu.memory_space<vmem>>, vector<1x16xi32>,
      %get3A_799 = vector.shape_cast %get3A_798 : vector<1x16xi32> to vector<16xi32>
      %sub3A_800 = vector.broadcast %add3A : i32 to vector<16xi32>
      %sub3A_801 = arith.subi %get3A_799, %sub3A_800 : vector<16xi32>
      %ge3A_802 = arith.constant 0 : i32
      %ge3A_803 = vector.broadcast %ge3A_802 : i32 to vector<16xi32>
      %ge3A_804 = arith.cmpi sge, %sub3A_801, %ge3A_803 : vector<16xi32>
      %lt3A_805 = arith.constant 20000 : i32
      %lt3A_806 = vector.broadcast %lt3A_805 : i32 to vector<16xi32>
      %lt3A_807 = arith.cmpi slt, %sub3A_801, %lt3A_806 : vector<16xi32>
      %and3A_808 = arith.andi %ge3A_804, %lt3A_807 : vector<16xi1>
      %mul3A_809 = arith.constant 1024 : i32
      %mul3A_810 = arith.muli %arg1, %mul3A_809 : i32
      %add3A_811 = arith.constant 368 : i32
      %add3A_812 = arith.addi %mul3A_810, %add3A_811 : i32
      %iota3A_813 = tpu.iota {dimensions = array<i32: 0>} : vector<16xi32>
      %add3A_814 = vector.broadcast %add3A_812 : i32 to vector<16xi32>
      %add3A_815 = arith.addi %add3A_814, %iota3A_813 : vector<16xi32>
      %and3A_816 = arith.constant 2047 : i32
      %and3A_817 = vector.broadcast %and3A_816 : i32 to vector<16xi32>
      %and3A_818 = arith.andi %add3A_815, %and3A_817 : vector<16xi32>
      %add3A_819 = arith.constant 20000 : i32
      %add3A_820 = vector.broadcast %add3A_819 : i32 to vector<16xi32>
      %add3A_821 = arith.addi %add3A_820, %and3A_818 : vector<16xi32>
      %select_n3A_822 = arith.select %and3A_808, %sub3A_801, %add3A_821 : vector<16xi1>, vector<16xi32>
      %swap3A_823 = arith.constant 2 : i32
      %swap3A_824 = arith.index_cast %swap3A_823 : i32 to index
      %swap3A_825 = arith.constant 112 : index
      %swap3A_826 = tpu.vector_load %arg8[%swap3A_824, %swap3A_825] {strides = array<i32>} : memref<8x128xi32, #tpu.memory_space<vmem>>, vector<1x16xi32>,
      %swap3A_827 = vector.shape_cast %swap3A_826 : vector<1x16xi32> to vector<16xi32>
      %swap3A_828 = vector.shape_cast %select_n3A_822 : vector<16xi32> to vector<1x16xi32>
      tpu.vector_store %arg8[%swap3A_824, %swap3A_825], %swap3A_828 {strides = array<i32>} : memref<8x128xi32, #tpu.memory_space<vmem>>, vector<1x16xi32>,
      %get3A_829 = arith.constant 3 : i32
      %get3A_830 = arith.index_cast %get3A_829 : i32 to index
      %get3A_831 = arith.constant 0 : index
      %get3A_832 = tpu.vector_load %arg6[%get3A_830, %get3A_831] {strides = array<i32>} : memref<8x128xi32, #tpu.memory_space<vmem>>, vector<1x16xi32>,
      %get3A_833 = vector.shape_cast %get3A_832 : vector<1x16xi32> to vector<16xi32>
      %sub3A_834 = vector.broadcast %add3A : i32 to vector<16xi32>
      %sub3A_835 = arith.subi %get3A_833, %sub3A_834 : vector<16xi32>
      %ge3A_836 = arith.constant 0 : i32
      %ge3A_837 = vector.broadcast %ge3A_836 : i32 to vector<16xi32>
      %ge3A_838 = arith.cmpi sge, %sub3A_835, %ge3A_837 : vector<16xi32>
      %lt3A_839 = arith.constant 20000 : i32
      %lt3A_840 = vector.broadcast %lt3A_839 : i32 to vector<16xi32>
      %lt3A_841 = arith.cmpi slt, %sub3A_835, %lt3A_840 : vector<16xi32>
      %and3A_842 = arith.andi %ge3A_838, %lt3A_841 : vector<16xi1>
      %mul3A_843 = arith.constant 1024 : i32
      %mul3A_844 = arith.muli %arg1, %mul3A_843 : i32
      %add3A_845 = arith.constant 384 : i32
      %add3A_846 = arith.addi %mul3A_844, %add3A_845 : i32
      %iota3A_847 = tpu.iota {dimensions = array<i32: 0>} : vector<16xi32>
      %add3A_848 = vector.broadcast %add3A_846 : i32 to vector<16xi32>
      %add3A_849 = arith.addi %add3A_848, %iota3A_847 : vector<16xi32>
      %and3A_850 = arith.constant 2047 : i32
      %and3A_851 = vector.broadcast %and3A_850 : i32 to vector<16xi32>
      %and3A_852 = arith.andi %add3A_849, %and3A_851 : vector<16xi32>
      %add3A_853 = arith.constant 20000 : i32
      %add3A_854 = vector.broadcast %add3A_853 : i32 to vector<16xi32>
      %add3A_855 = arith.addi %add3A_854, %and3A_852 : vector<16xi32>
      %select_n3A_856 = arith.select %and3A_842, %sub3A_835, %add3A_855 : vector<16xi1>, vector<16xi32>
      %swap3A_857 = arith.constant 3 : i32
      %swap3A_858 = arith.index_cast %swap3A_857 : i32 to index
      %swap3A_859 = arith.constant 0 : index
      %swap3A_860 = tpu.vector_load %arg8[%swap3A_858, %swap3A_859] {strides = array<i32>} : memref<8x128xi32, #tpu.memory_space<vmem>>, vector<1x16xi32>,
      %swap3A_861 = vector.shape_cast %swap3A_860 : vector<1x16xi32> to vector<16xi32>
      %swap3A_862 = vector.shape_cast %select_n3A_856 : vector<16xi32> to vector<1x16xi32>
      tpu.vector_store %arg8[%swap3A_858, %swap3A_859], %swap3A_862 {strides = array<i32>} : memref<8x128xi32, #tpu.memory_space<vmem>>, vector<1x16xi32>,
      %get3A_863 = arith.constant 3 : i32
      %get3A_864 = arith.index_cast %get3A_863 : i32 to index
      %get3A_865 = arith.constant 16 : index
      %get3A_866 = tpu.vector_load %arg6[%get3A_864, %get3A_865] {strides = array<i32>} : memref<8x128xi32, #tpu.memory_space<vmem>>, vector<1x16xi32>,
      %get3A_867 = vector.shape_cast %get3A_866 : vector<1x16xi32> to vector<16xi32>
      %sub3A_868 = vector.broadcast %add3A : i32 to vector<16xi32>
      %sub3A_869 = arith.subi %get3A_867, %sub3A_868 : vector<16xi32>
      %ge3A_870 = arith.constant 0 : i32
      %ge3A_871 = vector.broadcast %ge3A_870 : i32 to vector<16xi32>
      %ge3A_872 = arith.cmpi sge, %sub3A_869, %ge3A_871 : vector<16xi32>
      %lt3A_873 = arith.constant 20000 : i32
      %lt3A_874 = vector.broadcast %lt3A_873 : i32 to vector<16xi32>
      %lt3A_875 = arith.cmpi slt, %sub3A_869, %lt3A_874 : vector<16xi32>
      %and3A_876 = arith.andi %ge3A_872, %lt3A_875 : vector<16xi1>
      %mul3A_877 = arith.constant 1024 : i32
      %mul3A_878 = arith.muli %arg1, %mul3A_877 : i32
      %add3A_879 = arith.constant 400 : i32
      %add3A_880 = arith.addi %mul3A_878, %add3A_879 : i32
      %iota3A_881 = tpu.iota {dimensions = array<i32: 0>} : vector<16xi32>
      %add3A_882 = vector.broadcast %add3A_880 : i32 to vector<16xi32>
      %add3A_883 = arith.addi %add3A_882, %iota3A_881 : vector<16xi32>
      %and3A_884 = arith.constant 2047 : i32
      %and3A_885 = vector.broadcast %and3A_884 : i32 to vector<16xi32>
      %and3A_886 = arith.andi %add3A_883, %and3A_885 : vector<16xi32>
      %add3A_887 = arith.constant 20000 : i32
      %add3A_888 = vector.broadcast %add3A_887 : i32 to vector<16xi32>
      %add3A_889 = arith.addi %add3A_888, %and3A_886 : vector<16xi32>
      %select_n3A_890 = arith.select %and3A_876, %sub3A_869, %add3A_889 : vector<16xi1>, vector<16xi32>
      %swap3A_891 = arith.constant 3 : i32
      %swap3A_892 = arith.index_cast %swap3A_891 : i32 to index
      %swap3A_893 = arith.constant 16 : index
      %swap3A_894 = tpu.vector_load %arg8[%swap3A_892, %swap3A_893] {strides = array<i32>} : memref<8x128xi32, #tpu.memory_space<vmem>>, vector<1x16xi32>,
      %swap3A_895 = vector.shape_cast %swap3A_894 : vector<1x16xi32> to vector<16xi32>
      %swap3A_896 = vector.shape_cast %select_n3A_890 : vector<16xi32> to vector<1x16xi32>
      tpu.vector_store %arg8[%swap3A_892, %swap3A_893], %swap3A_896 {strides = array<i32>} : memref<8x128xi32, #tpu.memory_space<vmem>>, vector<1x16xi32>,
      %get3A_897 = arith.constant 3 : i32
      %get3A_898 = arith.index_cast %get3A_897 : i32 to index
      %get3A_899 = arith.constant 32 : index
      %get3A_900 = tpu.vector_load %arg6[%get3A_898, %get3A_899] {strides = array<i32>} : memref<8x128xi32, #tpu.memory_space<vmem>>, vector<1x16xi32>,
      %get3A_901 = vector.shape_cast %get3A_900 : vector<1x16xi32> to vector<16xi32>
      %sub3A_902 = vector.broadcast %add3A : i32 to vector<16xi32>
      %sub3A_903 = arith.subi %get3A_901, %sub3A_902 : vector<16xi32>
      %ge3A_904 = arith.constant 0 : i32
      %ge3A_905 = vector.broadcast %ge3A_904 : i32 to vector<16xi32>
      %ge3A_906 = arith.cmpi sge, %sub3A_903, %ge3A_905 : vector<16xi32>
      %lt3A_907 = arith.constant 20000 : i32
      %lt3A_908 = vector.broadcast %lt3A_907 : i32 to vector<16xi32>
      %lt3A_909 = arith.cmpi slt, %sub3A_903, %lt3A_908 : vector<16xi32>
      %and3A_910 = arith.andi %ge3A_906, %lt3A_909 : vector<16xi1>
      %mul3A_911 = arith.constant 1024 : i32
      %mul3A_912 = arith.muli %arg1, %mul3A_911 : i32
      %add3A_913 = arith.constant 416 : i32
      %add3A_914 = arith.addi %mul3A_912, %add3A_913 : i32
      %iota3A_915 = tpu.iota {dimensions = array<i32: 0>} : vector<16xi32>
      %add3A_916 = vector.broadcast %add3A_914 : i32 to vector<16xi32>
      %add3A_917 = arith.addi %add3A_916, %iota3A_915 : vector<16xi32>
      %and3A_918 = arith.constant 2047 : i32
      %and3A_919 = vector.broadcast %and3A_918 : i32 to vector<16xi32>
      %and3A_920 = arith.andi %add3A_917, %and3A_919 : vector<16xi32>
      %add3A_921 = arith.constant 20000 : i32
      %add3A_922 = vector.broadcast %add3A_921 : i32 to vector<16xi32>
      %add3A_923 = arith.addi %add3A_922, %and3A_920 : vector<16xi32>
      %select_n3A_924 = arith.select %and3A_910, %sub3A_903, %add3A_923 : vector<16xi1>, vector<16xi32>
      %swap3A_925 = arith.constant 3 : i32
      %swap3A_926 = arith.index_cast %swap3A_925 : i32 to index
      %swap3A_927 = arith.constant 32 : index
      %swap3A_928 = tpu.vector_load %arg8[%swap3A_926, %swap3A_927] {strides = array<i32>} : memref<8x128xi32, #tpu.memory_space<vmem>>, vector<1x16xi32>,
      %swap3A_929 = vector.shape_cast %swap3A_928 : vector<1x16xi32> to vector<16xi32>
      %swap3A_930 = vector.shape_cast %select_n3A_924 : vector<16xi32> to vector<1x16xi32>
      tpu.vector_store %arg8[%swap3A_926, %swap3A_927], %swap3A_930 {strides = array<i32>} : memref<8x128xi32, #tpu.memory_space<vmem>>, vector<1x16xi32>,
      %get3A_931 = arith.constant 3 : i32
      %get3A_932 = arith.index_cast %get3A_931 : i32 to index
      %get3A_933 = arith.constant 48 : index
      %get3A_934 = tpu.vector_load %arg6[%get3A_932, %get3A_933] {strides = array<i32>} : memref<8x128xi32, #tpu.memory_space<vmem>>, vector<1x16xi32>,
      %get3A_935 = vector.shape_cast %get3A_934 : vector<1x16xi32> to vector<16xi32>
      %sub3A_936 = vector.broadcast %add3A : i32 to vector<16xi32>
      %sub3A_937 = arith.subi %get3A_935, %sub3A_936 : vector<16xi32>
      %ge3A_938 = arith.constant 0 : i32
      %ge3A_939 = vector.broadcast %ge3A_938 : i32 to vector<16xi32>
      %ge3A_940 = arith.cmpi sge, %sub3A_937, %ge3A_939 : vector<16xi32>
      %lt3A_941 = arith.constant 20000 : i32
      %lt3A_942 = vector.broadcast %lt3A_941 : i32 to vector<16xi32>
      %lt3A_943 = arith.cmpi slt, %sub3A_937, %lt3A_942 : vector<16xi32>
      %and3A_944 = arith.andi %ge3A_940, %lt3A_943 : vector<16xi1>
      %mul3A_945 = arith.constant 1024 : i32
      %mul3A_946 = arith.muli %arg1, %mul3A_945 : i32
      %add3A_947 = arith.constant 432 : i32
      %add3A_948 = arith.addi %mul3A_946, %add3A_947 : i32
      %iota3A_949 = tpu.iota {dimensions = array<i32: 0>} : vector<16xi32>
      %add3A_950 = vector.broadcast %add3A_948 : i32 to vector<16xi32>
      %add3A_951 = arith.addi %add3A_950, %iota3A_949 : vector<16xi32>
      %and3A_952 = arith.constant 2047 : i32
      %and3A_953 = vector.broadcast %and3A_952 : i32 to vector<16xi32>
      %and3A_954 = arith.andi %add3A_951, %and3A_953 : vector<16xi32>
      %add3A_955 = arith.constant 20000 : i32
      %add3A_956 = vector.broadcast %add3A_955 : i32 to vector<16xi32>
      %add3A_957 = arith.addi %add3A_956, %and3A_954 : vector<16xi32>
      %select_n3A_958 = arith.select %and3A_944, %sub3A_937, %add3A_957 : vector<16xi1>, vector<16xi32>
      %swap3A_959 = arith.constant 3 : i32
      %swap3A_960 = arith.index_cast %swap3A_959 : i32 to index
      %swap3A_961 = arith.constant 48 : index
      %swap3A_962 = tpu.vector_load %arg8[%swap3A_960, %swap3A_961] {strides = array<i32>} : memref<8x128xi32, #tpu.memory_space<vmem>>, vector<1x16xi32>,
      %swap3A_963 = vector.shape_cast %swap3A_962 : vector<1x16xi32> to vector<16xi32>
      %swap3A_964 = vector.shape_cast %select_n3A_958 : vector<16xi32> to vector<1x16xi32>
      tpu.vector_store %arg8[%swap3A_960, %swap3A_961], %swap3A_964 {strides = array<i32>} : memref<8x128xi32, #tpu.memory_space<vmem>>, vector<1x16xi32>,
      %get3A_965 = arith.constant 3 : i32
      %get3A_966 = arith.index_cast %get3A_965 : i32 to index
      %get3A_967 = arith.constant 64 : index
      %get3A_968 = tpu.vector_load %arg6[%get3A_966, %get3A_967] {strides = array<i32>} : memref<8x128xi32, #tpu.memory_space<vmem>>, vector<1x16xi32>,
      %get3A_969 = vector.shape_cast %get3A_968 : vector<1x16xi32> to vector<16xi32>
      %sub3A_970 = vector.broadcast %add3A : i32 to vector<16xi32>
      %sub3A_971 = arith.subi %get3A_969, %sub3A_970 : vector<16xi32>
      %ge3A_972 = arith.constant 0 : i32
      %ge3A_973 = vector.broadcast %ge3A_972 : i32 to vector<16xi32>
      %ge3A_974 = arith.cmpi sge, %sub3A_971, %ge3A_973 : vector<16xi32>
      %lt3A_975 = arith.constant 20000 : i32
      %lt3A_976 = vector.broadcast %lt3A_975 : i32 to vector<16xi32>
      %lt3A_977 = arith.cmpi slt, %sub3A_971, %lt3A_976 : vector<16xi32>
      %and3A_978 = arith.andi %ge3A_974, %lt3A_977 : vector<16xi1>
      %mul3A_979 = arith.constant 1024 : i32
      %mul3A_980 = arith.muli %arg1, %mul3A_979 : i32
      %add3A_981 = arith.constant 448 : i32
      %add3A_982 = arith.addi %mul3A_980, %add3A_981 : i32
      %iota3A_983 = tpu.iota {dimensions = array<i32: 0>} : vector<16xi32>
      %add3A_984 = vector.broadcast %add3A_982 : i32 to vector<16xi32>
      %add3A_985 = arith.addi %add3A_984, %iota3A_983 : vector<16xi32>
      %and3A_986 = arith.constant 2047 : i32
      %and3A_987 = vector.broadcast %and3A_986 : i32 to vector<16xi32>
      %and3A_988 = arith.andi %add3A_985, %and3A_987 : vector<16xi32>
      %add3A_989 = arith.constant 20000 : i32
      %add3A_990 = vector.broadcast %add3A_989 : i32 to vector<16xi32>
      %add3A_991 = arith.addi %add3A_990, %and3A_988 : vector<16xi32>
      %select_n3A_992 = arith.select %and3A_978, %sub3A_971, %add3A_991 : vector<16xi1>, vector<16xi32>
      %swap3A_993 = arith.constant 3 : i32
      %swap3A_994 = arith.index_cast %swap3A_993 : i32 to index
      %swap3A_995 = arith.constant 64 : index
      %swap3A_996 = tpu.vector_load %arg8[%swap3A_994, %swap3A_995] {strides = array<i32>} : memref<8x128xi32, #tpu.memory_space<vmem>>, vector<1x16xi32>,
      %swap3A_997 = vector.shape_cast %swap3A_996 : vector<1x16xi32> to vector<16xi32>
      %swap3A_998 = vector.shape_cast %select_n3A_992 : vector<16xi32> to vector<1x16xi32>
      tpu.vector_store %arg8[%swap3A_994, %swap3A_995], %swap3A_998 {strides = array<i32>} : memref<8x128xi32, #tpu.memory_space<vmem>>, vector<1x16xi32>,
      %get3A_999 = arith.constant 3 : i32
      %get3A_1000 = arith.index_cast %get3A_999 : i32 to index
      %get3A_1001 = arith.constant 80 : index
      %get3A_1002 = tpu.vector_load %arg6[%get3A_1000, %get3A_1001] {strides = array<i32>} : memref<8x128xi32, #tpu.memory_space<vmem>>, vector<1x16xi32>,
      %get3A_1003 = vector.shape_cast %get3A_1002 : vector<1x16xi32> to vector<16xi32>
      %sub3A_1004 = vector.broadcast %add3A : i32 to vector<16xi32>
      %sub3A_1005 = arith.subi %get3A_1003, %sub3A_1004 : vector<16xi32>
      %ge3A_1006 = arith.constant 0 : i32
      %ge3A_1007 = vector.broadcast %ge3A_1006 : i32 to vector<16xi32>
      %ge3A_1008 = arith.cmpi sge, %sub3A_1005, %ge3A_1007 : vector<16xi32>
      %lt3A_1009 = arith.constant 20000 : i32
      %lt3A_1010 = vector.broadcast %lt3A_1009 : i32 to vector<16xi32>
      %lt3A_1011 = arith.cmpi slt, %sub3A_1005, %lt3A_1010 : vector<16xi32>
      %and3A_1012 = arith.andi %ge3A_1008, %lt3A_1011 : vector<16xi1>
      %mul3A_1013 = arith.constant 1024 : i32
      %mul3A_1014 = arith.muli %arg1, %mul3A_1013 : i32
      %add3A_1015 = arith.constant 464 : i32
      %add3A_1016 = arith.addi %mul3A_1014, %add3A_1015 : i32
      %iota3A_1017 = tpu.iota {dimensions = array<i32: 0>} : vector<16xi32>
      %add3A_1018 = vector.broadcast %add3A_1016 : i32 to vector<16xi32>
      %add3A_1019 = arith.addi %add3A_1018, %iota3A_1017 : vector<16xi32>
      %and3A_1020 = arith.constant 2047 : i32
      %and3A_1021 = vector.broadcast %and3A_1020 : i32 to vector<16xi32>
      %and3A_1022 = arith.andi %add3A_1019, %and3A_1021 : vector<16xi32>
      %add3A_1023 = arith.constant 20000 : i32
      %add3A_1024 = vector.broadcast %add3A_1023 : i32 to vector<16xi32>
      %add3A_1025 = arith.addi %add3A_1024, %and3A_1022 : vector<16xi32>
      %select_n3A_1026 = arith.select %and3A_1012, %sub3A_1005, %add3A_1025 : vector<16xi1>, vector<16xi32>
      %swap3A_1027 = arith.constant 3 : i32
      %swap3A_1028 = arith.index_cast %swap3A_1027 : i32 to index
      %swap3A_1029 = arith.constant 80 : index
      %swap3A_1030 = tpu.vector_load %arg8[%swap3A_1028, %swap3A_1029] {strides = array<i32>} : memref<8x128xi32, #tpu.memory_space<vmem>>, vector<1x16xi32>,
      %swap3A_1031 = vector.shape_cast %swap3A_1030 : vector<1x16xi32> to vector<16xi32>
      %swap3A_1032 = vector.shape_cast %select_n3A_1026 : vector<16xi32> to vector<1x16xi32>
      tpu.vector_store %arg8[%swap3A_1028, %swap3A_1029], %swap3A_1032 {strides = array<i32>} : memref<8x128xi32, #tpu.memory_space<vmem>>, vector<1x16xi32>,
      %get3A_1033 = arith.constant 3 : i32
      %get3A_1034 = arith.index_cast %get3A_1033 : i32 to index
      %get3A_1035 = arith.constant 96 : index
      %get3A_1036 = tpu.vector_load %arg6[%get3A_1034, %get3A_1035] {strides = array<i32>} : memref<8x128xi32, #tpu.memory_space<vmem>>, vector<1x16xi32>,
      %get3A_1037 = vector.shape_cast %get3A_1036 : vector<1x16xi32> to vector<16xi32>
      %sub3A_1038 = vector.broadcast %add3A : i32 to vector<16xi32>
      %sub3A_1039 = arith.subi %get3A_1037, %sub3A_1038 : vector<16xi32>
      %ge3A_1040 = arith.constant 0 : i32
      %ge3A_1041 = vector.broadcast %ge3A_1040 : i32 to vector<16xi32>
      %ge3A_1042 = arith.cmpi sge, %sub3A_1039, %ge3A_1041 : vector<16xi32>
      %lt3A_1043 = arith.constant 20000 : i32
      %lt3A_1044 = vector.broadcast %lt3A_1043 : i32 to vector<16xi32>
      %lt3A_1045 = arith.cmpi slt, %sub3A_1039, %lt3A_1044 : vector<16xi32>
      %and3A_1046 = arith.andi %ge3A_1042, %lt3A_1045 : vector<16xi1>
      %mul3A_1047 = arith.constant 1024 : i32
      %mul3A_1048 = arith.muli %arg1, %mul3A_1047 : i32
      %add3A_1049 = arith.constant 480 : i32
      %add3A_1050 = arith.addi %mul3A_1048, %add3A_1049 : i32
      %iota3A_1051 = tpu.iota {dimensions = array<i32: 0>} : vector<16xi32>
      %add3A_1052 = vector.broadcast %add3A_1050 : i32 to vector<16xi32>
      %add3A_1053 = arith.addi %add3A_1052, %iota3A_1051 : vector<16xi32>
      %and3A_1054 = arith.constant 2047 : i32
      %and3A_1055 = vector.broadcast %and3A_1054 : i32 to vector<16xi32>
      %and3A_1056 = arith.andi %add3A_1053, %and3A_1055 : vector<16xi32>
      %add3A_1057 = arith.constant 20000 : i32
      %add3A_1058 = vector.broadcast %add3A_1057 : i32 to vector<16xi32>
      %add3A_1059 = arith.addi %add3A_1058, %and3A_1056 : vector<16xi32>
      %select_n3A_1060 = arith.select %and3A_1046, %sub3A_1039, %add3A_1059 : vector<16xi1>, vector<16xi32>
      %swap3A_1061 = arith.constant 3 : i32
      %swap3A_1062 = arith.index_cast %swap3A_1061 : i32 to index
      %swap3A_1063 = arith.constant 96 : index
      %swap3A_1064 = tpu.vector_load %arg8[%swap3A_1062, %swap3A_1063] {strides = array<i32>} : memref<8x128xi32, #tpu.memory_space<vmem>>, vector<1x16xi32>,
      %swap3A_1065 = vector.shape_cast %swap3A_1064 : vector<1x16xi32> to vector<16xi32>
      %swap3A_1066 = vector.shape_cast %select_n3A_1060 : vector<16xi32> to vector<1x16xi32>
      tpu.vector_store %arg8[%swap3A_1062, %swap3A_1063], %swap3A_1066 {strides = array<i32>} : memref<8x128xi32, #tpu.memory_space<vmem>>, vector<1x16xi32>,
      %get3A_1067 = arith.constant 3 : i32
      %get3A_1068 = arith.index_cast %get3A_1067 : i32 to index
      %get3A_1069 = arith.constant 112 : index
      %get3A_1070 = tpu.vector_load %arg6[%get3A_1068, %get3A_1069] {strides = array<i32>} : memref<8x128xi32, #tpu.memory_space<vmem>>, vector<1x16xi32>,
      %get3A_1071 = vector.shape_cast %get3A_1070 : vector<1x16xi32> to vector<16xi32>
      %sub3A_1072 = vector.broadcast %add3A : i32 to vector<16xi32>
      %sub3A_1073 = arith.subi %get3A_1071, %sub3A_1072 : vector<16xi32>
      %ge3A_1074 = arith.constant 0 : i32
      %ge3A_1075 = vector.broadcast %ge3A_1074 : i32 to vector<16xi32>
      %ge3A_1076 = arith.cmpi sge, %sub3A_1073, %ge3A_1075 : vector<16xi32>
      %lt3A_1077 = arith.constant 20000 : i32
      %lt3A_1078 = vector.broadcast %lt3A_1077 : i32 to vector<16xi32>
      %lt3A_1079 = arith.cmpi slt, %sub3A_1073, %lt3A_1078 : vector<16xi32>
      %and3A_1080 = arith.andi %ge3A_1076, %lt3A_1079 : vector<16xi1>
      %mul3A_1081 = arith.constant 1024 : i32
      %mul3A_1082 = arith.muli %arg1, %mul3A_1081 : i32
      %add3A_1083 = arith.constant 496 : i32
      %add3A_1084 = arith.addi %mul3A_1082, %add3A_1083 : i32
      %iota3A_1085 = tpu.iota {dimensions = array<i32: 0>} : vector<16xi32>
      %add3A_1086 = vector.broadcast %add3A_1084 : i32 to vector<16xi32>
      %add3A_1087 = arith.addi %add3A_1086, %iota3A_1085 : vector<16xi32>
      %and3A_1088 = arith.constant 2047 : i32
      %and3A_1089 = vector.broadcast %and3A_1088 : i32 to vector<16xi32>
      %and3A_1090 = arith.andi %add3A_1087, %and3A_1089 : vector<16xi32>
      %add3A_1091 = arith.constant 20000 : i32
      %add3A_1092 = vector.broadcast %add3A_1091 : i32 to vector<16xi32>
      %add3A_1093 = arith.addi %add3A_1092, %and3A_1090 : vector<16xi32>
      %select_n3A_1094 = arith.select %and3A_1080, %sub3A_1073, %add3A_1093 : vector<16xi1>, vector<16xi32>
      %swap3A_1095 = arith.constant 3 : i32
      %swap3A_1096 = arith.index_cast %swap3A_1095 : i32 to index
      %swap3A_1097 = arith.constant 112 : index
      %swap3A_1098 = tpu.vector_load %arg8[%swap3A_1096, %swap3A_1097] {strides = array<i32>} : memref<8x128xi32, #tpu.memory_space<vmem>>, vector<1x16xi32>,
      %swap3A_1099 = vector.shape_cast %swap3A_1098 : vector<1x16xi32> to vector<16xi32>
      %swap3A_1100 = vector.shape_cast %select_n3A_1094 : vector<16xi32> to vector<1x16xi32>
      tpu.vector_store %arg8[%swap3A_1096, %swap3A_1097], %swap3A_1100 {strides = array<i32>} : memref<8x128xi32, #tpu.memory_space<vmem>>, vector<1x16xi32>,
      %get3A_1101 = arith.constant 4 : i32
      %get3A_1102 = arith.index_cast %get3A_1101 : i32 to index
      %get3A_1103 = arith.constant 0 : index
      %get3A_1104 = tpu.vector_load %arg6[%get3A_1102, %get3A_1103] {strides = array<i32>} : memref<8x128xi32, #tpu.memory_space<vmem>>, vector<1x16xi32>,
      %get3A_1105 = vector.shape_cast %get3A_1104 : vector<1x16xi32> to vector<16xi32>
      %sub3A_1106 = vector.broadcast %add3A : i32 to vector<16xi32>
      %sub3A_1107 = arith.subi %get3A_1105, %sub3A_1106 : vector<16xi32>
      %ge3A_1108 = arith.constant 0 : i32
      %ge3A_1109 = vector.broadcast %ge3A_1108 : i32 to vector<16xi32>
      %ge3A_1110 = arith.cmpi sge, %sub3A_1107, %ge3A_1109 : vector<16xi32>
      %lt3A_1111 = arith.constant 20000 : i32
      %lt3A_1112 = vector.broadcast %lt3A_1111 : i32 to vector<16xi32>
      %lt3A_1113 = arith.cmpi slt, %sub3A_1107, %lt3A_1112 : vector<16xi32>
      %and3A_1114 = arith.andi %ge3A_1110, %lt3A_1113 : vector<16xi1>
      %mul3A_1115 = arith.constant 1024 : i32
      %mul3A_1116 = arith.muli %arg1, %mul3A_1115 : i32
      %add3A_1117 = arith.constant 512 : i32
      %add3A_1118 = arith.addi %mul3A_1116, %add3A_1117 : i32
      %iota3A_1119 = tpu.iota {dimensions = array<i32: 0>} : vector<16xi32>
      %add3A_1120 = vector.broadcast %add3A_1118 : i32 to vector<16xi32>
      %add3A_1121 = arith.addi %add3A_1120, %iota3A_1119 : vector<16xi32>
      %and3A_1122 = arith.constant 2047 : i32
      %and3A_1123 = vector.broadcast %and3A_1122 : i32 to vector<16xi32>
      %and3A_1124 = arith.andi %add3A_1121, %and3A_1123 : vector<16xi32>
      %add3A_1125 = arith.constant 20000 : i32
      %add3A_1126 = vector.broadcast %add3A_1125 : i32 to vector<16xi32>
      %add3A_1127 = arith.addi %add3A_1126, %and3A_1124 : vector<16xi32>
      %select_n3A_1128 = arith.select %and3A_1114, %sub3A_1107, %add3A_1127 : vector<16xi1>, vector<16xi32>
      %swap3A_1129 = arith.constant 4 : i32
      %swap3A_1130 = arith.index_cast %swap3A_1129 : i32 to index
      %swap3A_1131 = arith.constant 0 : index
      %swap3A_1132 = tpu.vector_load %arg8[%swap3A_1130, %swap3A_1131] {strides = array<i32>} : memref<8x128xi32, #tpu.memory_space<vmem>>, vector<1x16xi32>,
      %swap3A_1133 = vector.shape_cast %swap3A_1132 : vector<1x16xi32> to vector<16xi32>
      %swap3A_1134 = vector.shape_cast %select_n3A_1128 : vector<16xi32> to vector<1x16xi32>
      tpu.vector_store %arg8[%swap3A_1130, %swap3A_1131], %swap3A_1134 {strides = array<i32>} : memref<8x128xi32, #tpu.memory_space<vmem>>, vector<1x16xi32>,
      %get3A_1135 = arith.constant 4 : i32
      %get3A_1136 = arith.index_cast %get3A_1135 : i32 to index
      %get3A_1137 = arith.constant 16 : index
      %get3A_1138 = tpu.vector_load %arg6[%get3A_1136, %get3A_1137] {strides = array<i32>} : memref<8x128xi32, #tpu.memory_space<vmem>>, vector<1x16xi32>,
      %get3A_1139 = vector.shape_cast %get3A_1138 : vector<1x16xi32> to vector<16xi32>
      %sub3A_1140 = vector.broadcast %add3A : i32 to vector<16xi32>
      %sub3A_1141 = arith.subi %get3A_1139, %sub3A_1140 : vector<16xi32>
      %ge3A_1142 = arith.constant 0 : i32
      %ge3A_1143 = vector.broadcast %ge3A_1142 : i32 to vector<16xi32>
      %ge3A_1144 = arith.cmpi sge, %sub3A_1141, %ge3A_1143 : vector<16xi32>
      %lt3A_1145 = arith.constant 20000 : i32
      %lt3A_1146 = vector.broadcast %lt3A_1145 : i32 to vector<16xi32>
      %lt3A_1147 = arith.cmpi slt, %sub3A_1141, %lt3A_1146 : vector<16xi32>
      %and3A_1148 = arith.andi %ge3A_1144, %lt3A_1147 : vector<16xi1>
      %mul3A_1149 = arith.constant 1024 : i32
      %mul3A_1150 = arith.muli %arg1, %mul3A_1149 : i32
      %add3A_1151 = arith.constant 528 : i32
      %add3A_1152 = arith.addi %mul3A_1150, %add3A_1151 : i32
      %iota3A_1153 = tpu.iota {dimensions = array<i32: 0>} : vector<16xi32>
      %add3A_1154 = vector.broadcast %add3A_1152 : i32 to vector<16xi32>
      %add3A_1155 = arith.addi %add3A_1154, %iota3A_1153 : vector<16xi32>
      %and3A_1156 = arith.constant 2047 : i32
      %and3A_1157 = vector.broadcast %and3A_1156 : i32 to vector<16xi32>
      %and3A_1158 = arith.andi %add3A_1155, %and3A_1157 : vector<16xi32>
      %add3A_1159 = arith.constant 20000 : i32
      %add3A_1160 = vector.broadcast %add3A_1159 : i32 to vector<16xi32>
      %add3A_1161 = arith.addi %add3A_1160, %and3A_1158 : vector<16xi32>
      %select_n3A_1162 = arith.select %and3A_1148, %sub3A_1141, %add3A_1161 : vector<16xi1>, vector<16xi32>
      %swap3A_1163 = arith.constant 4 : i32
      %swap3A_1164 = arith.index_cast %swap3A_1163 : i32 to index
      %swap3A_1165 = arith.constant 16 : index
      %swap3A_1166 = tpu.vector_load %arg8[%swap3A_1164, %swap3A_1165] {strides = array<i32>} : memref<8x128xi32, #tpu.memory_space<vmem>>, vector<1x16xi32>,
      %swap3A_1167 = vector.shape_cast %swap3A_1166 : vector<1x16xi32> to vector<16xi32>
      %swap3A_1168 = vector.shape_cast %select_n3A_1162 : vector<16xi32> to vector<1x16xi32>
      tpu.vector_store %arg8[%swap3A_1164, %swap3A_1165], %swap3A_1168 {strides = array<i32>} : memref<8x128xi32, #tpu.memory_space<vmem>>, vector<1x16xi32>,
      %get3A_1169 = arith.constant 4 : i32
      %get3A_1170 = arith.index_cast %get3A_1169 : i32 to index
      %get3A_1171 = arith.constant 32 : index
      %get3A_1172 = tpu.vector_load %arg6[%get3A_1170, %get3A_1171] {strides = array<i32>} : memref<8x128xi32, #tpu.memory_space<vmem>>, vector<1x16xi32>,
      %get3A_1173 = vector.shape_cast %get3A_1172 : vector<1x16xi32> to vector<16xi32>
      %sub3A_1174 = vector.broadcast %add3A : i32 to vector<16xi32>
      %sub3A_1175 = arith.subi %get3A_1173, %sub3A_1174 : vector<16xi32>
      %ge3A_1176 = arith.constant 0 : i32
      %ge3A_1177 = vector.broadcast %ge3A_1176 : i32 to vector<16xi32>
      %ge3A_1178 = arith.cmpi sge, %sub3A_1175, %ge3A_1177 : vector<16xi32>
      %lt3A_1179 = arith.constant 20000 : i32
      %lt3A_1180 = vector.broadcast %lt3A_1179 : i32 to vector<16xi32>
      %lt3A_1181 = arith.cmpi slt, %sub3A_1175, %lt3A_1180 : vector<16xi32>
      %and3A_1182 = arith.andi %ge3A_1178, %lt3A_1181 : vector<16xi1>
      %mul3A_1183 = arith.constant 1024 : i32
      %mul3A_1184 = arith.muli %arg1, %mul3A_1183 : i32
      %add3A_1185 = arith.constant 544 : i32
      %add3A_1186 = arith.addi %mul3A_1184, %add3A_1185 : i32
      %iota3A_1187 = tpu.iota {dimensions = array<i32: 0>} : vector<16xi32>
      %add3A_1188 = vector.broadcast %add3A_1186 : i32 to vector<16xi32>
      %add3A_1189 = arith.addi %add3A_1188, %iota3A_1187 : vector<16xi32>
      %and3A_1190 = arith.constant 2047 : i32
      %and3A_1191 = vector.broadcast %and3A_1190 : i32 to vector<16xi32>
      %and3A_1192 = arith.andi %add3A_1189, %and3A_1191 : vector<16xi32>
      %add3A_1193 = arith.constant 20000 : i32
      %add3A_1194 = vector.broadcast %add3A_1193 : i32 to vector<16xi32>
      %add3A_1195 = arith.addi %add3A_1194, %and3A_1192 : vector<16xi32>
      %select_n3A_1196 = arith.select %and3A_1182, %sub3A_1175, %add3A_1195 : vector<16xi1>, vector<16xi32>
      %swap3A_1197 = arith.constant 4 : i32
      %swap3A_1198 = arith.index_cast %swap3A_1197 : i32 to index
      %swap3A_1199 = arith.constant 32 : index
      %swap3A_1200 = tpu.vector_load %arg8[%swap3A_1198, %swap3A_1199] {strides = array<i32>} : memref<8x128xi32, #tpu.memory_space<vmem>>, vector<1x16xi32>,
      %swap3A_1201 = vector.shape_cast %swap3A_1200 : vector<1x16xi32> to vector<16xi32>
      %swap3A_1202 = vector.shape_cast %select_n3A_1196 : vector<16xi32> to vector<1x16xi32>
      tpu.vector_store %arg8[%swap3A_1198, %swap3A_1199], %swap3A_1202 {strides = array<i32>} : memref<8x128xi32, #tpu.memory_space<vmem>>, vector<1x16xi32>,
      %get3A_1203 = arith.constant 4 : i32
      %get3A_1204 = arith.index_cast %get3A_1203 : i32 to index
      %get3A_1205 = arith.constant 48 : index
      %get3A_1206 = tpu.vector_load %arg6[%get3A_1204, %get3A_1205] {strides = array<i32>} : memref<8x128xi32, #tpu.memory_space<vmem>>, vector<1x16xi32>,
      %get3A_1207 = vector.shape_cast %get3A_1206 : vector<1x16xi32> to vector<16xi32>
      %sub3A_1208 = vector.broadcast %add3A : i32 to vector<16xi32>
      %sub3A_1209 = arith.subi %get3A_1207, %sub3A_1208 : vector<16xi32>
      %ge3A_1210 = arith.constant 0 : i32
      %ge3A_1211 = vector.broadcast %ge3A_1210 : i32 to vector<16xi32>
      %ge3A_1212 = arith.cmpi sge, %sub3A_1209, %ge3A_1211 : vector<16xi32>
      %lt3A_1213 = arith.constant 20000 : i32
      %lt3A_1214 = vector.broadcast %lt3A_1213 : i32 to vector<16xi32>
      %lt3A_1215 = arith.cmpi slt, %sub3A_1209, %lt3A_1214 : vector<16xi32>
      %and3A_1216 = arith.andi %ge3A_1212, %lt3A_1215 : vector<16xi1>
      %mul3A_1217 = arith.constant 1024 : i32
      %mul3A_1218 = arith.muli %arg1, %mul3A_1217 : i32
      %add3A_1219 = arith.constant 560 : i32
      %add3A_1220 = arith.addi %mul3A_1218, %add3A_1219 : i32
      %iota3A_1221 = tpu.iota {dimensions = array<i32: 0>} : vector<16xi32>
      %add3A_1222 = vector.broadcast %add3A_1220 : i32 to vector<16xi32>
      %add3A_1223 = arith.addi %add3A_1222, %iota3A_1221 : vector<16xi32>
      %and3A_1224 = arith.constant 2047 : i32
      %and3A_1225 = vector.broadcast %and3A_1224 : i32 to vector<16xi32>
      %and3A_1226 = arith.andi %add3A_1223, %and3A_1225 : vector<16xi32>
      %add3A_1227 = arith.constant 20000 : i32
      %add3A_1228 = vector.broadcast %add3A_1227 : i32 to vector<16xi32>
      %add3A_1229 = arith.addi %add3A_1228, %and3A_1226 : vector<16xi32>
      %select_n3A_1230 = arith.select %and3A_1216, %sub3A_1209, %add3A_1229 : vector<16xi1>, vector<16xi32>
      %swap3A_1231 = arith.constant 4 : i32
      %swap3A_1232 = arith.index_cast %swap3A_1231 : i32 to index
      %swap3A_1233 = arith.constant 48 : index
      %swap3A_1234 = tpu.vector_load %arg8[%swap3A_1232, %swap3A_1233] {strides = array<i32>} : memref<8x128xi32, #tpu.memory_space<vmem>>, vector<1x16xi32>,
      %swap3A_1235 = vector.shape_cast %swap3A_1234 : vector<1x16xi32> to vector<16xi32>
      %swap3A_1236 = vector.shape_cast %select_n3A_1230 : vector<16xi32> to vector<1x16xi32>
      tpu.vector_store %arg8[%swap3A_1232, %swap3A_1233], %swap3A_1236 {strides = array<i32>} : memref<8x128xi32, #tpu.memory_space<vmem>>, vector<1x16xi32>,
      %get3A_1237 = arith.constant 4 : i32
      %get3A_1238 = arith.index_cast %get3A_1237 : i32 to index
      %get3A_1239 = arith.constant 64 : index
      %get3A_1240 = tpu.vector_load %arg6[%get3A_1238, %get3A_1239] {strides = array<i32>} : memref<8x128xi32, #tpu.memory_space<vmem>>, vector<1x16xi32>,
      %get3A_1241 = vector.shape_cast %get3A_1240 : vector<1x16xi32> to vector<16xi32>
      %sub3A_1242 = vector.broadcast %add3A : i32 to vector<16xi32>
      %sub3A_1243 = arith.subi %get3A_1241, %sub3A_1242 : vector<16xi32>
      %ge3A_1244 = arith.constant 0 : i32
      %ge3A_1245 = vector.broadcast %ge3A_1244 : i32 to vector<16xi32>
      %ge3A_1246 = arith.cmpi sge, %sub3A_1243, %ge3A_1245 : vector<16xi32>
      %lt3A_1247 = arith.constant 20000 : i32
      %lt3A_1248 = vector.broadcast %lt3A_1247 : i32 to vector<16xi32>
      %lt3A_1249 = arith.cmpi slt, %sub3A_1243, %lt3A_1248 : vector<16xi32>
      %and3A_1250 = arith.andi %ge3A_1246, %lt3A_1249 : vector<16xi1>
      %mul3A_1251 = arith.constant 1024 : i32
      %mul3A_1252 = arith.muli %arg1, %mul3A_1251 : i32
      %add3A_1253 = arith.constant 576 : i32
      %add3A_1254 = arith.addi %mul3A_1252, %add3A_1253 : i32
      %iota3A_1255 = tpu.iota {dimensions = array<i32: 0>} : vector<16xi32>
      %add3A_1256 = vector.broadcast %add3A_1254 : i32 to vector<16xi32>
      %add3A_1257 = arith.addi %add3A_1256, %iota3A_1255 : vector<16xi32>
      %and3A_1258 = arith.constant 2047 : i32
      %and3A_1259 = vector.broadcast %and3A_1258 : i32 to vector<16xi32>
      %and3A_1260 = arith.andi %add3A_1257, %and3A_1259 : vector<16xi32>
      %add3A_1261 = arith.constant 20000 : i32
      %add3A_1262 = vector.broadcast %add3A_1261 : i32 to vector<16xi32>
      %add3A_1263 = arith.addi %add3A_1262, %and3A_1260 : vector<16xi32>
      %select_n3A_1264 = arith.select %and3A_1250, %sub3A_1243, %add3A_1263 : vector<16xi1>, vector<16xi32>
      %swap3A_1265 = arith.constant 4 : i32
      %swap3A_1266 = arith.index_cast %swap3A_1265 : i32 to index
      %swap3A_1267 = arith.constant 64 : index
      %swap3A_1268 = tpu.vector_load %arg8[%swap3A_1266, %swap3A_1267] {strides = array<i32>} : memref<8x128xi32, #tpu.memory_space<vmem>>, vector<1x16xi32>,
      %swap3A_1269 = vector.shape_cast %swap3A_1268 : vector<1x16xi32> to vector<16xi32>
      %swap3A_1270 = vector.shape_cast %select_n3A_1264 : vector<16xi32> to vector<1x16xi32>
      tpu.vector_store %arg8[%swap3A_1266, %swap3A_1267], %swap3A_1270 {strides = array<i32>} : memref<8x128xi32, #tpu.memory_space<vmem>>, vector<1x16xi32>,
      %get3A_1271 = arith.constant 4 : i32
      %get3A_1272 = arith.index_cast %get3A_1271 : i32 to index
      %get3A_1273 = arith.constant 80 : index
      %get3A_1274 = tpu.vector_load %arg6[%get3A_1272, %get3A_1273] {strides = array<i32>} : memref<8x128xi32, #tpu.memory_space<vmem>>, vector<1x16xi32>,
      %get3A_1275 = vector.shape_cast %get3A_1274 : vector<1x16xi32> to vector<16xi32>
      %sub3A_1276 = vector.broadcast %add3A : i32 to vector<16xi32>
      %sub3A_1277 = arith.subi %get3A_1275, %sub3A_1276 : vector<16xi32>
      %ge3A_1278 = arith.constant 0 : i32
      %ge3A_1279 = vector.broadcast %ge3A_1278 : i32 to vector<16xi32>
      %ge3A_1280 = arith.cmpi sge, %sub3A_1277, %ge3A_1279 : vector<16xi32>
      %lt3A_1281 = arith.constant 20000 : i32
      %lt3A_1282 = vector.broadcast %lt3A_1281 : i32 to vector<16xi32>
      %lt3A_1283 = arith.cmpi slt, %sub3A_1277, %lt3A_1282 : vector<16xi32>
      %and3A_1284 = arith.andi %ge3A_1280, %lt3A_1283 : vector<16xi1>
      %mul3A_1285 = arith.constant 1024 : i32
      %mul3A_1286 = arith.muli %arg1, %mul3A_1285 : i32
      %add3A_1287 = arith.constant 592 : i32
      %add3A_1288 = arith.addi %mul3A_1286, %add3A_1287 : i32
      %iota3A_1289 = tpu.iota {dimensions = array<i32: 0>} : vector<16xi32>
      %add3A_1290 = vector.broadcast %add3A_1288 : i32 to vector<16xi32>
      %add3A_1291 = arith.addi %add3A_1290, %iota3A_1289 : vector<16xi32>
      %and3A_1292 = arith.constant 2047 : i32
      %and3A_1293 = vector.broadcast %and3A_1292 : i32 to vector<16xi32>
      %and3A_1294 = arith.andi %add3A_1291, %and3A_1293 : vector<16xi32>
      %add3A_1295 = arith.constant 20000 : i32
      %add3A_1296 = vector.broadcast %add3A_1295 : i32 to vector<16xi32>
      %add3A_1297 = arith.addi %add3A_1296, %and3A_1294 : vector<16xi32>
      %select_n3A_1298 = arith.select %and3A_1284, %sub3A_1277, %add3A_1297 : vector<16xi1>, vector<16xi32>
      %swap3A_1299 = arith.constant 4 : i32
      %swap3A_1300 = arith.index_cast %swap3A_1299 : i32 to index
      %swap3A_1301 = arith.constant 80 : index
      %swap3A_1302 = tpu.vector_load %arg8[%swap3A_1300, %swap3A_1301] {strides = array<i32>} : memref<8x128xi32, #tpu.memory_space<vmem>>, vector<1x16xi32>,
      %swap3A_1303 = vector.shape_cast %swap3A_1302 : vector<1x16xi32> to vector<16xi32>
      %swap3A_1304 = vector.shape_cast %select_n3A_1298 : vector<16xi32> to vector<1x16xi32>
      tpu.vector_store %arg8[%swap3A_1300, %swap3A_1301], %swap3A_1304 {strides = array<i32>} : memref<8x128xi32, #tpu.memory_space<vmem>>, vector<1x16xi32>,
      %get3A_1305 = arith.constant 4 : i32
      %get3A_1306 = arith.index_cast %get3A_1305 : i32 to index
      %get3A_1307 = arith.constant 96 : index
      %get3A_1308 = tpu.vector_load %arg6[%get3A_1306, %get3A_1307] {strides = array<i32>} : memref<8x128xi32, #tpu.memory_space<vmem>>, vector<1x16xi32>,
      %get3A_1309 = vector.shape_cast %get3A_1308 : vector<1x16xi32> to vector<16xi32>
      %sub3A_1310 = vector.broadcast %add3A : i32 to vector<16xi32>
      %sub3A_1311 = arith.subi %get3A_1309, %sub3A_1310 : vector<16xi32>
      %ge3A_1312 = arith.constant 0 : i32
      %ge3A_1313 = vector.broadcast %ge3A_1312 : i32 to vector<16xi32>
      %ge3A_1314 = arith.cmpi sge, %sub3A_1311, %ge3A_1313 : vector<16xi32>
      %lt3A_1315 = arith.constant 20000 : i32
      %lt3A_1316 = vector.broadcast %lt3A_1315 : i32 to vector<16xi32>
      %lt3A_1317 = arith.cmpi slt, %sub3A_1311, %lt3A_1316 : vector<16xi32>
      %and3A_1318 = arith.andi %ge3A_1314, %lt3A_1317 : vector<16xi1>
      %mul3A_1319 = arith.constant 1024 : i32
      %mul3A_1320 = arith.muli %arg1, %mul3A_1319 : i32
      %add3A_1321 = arith.constant 608 : i32
      %add3A_1322 = arith.addi %mul3A_1320, %add3A_1321 : i32
      %iota3A_1323 = tpu.iota {dimensions = array<i32: 0>} : vector<16xi32>
      %add3A_1324 = vector.broadcast %add3A_1322 : i32 to vector<16xi32>
      %add3A_1325 = arith.addi %add3A_1324, %iota3A_1323 : vector<16xi32>
      %and3A_1326 = arith.constant 2047 : i32
      %and3A_1327 = vector.broadcast %and3A_1326 : i32 to vector<16xi32>
      %and3A_1328 = arith.andi %add3A_1325, %and3A_1327 : vector<16xi32>
      %add3A_1329 = arith.constant 20000 : i32
      %add3A_1330 = vector.broadcast %add3A_1329 : i32 to vector<16xi32>
      %add3A_1331 = arith.addi %add3A_1330, %and3A_1328 : vector<16xi32>
      %select_n3A_1332 = arith.select %and3A_1318, %sub3A_1311, %add3A_1331 : vector<16xi1>, vector<16xi32>
      %swap3A_1333 = arith.constant 4 : i32
      %swap3A_1334 = arith.index_cast %swap3A_1333 : i32 to index
      %swap3A_1335 = arith.constant 96 : index
      %swap3A_1336 = tpu.vector_load %arg8[%swap3A_1334, %swap3A_1335] {strides = array<i32>} : memref<8x128xi32, #tpu.memory_space<vmem>>, vector<1x16xi32>,
      %swap3A_1337 = vector.shape_cast %swap3A_1336 : vector<1x16xi32> to vector<16xi32>
      %swap3A_1338 = vector.shape_cast %select_n3A_1332 : vector<16xi32> to vector<1x16xi32>
      tpu.vector_store %arg8[%swap3A_1334, %swap3A_1335], %swap3A_1338 {strides = array<i32>} : memref<8x128xi32, #tpu.memory_space<vmem>>, vector<1x16xi32>,
      %get3A_1339 = arith.constant 4 : i32
      %get3A_1340 = arith.index_cast %get3A_1339 : i32 to index
      %get3A_1341 = arith.constant 112 : index
      %get3A_1342 = tpu.vector_load %arg6[%get3A_1340, %get3A_1341] {strides = array<i32>} : memref<8x128xi32, #tpu.memory_space<vmem>>, vector<1x16xi32>,
      %get3A_1343 = vector.shape_cast %get3A_1342 : vector<1x16xi32> to vector<16xi32>
      %sub3A_1344 = vector.broadcast %add3A : i32 to vector<16xi32>
      %sub3A_1345 = arith.subi %get3A_1343, %sub3A_1344 : vector<16xi32>
      %ge3A_1346 = arith.constant 0 : i32
      %ge3A_1347 = vector.broadcast %ge3A_1346 : i32 to vector<16xi32>
      %ge3A_1348 = arith.cmpi sge, %sub3A_1345, %ge3A_1347 : vector<16xi32>
      %lt3A_1349 = arith.constant 20000 : i32
      %lt3A_1350 = vector.broadcast %lt3A_1349 : i32 to vector<16xi32>
      %lt3A_1351 = arith.cmpi slt, %sub3A_1345, %lt3A_1350 : vector<16xi32>
      %and3A_1352 = arith.andi %ge3A_1348, %lt3A_1351 : vector<16xi1>
      %mul3A_1353 = arith.constant 1024 : i32
      %mul3A_1354 = arith.muli %arg1, %mul3A_1353 : i32
      %add3A_1355 = arith.constant 624 : i32
      %add3A_1356 = arith.addi %mul3A_1354, %add3A_1355 : i32
      %iota3A_1357 = tpu.iota {dimensions = array<i32: 0>} : vector<16xi32>
      %add3A_1358 = vector.broadcast %add3A_1356 : i32 to vector<16xi32>
      %add3A_1359 = arith.addi %add3A_1358, %iota3A_1357 : vector<16xi32>
      %and3A_1360 = arith.constant 2047 : i32
      %and3A_1361 = vector.broadcast %and3A_1360 : i32 to vector<16xi32>
      %and3A_1362 = arith.andi %add3A_1359, %and3A_1361 : vector<16xi32>
      %add3A_1363 = arith.constant 20000 : i32
      %add3A_1364 = vector.broadcast %add3A_1363 : i32 to vector<16xi32>
      %add3A_1365 = arith.addi %add3A_1364, %and3A_1362 : vector<16xi32>
      %select_n3A_1366 = arith.select %and3A_1352, %sub3A_1345, %add3A_1365 : vector<16xi1>, vector<16xi32>
      %swap3A_1367 = arith.constant 4 : i32
      %swap3A_1368 = arith.index_cast %swap3A_1367 : i32 to index
      %swap3A_1369 = arith.constant 112 : index
      %swap3A_1370 = tpu.vector_load %arg8[%swap3A_1368, %swap3A_1369] {strides = array<i32>} : memref<8x128xi32, #tpu.memory_space<vmem>>, vector<1x16xi32>,
      %swap3A_1371 = vector.shape_cast %swap3A_1370 : vector<1x16xi32> to vector<16xi32>
      %swap3A_1372 = vector.shape_cast %select_n3A_1366 : vector<16xi32> to vector<1x16xi32>
      tpu.vector_store %arg8[%swap3A_1368, %swap3A_1369], %swap3A_1372 {strides = array<i32>} : memref<8x128xi32, #tpu.memory_space<vmem>>, vector<1x16xi32>,
      %get3A_1373 = arith.constant 5 : i32
      %get3A_1374 = arith.index_cast %get3A_1373 : i32 to index
      %get3A_1375 = arith.constant 0 : index
      %get3A_1376 = tpu.vector_load %arg6[%get3A_1374, %get3A_1375] {strides = array<i32>} : memref<8x128xi32, #tpu.memory_space<vmem>>, vector<1x16xi32>,
      %get3A_1377 = vector.shape_cast %get3A_1376 : vector<1x16xi32> to vector<16xi32>
      %sub3A_1378 = vector.broadcast %add3A : i32 to vector<16xi32>
      %sub3A_1379 = arith.subi %get3A_1377, %sub3A_1378 : vector<16xi32>
      %ge3A_1380 = arith.constant 0 : i32
      %ge3A_1381 = vector.broadcast %ge3A_1380 : i32 to vector<16xi32>
      %ge3A_1382 = arith.cmpi sge, %sub3A_1379, %ge3A_1381 : vector<16xi32>
      %lt3A_1383 = arith.constant 20000 : i32
      %lt3A_1384 = vector.broadcast %lt3A_1383 : i32 to vector<16xi32>
      %lt3A_1385 = arith.cmpi slt, %sub3A_1379, %lt3A_1384 : vector<16xi32>
      %and3A_1386 = arith.andi %ge3A_1382, %lt3A_1385 : vector<16xi1>
      %mul3A_1387 = arith.constant 1024 : i32
      %mul3A_1388 = arith.muli %arg1, %mul3A_1387 : i32
      %add3A_1389 = arith.constant 640 : i32
      %add3A_1390 = arith.addi %mul3A_1388, %add3A_1389 : i32
      %iota3A_1391 = tpu.iota {dimensions = array<i32: 0>} : vector<16xi32>
      %add3A_1392 = vector.broadcast %add3A_1390 : i32 to vector<16xi32>
      %add3A_1393 = arith.addi %add3A_1392, %iota3A_1391 : vector<16xi32>
      %and3A_1394 = arith.constant 2047 : i32
      %and3A_1395 = vector.broadcast %and3A_1394 : i32 to vector<16xi32>
      %and3A_1396 = arith.andi %add3A_1393, %and3A_1395 : vector<16xi32>
      %add3A_1397 = arith.constant 20000 : i32
      %add3A_1398 = vector.broadcast %add3A_1397 : i32 to vector<16xi32>
      %add3A_1399 = arith.addi %add3A_1398, %and3A_1396 : vector<16xi32>
      %select_n3A_1400 = arith.select %and3A_1386, %sub3A_1379, %add3A_1399 : vector<16xi1>, vector<16xi32>
      %swap3A_1401 = arith.constant 5 : i32
      %swap3A_1402 = arith.index_cast %swap3A_1401 : i32 to index
      %swap3A_1403 = arith.constant 0 : index
      %swap3A_1404 = tpu.vector_load %arg8[%swap3A_1402, %swap3A_1403] {strides = array<i32>} : memref<8x128xi32, #tpu.memory_space<vmem>>, vector<1x16xi32>,
      %swap3A_1405 = vector.shape_cast %swap3A_1404 : vector<1x16xi32> to vector<16xi32>
      %swap3A_1406 = vector.shape_cast %select_n3A_1400 : vector<16xi32> to vector<1x16xi32>
      tpu.vector_store %arg8[%swap3A_1402, %swap3A_1403], %swap3A_1406 {strides = array<i32>} : memref<8x128xi32, #tpu.memory_space<vmem>>, vector<1x16xi32>,
      %get3A_1407 = arith.constant 5 : i32
      %get3A_1408 = arith.index_cast %get3A_1407 : i32 to index
      %get3A_1409 = arith.constant 16 : index
      %get3A_1410 = tpu.vector_load %arg6[%get3A_1408, %get3A_1409] {strides = array<i32>} : memref<8x128xi32, #tpu.memory_space<vmem>>, vector<1x16xi32>,
      %get3A_1411 = vector.shape_cast %get3A_1410 : vector<1x16xi32> to vector<16xi32>
      %sub3A_1412 = vector.broadcast %add3A : i32 to vector<16xi32>
      %sub3A_1413 = arith.subi %get3A_1411, %sub3A_1412 : vector<16xi32>
      %ge3A_1414 = arith.constant 0 : i32
      %ge3A_1415 = vector.broadcast %ge3A_1414 : i32 to vector<16xi32>
      %ge3A_1416 = arith.cmpi sge, %sub3A_1413, %ge3A_1415 : vector<16xi32>
      %lt3A_1417 = arith.constant 20000 : i32
      %lt3A_1418 = vector.broadcast %lt3A_1417 : i32 to vector<16xi32>
      %lt3A_1419 = arith.cmpi slt, %sub3A_1413, %lt3A_1418 : vector<16xi32>
      %and3A_1420 = arith.andi %ge3A_1416, %lt3A_1419 : vector<16xi1>
      %mul3A_1421 = arith.constant 1024 : i32
      %mul3A_1422 = arith.muli %arg1, %mul3A_1421 : i32
      %add3A_1423 = arith.constant 656 : i32
      %add3A_1424 = arith.addi %mul3A_1422, %add3A_1423 : i32
      %iota3A_1425 = tpu.iota {dimensions = array<i32: 0>} : vector<16xi32>
      %add3A_1426 = vector.broadcast %add3A_1424 : i32 to vector<16xi32>
      %add3A_1427 = arith.addi %add3A_1426, %iota3A_1425 : vector<16xi32>
      %and3A_1428 = arith.constant 2047 : i32
      %and3A_1429 = vector.broadcast %and3A_1428 : i32 to vector<16xi32>
      %and3A_1430 = arith.andi %add3A_1427, %and3A_1429 : vector<16xi32>
      %add3A_1431 = arith.constant 20000 : i32
      %add3A_1432 = vector.broadcast %add3A_1431 : i32 to vector<16xi32>
      %add3A_1433 = arith.addi %add3A_1432, %and3A_1430 : vector<16xi32>
      %select_n3A_1434 = arith.select %and3A_1420, %sub3A_1413, %add3A_1433 : vector<16xi1>, vector<16xi32>
      %swap3A_1435 = arith.constant 5 : i32
      %swap3A_1436 = arith.index_cast %swap3A_1435 : i32 to index
      %swap3A_1437 = arith.constant 16 : index
      %swap3A_1438 = tpu.vector_load %arg8[%swap3A_1436, %swap3A_1437] {strides = array<i32>} : memref<8x128xi32, #tpu.memory_space<vmem>>, vector<1x16xi32>,
      %swap3A_1439 = vector.shape_cast %swap3A_1438 : vector<1x16xi32> to vector<16xi32>
      %swap3A_1440 = vector.shape_cast %select_n3A_1434 : vector<16xi32> to vector<1x16xi32>
      tpu.vector_store %arg8[%swap3A_1436, %swap3A_1437], %swap3A_1440 {strides = array<i32>} : memref<8x128xi32, #tpu.memory_space<vmem>>, vector<1x16xi32>,
      %get3A_1441 = arith.constant 5 : i32
      %get3A_1442 = arith.index_cast %get3A_1441 : i32 to index
      %get3A_1443 = arith.constant 32 : index
      %get3A_1444 = tpu.vector_load %arg6[%get3A_1442, %get3A_1443] {strides = array<i32>} : memref<8x128xi32, #tpu.memory_space<vmem>>, vector<1x16xi32>,
      %get3A_1445 = vector.shape_cast %get3A_1444 : vector<1x16xi32> to vector<16xi32>
      %sub3A_1446 = vector.broadcast %add3A : i32 to vector<16xi32>
      %sub3A_1447 = arith.subi %get3A_1445, %sub3A_1446 : vector<16xi32>
      %ge3A_1448 = arith.constant 0 : i32
      %ge3A_1449 = vector.broadcast %ge3A_1448 : i32 to vector<16xi32>
      %ge3A_1450 = arith.cmpi sge, %sub3A_1447, %ge3A_1449 : vector<16xi32>
      %lt3A_1451 = arith.constant 20000 : i32
      %lt3A_1452 = vector.broadcast %lt3A_1451 : i32 to vector<16xi32>
      %lt3A_1453 = arith.cmpi slt, %sub3A_1447, %lt3A_1452 : vector<16xi32>
      %and3A_1454 = arith.andi %ge3A_1450, %lt3A_1453 : vector<16xi1>
      %mul3A_1455 = arith.constant 1024 : i32
      %mul3A_1456 = arith.muli %arg1, %mul3A_1455 : i32
      %add3A_1457 = arith.constant 672 : i32
      %add3A_1458 = arith.addi %mul3A_1456, %add3A_1457 : i32
      %iota3A_1459 = tpu.iota {dimensions = array<i32: 0>} : vector<16xi32>
      %add3A_1460 = vector.broadcast %add3A_1458 : i32 to vector<16xi32>
      %add3A_1461 = arith.addi %add3A_1460, %iota3A_1459 : vector<16xi32>
      %and3A_1462 = arith.constant 2047 : i32
      %and3A_1463 = vector.broadcast %and3A_1462 : i32 to vector<16xi32>
      %and3A_1464 = arith.andi %add3A_1461, %and3A_1463 : vector<16xi32>
      %add3A_1465 = arith.constant 20000 : i32
      %add3A_1466 = vector.broadcast %add3A_1465 : i32 to vector<16xi32>
      %add3A_1467 = arith.addi %add3A_1466, %and3A_1464 : vector<16xi32>
      %select_n3A_1468 = arith.select %and3A_1454, %sub3A_1447, %add3A_1467 : vector<16xi1>, vector<16xi32>
      %swap3A_1469 = arith.constant 5 : i32
      %swap3A_1470 = arith.index_cast %swap3A_1469 : i32 to index
      %swap3A_1471 = arith.constant 32 : index
      %swap3A_1472 = tpu.vector_load %arg8[%swap3A_1470, %swap3A_1471] {strides = array<i32>} : memref<8x128xi32, #tpu.memory_space<vmem>>, vector<1x16xi32>,
      %swap3A_1473 = vector.shape_cast %swap3A_1472 : vector<1x16xi32> to vector<16xi32>
      %swap3A_1474 = vector.shape_cast %select_n3A_1468 : vector<16xi32> to vector<1x16xi32>
      tpu.vector_store %arg8[%swap3A_1470, %swap3A_1471], %swap3A_1474 {strides = array<i32>} : memref<8x128xi32, #tpu.memory_space<vmem>>, vector<1x16xi32>,
      %get3A_1475 = arith.constant 5 : i32
      %get3A_1476 = arith.index_cast %get3A_1475 : i32 to index
      %get3A_1477 = arith.constant 48 : index
      %get3A_1478 = tpu.vector_load %arg6[%get3A_1476, %get3A_1477] {strides = array<i32>} : memref<8x128xi32, #tpu.memory_space<vmem>>, vector<1x16xi32>,
      %get3A_1479 = vector.shape_cast %get3A_1478 : vector<1x16xi32> to vector<16xi32>
      %sub3A_1480 = vector.broadcast %add3A : i32 to vector<16xi32>
      %sub3A_1481 = arith.subi %get3A_1479, %sub3A_1480 : vector<16xi32>
      %ge3A_1482 = arith.constant 0 : i32
      %ge3A_1483 = vector.broadcast %ge3A_1482 : i32 to vector<16xi32>
      %ge3A_1484 = arith.cmpi sge, %sub3A_1481, %ge3A_1483 : vector<16xi32>
      %lt3A_1485 = arith.constant 20000 : i32
      %lt3A_1486 = vector.broadcast %lt3A_1485 : i32 to vector<16xi32>
      %lt3A_1487 = arith.cmpi slt, %sub3A_1481, %lt3A_1486 : vector<16xi32>
      %and3A_1488 = arith.andi %ge3A_1484, %lt3A_1487 : vector<16xi1>
      %mul3A_1489 = arith.constant 1024 : i32
      %mul3A_1490 = arith.muli %arg1, %mul3A_1489 : i32
      %add3A_1491 = arith.constant 688 : i32
      %add3A_1492 = arith.addi %mul3A_1490, %add3A_1491 : i32
      %iota3A_1493 = tpu.iota {dimensions = array<i32: 0>} : vector<16xi32>
      %add3A_1494 = vector.broadcast %add3A_1492 : i32 to vector<16xi32>
      %add3A_1495 = arith.addi %add3A_1494, %iota3A_1493 : vector<16xi32>
      %and3A_1496 = arith.constant 2047 : i32
      %and3A_1497 = vector.broadcast %and3A_1496 : i32 to vector<16xi32>
      %and3A_1498 = arith.andi %add3A_1495, %and3A_1497 : vector<16xi32>
      %add3A_1499 = arith.constant 20000 : i32
      %add3A_1500 = vector.broadcast %add3A_1499 : i32 to vector<16xi32>
      %add3A_1501 = arith.addi %add3A_1500, %and3A_1498 : vector<16xi32>
      %select_n3A_1502 = arith.select %and3A_1488, %sub3A_1481, %add3A_1501 : vector<16xi1>, vector<16xi32>
      %swap3A_1503 = arith.constant 5 : i32
      %swap3A_1504 = arith.index_cast %swap3A_1503 : i32 to index
      %swap3A_1505 = arith.constant 48 : index
      %swap3A_1506 = tpu.vector_load %arg8[%swap3A_1504, %swap3A_1505] {strides = array<i32>} : memref<8x128xi32, #tpu.memory_space<vmem>>, vector<1x16xi32>,
      %swap3A_1507 = vector.shape_cast %swap3A_1506 : vector<1x16xi32> to vector<16xi32>
      %swap3A_1508 = vector.shape_cast %select_n3A_1502 : vector<16xi32> to vector<1x16xi32>
      tpu.vector_store %arg8[%swap3A_1504, %swap3A_1505], %swap3A_1508 {strides = array<i32>} : memref<8x128xi32, #tpu.memory_space<vmem>>, vector<1x16xi32>,
      %get3A_1509 = arith.constant 5 : i32
      %get3A_1510 = arith.index_cast %get3A_1509 : i32 to index
      %get3A_1511 = arith.constant 64 : index
      %get3A_1512 = tpu.vector_load %arg6[%get3A_1510, %get3A_1511] {strides = array<i32>} : memref<8x128xi32, #tpu.memory_space<vmem>>, vector<1x16xi32>,
      %get3A_1513 = vector.shape_cast %get3A_1512 : vector<1x16xi32> to vector<16xi32>
      %sub3A_1514 = vector.broadcast %add3A : i32 to vector<16xi32>
      %sub3A_1515 = arith.subi %get3A_1513, %sub3A_1514 : vector<16xi32>
      %ge3A_1516 = arith.constant 0 : i32
      %ge3A_1517 = vector.broadcast %ge3A_1516 : i32 to vector<16xi32>
      %ge3A_1518 = arith.cmpi sge, %sub3A_1515, %ge3A_1517 : vector<16xi32>
      %lt3A_1519 = arith.constant 20000 : i32
      %lt3A_1520 = vector.broadcast %lt3A_1519 : i32 to vector<16xi32>
      %lt3A_1521 = arith.cmpi slt, %sub3A_1515, %lt3A_1520 : vector<16xi32>
      %and3A_1522 = arith.andi %ge3A_1518, %lt3A_1521 : vector<16xi1>
      %mul3A_1523 = arith.constant 1024 : i32
      %mul3A_1524 = arith.muli %arg1, %mul3A_1523 : i32
      %add3A_1525 = arith.constant 704 : i32
      %add3A_1526 = arith.addi %mul3A_1524, %add3A_1525 : i32
      %iota3A_1527 = tpu.iota {dimensions = array<i32: 0>} : vector<16xi32>
      %add3A_1528 = vector.broadcast %add3A_1526 : i32 to vector<16xi32>
      %add3A_1529 = arith.addi %add3A_1528, %iota3A_1527 : vector<16xi32>
      %and3A_1530 = arith.constant 2047 : i32
      %and3A_1531 = vector.broadcast %and3A_1530 : i32 to vector<16xi32>
      %and3A_1532 = arith.andi %add3A_1529, %and3A_1531 : vector<16xi32>
      %add3A_1533 = arith.constant 20000 : i32
      %add3A_1534 = vector.broadcast %add3A_1533 : i32 to vector<16xi32>
      %add3A_1535 = arith.addi %add3A_1534, %and3A_1532 : vector<16xi32>
      %select_n3A_1536 = arith.select %and3A_1522, %sub3A_1515, %add3A_1535 : vector<16xi1>, vector<16xi32>
      %swap3A_1537 = arith.constant 5 : i32
      %swap3A_1538 = arith.index_cast %swap3A_1537 : i32 to index
      %swap3A_1539 = arith.constant 64 : index
      %swap3A_1540 = tpu.vector_load %arg8[%swap3A_1538, %swap3A_1539] {strides = array<i32>} : memref<8x128xi32, #tpu.memory_space<vmem>>, vector<1x16xi32>,
      %swap3A_1541 = vector.shape_cast %swap3A_1540 : vector<1x16xi32> to vector<16xi32>
      %swap3A_1542 = vector.shape_cast %select_n3A_1536 : vector<16xi32> to vector<1x16xi32>
      tpu.vector_store %arg8[%swap3A_1538, %swap3A_1539], %swap3A_1542 {strides = array<i32>} : memref<8x128xi32, #tpu.memory_space<vmem>>, vector<1x16xi32>,
      %get3A_1543 = arith.constant 5 : i32
      %get3A_1544 = arith.index_cast %get3A_1543 : i32 to index
      %get3A_1545 = arith.constant 80 : index
      %get3A_1546 = tpu.vector_load %arg6[%get3A_1544, %get3A_1545] {strides = array<i32>} : memref<8x128xi32, #tpu.memory_space<vmem>>, vector<1x16xi32>,
      %get3A_1547 = vector.shape_cast %get3A_1546 : vector<1x16xi32> to vector<16xi32>
      %sub3A_1548 = vector.broadcast %add3A : i32 to vector<16xi32>
      %sub3A_1549 = arith.subi %get3A_1547, %sub3A_1548 : vector<16xi32>
      %ge3A_1550 = arith.constant 0 : i32
      %ge3A_1551 = vector.broadcast %ge3A_1550 : i32 to vector<16xi32>
      %ge3A_1552 = arith.cmpi sge, %sub3A_1549, %ge3A_1551 : vector<16xi32>
      %lt3A_1553 = arith.constant 20000 : i32
      %lt3A_1554 = vector.broadcast %lt3A_1553 : i32 to vector<16xi32>
      %lt3A_1555 = arith.cmpi slt, %sub3A_1549, %lt3A_1554 : vector<16xi32>
      %and3A_1556 = arith.andi %ge3A_1552, %lt3A_1555 : vector<16xi1>
      %mul3A_1557 = arith.constant 1024 : i32
      %mul3A_1558 = arith.muli %arg1, %mul3A_1557 : i32
      %add3A_1559 = arith.constant 720 : i32
      %add3A_1560 = arith.addi %mul3A_1558, %add3A_1559 : i32
      %iota3A_1561 = tpu.iota {dimensions = array<i32: 0>} : vector<16xi32>
      %add3A_1562 = vector.broadcast %add3A_1560 : i32 to vector<16xi32>
      %add3A_1563 = arith.addi %add3A_1562, %iota3A_1561 : vector<16xi32>
      %and3A_1564 = arith.constant 2047 : i32
      %and3A_1565 = vector.broadcast %and3A_1564 : i32 to vector<16xi32>
      %and3A_1566 = arith.andi %add3A_1563, %and3A_1565 : vector<16xi32>
      %add3A_1567 = arith.constant 20000 : i32
      %add3A_1568 = vector.broadcast %add3A_1567 : i32 to vector<16xi32>
      %add3A_1569 = arith.addi %add3A_1568, %and3A_1566 : vector<16xi32>
      %select_n3A_1570 = arith.select %and3A_1556, %sub3A_1549, %add3A_1569 : vector<16xi1>, vector<16xi32>
      %swap3A_1571 = arith.constant 5 : i32
      %swap3A_1572 = arith.index_cast %swap3A_1571 : i32 to index
      %swap3A_1573 = arith.constant 80 : index
      %swap3A_1574 = tpu.vector_load %arg8[%swap3A_1572, %swap3A_1573] {strides = array<i32>} : memref<8x128xi32, #tpu.memory_space<vmem>>, vector<1x16xi32>,
      %swap3A_1575 = vector.shape_cast %swap3A_1574 : vector<1x16xi32> to vector<16xi32>
      %swap3A_1576 = vector.shape_cast %select_n3A_1570 : vector<16xi32> to vector<1x16xi32>
      tpu.vector_store %arg8[%swap3A_1572, %swap3A_1573], %swap3A_1576 {strides = array<i32>} : memref<8x128xi32, #tpu.memory_space<vmem>>, vector<1x16xi32>,
      %get3A_1577 = arith.constant 5 : i32
      %get3A_1578 = arith.index_cast %get3A_1577 : i32 to index
      %get3A_1579 = arith.constant 96 : index
      %get3A_1580 = tpu.vector_load %arg6[%get3A_1578, %get3A_1579] {strides = array<i32>} : memref<8x128xi32, #tpu.memory_space<vmem>>, vector<1x16xi32>,
      %get3A_1581 = vector.shape_cast %get3A_1580 : vector<1x16xi32> to vector<16xi32>
      %sub3A_1582 = vector.broadcast %add3A : i32 to vector<16xi32>
      %sub3A_1583 = arith.subi %get3A_1581, %sub3A_1582 : vector<16xi32>
      %ge3A_1584 = arith.constant 0 : i32
      %ge3A_1585 = vector.broadcast %ge3A_1584 : i32 to vector<16xi32>
      %ge3A_1586 = arith.cmpi sge, %sub3A_1583, %ge3A_1585 : vector<16xi32>
      %lt3A_1587 = arith.constant 20000 : i32
      %lt3A_1588 = vector.broadcast %lt3A_1587 : i32 to vector<16xi32>
      %lt3A_1589 = arith.cmpi slt, %sub3A_1583, %lt3A_1588 : vector<16xi32>
      %and3A_1590 = arith.andi %ge3A_1586, %lt3A_1589 : vector<16xi1>
      %mul3A_1591 = arith.constant 1024 : i32
      %mul3A_1592 = arith.muli %arg1, %mul3A_1591 : i32
      %add3A_1593 = arith.constant 736 : i32
      %add3A_1594 = arith.addi %mul3A_1592, %add3A_1593 : i32
      %iota3A_1595 = tpu.iota {dimensions = array<i32: 0>} : vector<16xi32>
      %add3A_1596 = vector.broadcast %add3A_1594 : i32 to vector<16xi32>
      %add3A_1597 = arith.addi %add3A_1596, %iota3A_1595 : vector<16xi32>
      %and3A_1598 = arith.constant 2047 : i32
      %and3A_1599 = vector.broadcast %and3A_1598 : i32 to vector<16xi32>
      %and3A_1600 = arith.andi %add3A_1597, %and3A_1599 : vector<16xi32>
      %add3A_1601 = arith.constant 20000 : i32
      %add3A_1602 = vector.broadcast %add3A_1601 : i32 to vector<16xi32>
      %add3A_1603 = arith.addi %add3A_1602, %and3A_1600 : vector<16xi32>
      %select_n3A_1604 = arith.select %and3A_1590, %sub3A_1583, %add3A_1603 : vector<16xi1>, vector<16xi32>
      %swap3A_1605 = arith.constant 5 : i32
      %swap3A_1606 = arith.index_cast %swap3A_1605 : i32 to index
      %swap3A_1607 = arith.constant 96 : index
      %swap3A_1608 = tpu.vector_load %arg8[%swap3A_1606, %swap3A_1607] {strides = array<i32>} : memref<8x128xi32, #tpu.memory_space<vmem>>, vector<1x16xi32>,
      %swap3A_1609 = vector.shape_cast %swap3A_1608 : vector<1x16xi32> to vector<16xi32>
      %swap3A_1610 = vector.shape_cast %select_n3A_1604 : vector<16xi32> to vector<1x16xi32>
      tpu.vector_store %arg8[%swap3A_1606, %swap3A_1607], %swap3A_1610 {strides = array<i32>} : memref<8x128xi32, #tpu.memory_space<vmem>>, vector<1x16xi32>,
      %get3A_1611 = arith.constant 5 : i32
      %get3A_1612 = arith.index_cast %get3A_1611 : i32 to index
      %get3A_1613 = arith.constant 112 : index
      %get3A_1614 = tpu.vector_load %arg6[%get3A_1612, %get3A_1613] {strides = array<i32>} : memref<8x128xi32, #tpu.memory_space<vmem>>, vector<1x16xi32>,
      %get3A_1615 = vector.shape_cast %get3A_1614 : vector<1x16xi32> to vector<16xi32>
      %sub3A_1616 = vector.broadcast %add3A : i32 to vector<16xi32>
      %sub3A_1617 = arith.subi %get3A_1615, %sub3A_1616 : vector<16xi32>
      %ge3A_1618 = arith.constant 0 : i32
      %ge3A_1619 = vector.broadcast %ge3A_1618 : i32 to vector<16xi32>
      %ge3A_1620 = arith.cmpi sge, %sub3A_1617, %ge3A_1619 : vector<16xi32>
      %lt3A_1621 = arith.constant 20000 : i32
      %lt3A_1622 = vector.broadcast %lt3A_1621 : i32 to vector<16xi32>
      %lt3A_1623 = arith.cmpi slt, %sub3A_1617, %lt3A_1622 : vector<16xi32>
      %and3A_1624 = arith.andi %ge3A_1620, %lt3A_1623 : vector<16xi1>
      %mul3A_1625 = arith.constant 1024 : i32
      %mul3A_1626 = arith.muli %arg1, %mul3A_1625 : i32
      %add3A_1627 = arith.constant 752 : i32
      %add3A_1628 = arith.addi %mul3A_1626, %add3A_1627 : i32
      %iota3A_1629 = tpu.iota {dimensions = array<i32: 0>} : vector<16xi32>
      %add3A_1630 = vector.broadcast %add3A_1628 : i32 to vector<16xi32>
      %add3A_1631 = arith.addi %add3A_1630, %iota3A_1629 : vector<16xi32>
      %and3A_1632 = arith.constant 2047 : i32
      %and3A_1633 = vector.broadcast %and3A_1632 : i32 to vector<16xi32>
      %and3A_1634 = arith.andi %add3A_1631, %and3A_1633 : vector<16xi32>
      %add3A_1635 = arith.constant 20000 : i32
      %add3A_1636 = vector.broadcast %add3A_1635 : i32 to vector<16xi32>
      %add3A_1637 = arith.addi %add3A_1636, %and3A_1634 : vector<16xi32>
      %select_n3A_1638 = arith.select %and3A_1624, %sub3A_1617, %add3A_1637 : vector<16xi1>, vector<16xi32>
      %swap3A_1639 = arith.constant 5 : i32
      %swap3A_1640 = arith.index_cast %swap3A_1639 : i32 to index
      %swap3A_1641 = arith.constant 112 : index
      %swap3A_1642 = tpu.vector_load %arg8[%swap3A_1640, %swap3A_1641] {strides = array<i32>} : memref<8x128xi32, #tpu.memory_space<vmem>>, vector<1x16xi32>,
      %swap3A_1643 = vector.shape_cast %swap3A_1642 : vector<1x16xi32> to vector<16xi32>
      %swap3A_1644 = vector.shape_cast %select_n3A_1638 : vector<16xi32> to vector<1x16xi32>
      tpu.vector_store %arg8[%swap3A_1640, %swap3A_1641], %swap3A_1644 {strides = array<i32>} : memref<8x128xi32, #tpu.memory_space<vmem>>, vector<1x16xi32>,
      %get3A_1645 = arith.constant 6 : i32
      %get3A_1646 = arith.index_cast %get3A_1645 : i32 to index
      %get3A_1647 = arith.constant 0 : index
      %get3A_1648 = tpu.vector_load %arg6[%get3A_1646, %get3A_1647] {strides = array<i32>} : memref<8x128xi32, #tpu.memory_space<vmem>>, vector<1x16xi32>,
      %get3A_1649 = vector.shape_cast %get3A_1648 : vector<1x16xi32> to vector<16xi32>
      %sub3A_1650 = vector.broadcast %add3A : i32 to vector<16xi32>
      %sub3A_1651 = arith.subi %get3A_1649, %sub3A_1650 : vector<16xi32>
      %ge3A_1652 = arith.constant 0 : i32
      %ge3A_1653 = vector.broadcast %ge3A_1652 : i32 to vector<16xi32>
      %ge3A_1654 = arith.cmpi sge, %sub3A_1651, %ge3A_1653 : vector<16xi32>
      %lt3A_1655 = arith.constant 20000 : i32
      %lt3A_1656 = vector.broadcast %lt3A_1655 : i32 to vector<16xi32>
      %lt3A_1657 = arith.cmpi slt, %sub3A_1651, %lt3A_1656 : vector<16xi32>
      %and3A_1658 = arith.andi %ge3A_1654, %lt3A_1657 : vector<16xi1>
      %mul3A_1659 = arith.constant 1024 : i32
      %mul3A_1660 = arith.muli %arg1, %mul3A_1659 : i32
      %add3A_1661 = arith.constant 768 : i32
      %add3A_1662 = arith.addi %mul3A_1660, %add3A_1661 : i32
      %iota3A_1663 = tpu.iota {dimensions = array<i32: 0>} : vector<16xi32>
      %add3A_1664 = vector.broadcast %add3A_1662 : i32 to vector<16xi32>
      %add3A_1665 = arith.addi %add3A_1664, %iota3A_1663 : vector<16xi32>
      %and3A_1666 = arith.constant 2047 : i32
      %and3A_1667 = vector.broadcast %and3A_1666 : i32 to vector<16xi32>
      %and3A_1668 = arith.andi %add3A_1665, %and3A_1667 : vector<16xi32>
      %add3A_1669 = arith.constant 20000 : i32
      %add3A_1670 = vector.broadcast %add3A_1669 : i32 to vector<16xi32>
      %add3A_1671 = arith.addi %add3A_1670, %and3A_1668 : vector<16xi32>
      %select_n3A_1672 = arith.select %and3A_1658, %sub3A_1651, %add3A_1671 : vector<16xi1>, vector<16xi32>
      %swap3A_1673 = arith.constant 6 : i32
      %swap3A_1674 = arith.index_cast %swap3A_1673 : i32 to index
      %swap3A_1675 = arith.constant 0 : index
      %swap3A_1676 = tpu.vector_load %arg8[%swap3A_1674, %swap3A_1675] {strides = array<i32>} : memref<8x128xi32, #tpu.memory_space<vmem>>, vector<1x16xi32>,
      %swap3A_1677 = vector.shape_cast %swap3A_1676 : vector<1x16xi32> to vector<16xi32>
      %swap3A_1678 = vector.shape_cast %select_n3A_1672 : vector<16xi32> to vector<1x16xi32>
      tpu.vector_store %arg8[%swap3A_1674, %swap3A_1675], %swap3A_1678 {strides = array<i32>} : memref<8x128xi32, #tpu.memory_space<vmem>>, vector<1x16xi32>,
      %get3A_1679 = arith.constant 6 : i32
      %get3A_1680 = arith.index_cast %get3A_1679 : i32 to index
      %get3A_1681 = arith.constant 16 : index
      %get3A_1682 = tpu.vector_load %arg6[%get3A_1680, %get3A_1681] {strides = array<i32>} : memref<8x128xi32, #tpu.memory_space<vmem>>, vector<1x16xi32>,
      %get3A_1683 = vector.shape_cast %get3A_1682 : vector<1x16xi32> to vector<16xi32>
      %sub3A_1684 = vector.broadcast %add3A : i32 to vector<16xi32>
      %sub3A_1685 = arith.subi %get3A_1683, %sub3A_1684 : vector<16xi32>
      %ge3A_1686 = arith.constant 0 : i32
      %ge3A_1687 = vector.broadcast %ge3A_1686 : i32 to vector<16xi32>
      %ge3A_1688 = arith.cmpi sge, %sub3A_1685, %ge3A_1687 : vector<16xi32>
      %lt3A_1689 = arith.constant 20000 : i32
      %lt3A_1690 = vector.broadcast %lt3A_1689 : i32 to vector<16xi32>
      %lt3A_1691 = arith.cmpi slt, %sub3A_1685, %lt3A_1690 : vector<16xi32>
      %and3A_1692 = arith.andi %ge3A_1688, %lt3A_1691 : vector<16xi1>
      %mul3A_1693 = arith.constant 1024 : i32
      %mul3A_1694 = arith.muli %arg1, %mul3A_1693 : i32
      %add3A_1695 = arith.constant 784 : i32
      %add3A_1696 = arith.addi %mul3A_1694, %add3A_1695 : i32
      %iota3A_1697 = tpu.iota {dimensions = array<i32: 0>} : vector<16xi32>
      %add3A_1698 = vector.broadcast %add3A_1696 : i32 to vector<16xi32>
      %add3A_1699 = arith.addi %add3A_1698, %iota3A_1697 : vector<16xi32>
      %and3A_1700 = arith.constant 2047 : i32
      %and3A_1701 = vector.broadcast %and3A_1700 : i32 to vector<16xi32>
      %and3A_1702 = arith.andi %add3A_1699, %and3A_1701 : vector<16xi32>
      %add3A_1703 = arith.constant 20000 : i32
      %add3A_1704 = vector.broadcast %add3A_1703 : i32 to vector<16xi32>
      %add3A_1705 = arith.addi %add3A_1704, %and3A_1702 : vector<16xi32>
      %select_n3A_1706 = arith.select %and3A_1692, %sub3A_1685, %add3A_1705 : vector<16xi1>, vector<16xi32>
      %swap3A_1707 = arith.constant 6 : i32
      %swap3A_1708 = arith.index_cast %swap3A_1707 : i32 to index
      %swap3A_1709 = arith.constant 16 : index
      %swap3A_1710 = tpu.vector_load %arg8[%swap3A_1708, %swap3A_1709] {strides = array<i32>} : memref<8x128xi32, #tpu.memory_space<vmem>>, vector<1x16xi32>,
      %swap3A_1711 = vector.shape_cast %swap3A_1710 : vector<1x16xi32> to vector<16xi32>
      %swap3A_1712 = vector.shape_cast %select_n3A_1706 : vector<16xi32> to vector<1x16xi32>
      tpu.vector_store %arg8[%swap3A_1708, %swap3A_1709], %swap3A_1712 {strides = array<i32>} : memref<8x128xi32, #tpu.memory_space<vmem>>, vector<1x16xi32>,
      %get3A_1713 = arith.constant 6 : i32
      %get3A_1714 = arith.index_cast %get3A_1713 : i32 to index
      %get3A_1715 = arith.constant 32 : index
      %get3A_1716 = tpu.vector_load %arg6[%get3A_1714, %get3A_1715] {strides = array<i32>} : memref<8x128xi32, #tpu.memory_space<vmem>>, vector<1x16xi32>,
      %get3A_1717 = vector.shape_cast %get3A_1716 : vector<1x16xi32> to vector<16xi32>
      %sub3A_1718 = vector.broadcast %add3A : i32 to vector<16xi32>
      %sub3A_1719 = arith.subi %get3A_1717, %sub3A_1718 : vector<16xi32>
      %ge3A_1720 = arith.constant 0 : i32
      %ge3A_1721 = vector.broadcast %ge3A_1720 : i32 to vector<16xi32>
      %ge3A_1722 = arith.cmpi sge, %sub3A_1719, %ge3A_1721 : vector<16xi32>
      %lt3A_1723 = arith.constant 20000 : i32
      %lt3A_1724 = vector.broadcast %lt3A_1723 : i32 to vector<16xi32>
      %lt3A_1725 = arith.cmpi slt, %sub3A_1719, %lt3A_1724 : vector<16xi32>
      %and3A_1726 = arith.andi %ge3A_1722, %lt3A_1725 : vector<16xi1>
      %mul3A_1727 = arith.constant 1024 : i32
      %mul3A_1728 = arith.muli %arg1, %mul3A_1727 : i32
      %add3A_1729 = arith.constant 800 : i32
      %add3A_1730 = arith.addi %mul3A_1728, %add3A_1729 : i32
      %iota3A_1731 = tpu.iota {dimensions = array<i32: 0>} : vector<16xi32>
      %add3A_1732 = vector.broadcast %add3A_1730 : i32 to vector<16xi32>
      %add3A_1733 = arith.addi %add3A_1732, %iota3A_1731 : vector<16xi32>
      %and3A_1734 = arith.constant 2047 : i32
      %and3A_1735 = vector.broadcast %and3A_1734 : i32 to vector<16xi32>
      %and3A_1736 = arith.andi %add3A_1733, %and3A_1735 : vector<16xi32>
      %add3A_1737 = arith.constant 20000 : i32
      %add3A_1738 = vector.broadcast %add3A_1737 : i32 to vector<16xi32>
      %add3A_1739 = arith.addi %add3A_1738, %and3A_1736 : vector<16xi32>
      %select_n3A_1740 = arith.select %and3A_1726, %sub3A_1719, %add3A_1739 : vector<16xi1>, vector<16xi32>
      %swap3A_1741 = arith.constant 6 : i32
      %swap3A_1742 = arith.index_cast %swap3A_1741 : i32 to index
      %swap3A_1743 = arith.constant 32 : index
      %swap3A_1744 = tpu.vector_load %arg8[%swap3A_1742, %swap3A_1743] {strides = array<i32>} : memref<8x128xi32, #tpu.memory_space<vmem>>, vector<1x16xi32>,
      %swap3A_1745 = vector.shape_cast %swap3A_1744 : vector<1x16xi32> to vector<16xi32>
      %swap3A_1746 = vector.shape_cast %select_n3A_1740 : vector<16xi32> to vector<1x16xi32>
      tpu.vector_store %arg8[%swap3A_1742, %swap3A_1743], %swap3A_1746 {strides = array<i32>} : memref<8x128xi32, #tpu.memory_space<vmem>>, vector<1x16xi32>,
      %get3A_1747 = arith.constant 6 : i32
      %get3A_1748 = arith.index_cast %get3A_1747 : i32 to index
      %get3A_1749 = arith.constant 48 : index
      %get3A_1750 = tpu.vector_load %arg6[%get3A_1748, %get3A_1749] {strides = array<i32>} : memref<8x128xi32, #tpu.memory_space<vmem>>, vector<1x16xi32>,
      %get3A_1751 = vector.shape_cast %get3A_1750 : vector<1x16xi32> to vector<16xi32>
      %sub3A_1752 = vector.broadcast %add3A : i32 to vector<16xi32>
      %sub3A_1753 = arith.subi %get3A_1751, %sub3A_1752 : vector<16xi32>
      %ge3A_1754 = arith.constant 0 : i32
      %ge3A_1755 = vector.broadcast %ge3A_1754 : i32 to vector<16xi32>
      %ge3A_1756 = arith.cmpi sge, %sub3A_1753, %ge3A_1755 : vector<16xi32>
      %lt3A_1757 = arith.constant 20000 : i32
      %lt3A_1758 = vector.broadcast %lt3A_1757 : i32 to vector<16xi32>
      %lt3A_1759 = arith.cmpi slt, %sub3A_1753, %lt3A_1758 : vector<16xi32>
      %and3A_1760 = arith.andi %ge3A_1756, %lt3A_1759 : vector<16xi1>
      %mul3A_1761 = arith.constant 1024 : i32
      %mul3A_1762 = arith.muli %arg1, %mul3A_1761 : i32
      %add3A_1763 = arith.constant 816 : i32
      %add3A_1764 = arith.addi %mul3A_1762, %add3A_1763 : i32
      %iota3A_1765 = tpu.iota {dimensions = array<i32: 0>} : vector<16xi32>
      %add3A_1766 = vector.broadcast %add3A_1764 : i32 to vector<16xi32>
      %add3A_1767 = arith.addi %add3A_1766, %iota3A_1765 : vector<16xi32>
      %and3A_1768 = arith.constant 2047 : i32
      %and3A_1769 = vector.broadcast %and3A_1768 : i32 to vector<16xi32>
      %and3A_1770 = arith.andi %add3A_1767, %and3A_1769 : vector<16xi32>
      %add3A_1771 = arith.constant 20000 : i32
      %add3A_1772 = vector.broadcast %add3A_1771 : i32 to vector<16xi32>
      %add3A_1773 = arith.addi %add3A_1772, %and3A_1770 : vector<16xi32>
      %select_n3A_1774 = arith.select %and3A_1760, %sub3A_1753, %add3A_1773 : vector<16xi1>, vector<16xi32>
      %swap3A_1775 = arith.constant 6 : i32
      %swap3A_1776 = arith.index_cast %swap3A_1775 : i32 to index
      %swap3A_1777 = arith.constant 48 : index
      %swap3A_1778 = tpu.vector_load %arg8[%swap3A_1776, %swap3A_1777] {strides = array<i32>} : memref<8x128xi32, #tpu.memory_space<vmem>>, vector<1x16xi32>,
      %swap3A_1779 = vector.shape_cast %swap3A_1778 : vector<1x16xi32> to vector<16xi32>
      %swap3A_1780 = vector.shape_cast %select_n3A_1774 : vector<16xi32> to vector<1x16xi32>
      tpu.vector_store %arg8[%swap3A_1776, %swap3A_1777], %swap3A_1780 {strides = array<i32>} : memref<8x128xi32, #tpu.memory_space<vmem>>, vector<1x16xi32>,
      %get3A_1781 = arith.constant 6 : i32
      %get3A_1782 = arith.index_cast %get3A_1781 : i32 to index
      %get3A_1783 = arith.constant 64 : index
      %get3A_1784 = tpu.vector_load %arg6[%get3A_1782, %get3A_1783] {strides = array<i32>} : memref<8x128xi32, #tpu.memory_space<vmem>>, vector<1x16xi32>,
      %get3A_1785 = vector.shape_cast %get3A_1784 : vector<1x16xi32> to vector<16xi32>
      %sub3A_1786 = vector.broadcast %add3A : i32 to vector<16xi32>
      %sub3A_1787 = arith.subi %get3A_1785, %sub3A_1786 : vector<16xi32>
      %ge3A_1788 = arith.constant 0 : i32
      %ge3A_1789 = vector.broadcast %ge3A_1788 : i32 to vector<16xi32>
      %ge3A_1790 = arith.cmpi sge, %sub3A_1787, %ge3A_1789 : vector<16xi32>
      %lt3A_1791 = arith.constant 20000 : i32
      %lt3A_1792 = vector.broadcast %lt3A_1791 : i32 to vector<16xi32>
      %lt3A_1793 = arith.cmpi slt, %sub3A_1787, %lt3A_1792 : vector<16xi32>
      %and3A_1794 = arith.andi %ge3A_1790, %lt3A_1793 : vector<16xi1>
      %mul3A_1795 = arith.constant 1024 : i32
      %mul3A_1796 = arith.muli %arg1, %mul3A_1795 : i32
      %add3A_1797 = arith.constant 832 : i32
      %add3A_1798 = arith.addi %mul3A_1796, %add3A_1797 : i32
      %iota3A_1799 = tpu.iota {dimensions = array<i32: 0>} : vector<16xi32>
      %add3A_1800 = vector.broadcast %add3A_1798 : i32 to vector<16xi32>
      %add3A_1801 = arith.addi %add3A_1800, %iota3A_1799 : vector<16xi32>
      %and3A_1802 = arith.constant 2047 : i32
      %and3A_1803 = vector.broadcast %and3A_1802 : i32 to vector<16xi32>
      %and3A_1804 = arith.andi %add3A_1801, %and3A_1803 : vector<16xi32>
      %add3A_1805 = arith.constant 20000 : i32
      %add3A_1806 = vector.broadcast %add3A_1805 : i32 to vector<16xi32>
      %add3A_1807 = arith.addi %add3A_1806, %and3A_1804 : vector<16xi32>
      %select_n3A_1808 = arith.select %and3A_1794, %sub3A_1787, %add3A_1807 : vector<16xi1>, vector<16xi32>
      %swap3A_1809 = arith.constant 6 : i32
      %swap3A_1810 = arith.index_cast %swap3A_1809 : i32 to index
      %swap3A_1811 = arith.constant 64 : index
      %swap3A_1812 = tpu.vector_load %arg8[%swap3A_1810, %swap3A_1811] {strides = array<i32>} : memref<8x128xi32, #tpu.memory_space<vmem>>, vector<1x16xi32>,
      %swap3A_1813 = vector.shape_cast %swap3A_1812 : vector<1x16xi32> to vector<16xi32>
      %swap3A_1814 = vector.shape_cast %select_n3A_1808 : vector<16xi32> to vector<1x16xi32>
      tpu.vector_store %arg8[%swap3A_1810, %swap3A_1811], %swap3A_1814 {strides = array<i32>} : memref<8x128xi32, #tpu.memory_space<vmem>>, vector<1x16xi32>,
      %get3A_1815 = arith.constant 6 : i32
      %get3A_1816 = arith.index_cast %get3A_1815 : i32 to index
      %get3A_1817 = arith.constant 80 : index
      %get3A_1818 = tpu.vector_load %arg6[%get3A_1816, %get3A_1817] {strides = array<i32>} : memref<8x128xi32, #tpu.memory_space<vmem>>, vector<1x16xi32>,
      %get3A_1819 = vector.shape_cast %get3A_1818 : vector<1x16xi32> to vector<16xi32>
      %sub3A_1820 = vector.broadcast %add3A : i32 to vector<16xi32>
      %sub3A_1821 = arith.subi %get3A_1819, %sub3A_1820 : vector<16xi32>
      %ge3A_1822 = arith.constant 0 : i32
      %ge3A_1823 = vector.broadcast %ge3A_1822 : i32 to vector<16xi32>
      %ge3A_1824 = arith.cmpi sge, %sub3A_1821, %ge3A_1823 : vector<16xi32>
      %lt3A_1825 = arith.constant 20000 : i32
      %lt3A_1826 = vector.broadcast %lt3A_1825 : i32 to vector<16xi32>
      %lt3A_1827 = arith.cmpi slt, %sub3A_1821, %lt3A_1826 : vector<16xi32>
      %and3A_1828 = arith.andi %ge3A_1824, %lt3A_1827 : vector<16xi1>
      %mul3A_1829 = arith.constant 1024 : i32
      %mul3A_1830 = arith.muli %arg1, %mul3A_1829 : i32
      %add3A_1831 = arith.constant 848 : i32
      %add3A_1832 = arith.addi %mul3A_1830, %add3A_1831 : i32
      %iota3A_1833 = tpu.iota {dimensions = array<i32: 0>} : vector<16xi32>
      %add3A_1834 = vector.broadcast %add3A_1832 : i32 to vector<16xi32>
      %add3A_1835 = arith.addi %add3A_1834, %iota3A_1833 : vector<16xi32>
      %and3A_1836 = arith.constant 2047 : i32
      %and3A_1837 = vector.broadcast %and3A_1836 : i32 to vector<16xi32>
      %and3A_1838 = arith.andi %add3A_1835, %and3A_1837 : vector<16xi32>
      %add3A_1839 = arith.constant 20000 : i32
      %add3A_1840 = vector.broadcast %add3A_1839 : i32 to vector<16xi32>
      %add3A_1841 = arith.addi %add3A_1840, %and3A_1838 : vector<16xi32>
      %select_n3A_1842 = arith.select %and3A_1828, %sub3A_1821, %add3A_1841 : vector<16xi1>, vector<16xi32>
      %swap3A_1843 = arith.constant 6 : i32
      %swap3A_1844 = arith.index_cast %swap3A_1843 : i32 to index
      %swap3A_1845 = arith.constant 80 : index
      %swap3A_1846 = tpu.vector_load %arg8[%swap3A_1844, %swap3A_1845] {strides = array<i32>} : memref<8x128xi32, #tpu.memory_space<vmem>>, vector<1x16xi32>,
      %swap3A_1847 = vector.shape_cast %swap3A_1846 : vector<1x16xi32> to vector<16xi32>
      %swap3A_1848 = vector.shape_cast %select_n3A_1842 : vector<16xi32> to vector<1x16xi32>
      tpu.vector_store %arg8[%swap3A_1844, %swap3A_1845], %swap3A_1848 {strides = array<i32>} : memref<8x128xi32, #tpu.memory_space<vmem>>, vector<1x16xi32>,
      %get3A_1849 = arith.constant 6 : i32
      %get3A_1850 = arith.index_cast %get3A_1849 : i32 to index
      %get3A_1851 = arith.constant 96 : index
      %get3A_1852 = tpu.vector_load %arg6[%get3A_1850, %get3A_1851] {strides = array<i32>} : memref<8x128xi32, #tpu.memory_space<vmem>>, vector<1x16xi32>,
      %get3A_1853 = vector.shape_cast %get3A_1852 : vector<1x16xi32> to vector<16xi32>
      %sub3A_1854 = vector.broadcast %add3A : i32 to vector<16xi32>
      %sub3A_1855 = arith.subi %get3A_1853, %sub3A_1854 : vector<16xi32>
      %ge3A_1856 = arith.constant 0 : i32
      %ge3A_1857 = vector.broadcast %ge3A_1856 : i32 to vector<16xi32>
      %ge3A_1858 = arith.cmpi sge, %sub3A_1855, %ge3A_1857 : vector<16xi32>
      %lt3A_1859 = arith.constant 20000 : i32
      %lt3A_1860 = vector.broadcast %lt3A_1859 : i32 to vector<16xi32>
      %lt3A_1861 = arith.cmpi slt, %sub3A_1855, %lt3A_1860 : vector<16xi32>
      %and3A_1862 = arith.andi %ge3A_1858, %lt3A_1861 : vector<16xi1>
      %mul3A_1863 = arith.constant 1024 : i32
      %mul3A_1864 = arith.muli %arg1, %mul3A_1863 : i32
      %add3A_1865 = arith.constant 864 : i32
      %add3A_1866 = arith.addi %mul3A_1864, %add3A_1865 : i32
      %iota3A_1867 = tpu.iota {dimensions = array<i32: 0>} : vector<16xi32>
      %add3A_1868 = vector.broadcast %add3A_1866 : i32 to vector<16xi32>
      %add3A_1869 = arith.addi %add3A_1868, %iota3A_1867 : vector<16xi32>
      %and3A_1870 = arith.constant 2047 : i32
      %and3A_1871 = vector.broadcast %and3A_1870 : i32 to vector<16xi32>
      %and3A_1872 = arith.andi %add3A_1869, %and3A_1871 : vector<16xi32>
      %add3A_1873 = arith.constant 20000 : i32
      %add3A_1874 = vector.broadcast %add3A_1873 : i32 to vector<16xi32>
      %add3A_1875 = arith.addi %add3A_1874, %and3A_1872 : vector<16xi32>
      %select_n3A_1876 = arith.select %and3A_1862, %sub3A_1855, %add3A_1875 : vector<16xi1>, vector<16xi32>
      %swap3A_1877 = arith.constant 6 : i32
      %swap3A_1878 = arith.index_cast %swap3A_1877 : i32 to index
      %swap3A_1879 = arith.constant 96 : index
      %swap3A_1880 = tpu.vector_load %arg8[%swap3A_1878, %swap3A_1879] {strides = array<i32>} : memref<8x128xi32, #tpu.memory_space<vmem>>, vector<1x16xi32>,
      %swap3A_1881 = vector.shape_cast %swap3A_1880 : vector<1x16xi32> to vector<16xi32>
      %swap3A_1882 = vector.shape_cast %select_n3A_1876 : vector<16xi32> to vector<1x16xi32>
      tpu.vector_store %arg8[%swap3A_1878, %swap3A_1879], %swap3A_1882 {strides = array<i32>} : memref<8x128xi32, #tpu.memory_space<vmem>>, vector<1x16xi32>,
      %get3A_1883 = arith.constant 6 : i32
      %get3A_1884 = arith.index_cast %get3A_1883 : i32 to index
      %get3A_1885 = arith.constant 112 : index
      %get3A_1886 = tpu.vector_load %arg6[%get3A_1884, %get3A_1885] {strides = array<i32>} : memref<8x128xi32, #tpu.memory_space<vmem>>, vector<1x16xi32>,
      %get3A_1887 = vector.shape_cast %get3A_1886 : vector<1x16xi32> to vector<16xi32>
      %sub3A_1888 = vector.broadcast %add3A : i32 to vector<16xi32>
      %sub3A_1889 = arith.subi %get3A_1887, %sub3A_1888 : vector<16xi32>
      %ge3A_1890 = arith.constant 0 : i32
      %ge3A_1891 = vector.broadcast %ge3A_1890 : i32 to vector<16xi32>
      %ge3A_1892 = arith.cmpi sge, %sub3A_1889, %ge3A_1891 : vector<16xi32>
      %lt3A_1893 = arith.constant 20000 : i32
      %lt3A_1894 = vector.broadcast %lt3A_1893 : i32 to vector<16xi32>
      %lt3A_1895 = arith.cmpi slt, %sub3A_1889, %lt3A_1894 : vector<16xi32>
      %and3A_1896 = arith.andi %ge3A_1892, %lt3A_1895 : vector<16xi1>
      %mul3A_1897 = arith.constant 1024 : i32
      %mul3A_1898 = arith.muli %arg1, %mul3A_1897 : i32
      %add3A_1899 = arith.constant 880 : i32
      %add3A_1900 = arith.addi %mul3A_1898, %add3A_1899 : i32
      %iota3A_1901 = tpu.iota {dimensions = array<i32: 0>} : vector<16xi32>
      %add3A_1902 = vector.broadcast %add3A_1900 : i32 to vector<16xi32>
      %add3A_1903 = arith.addi %add3A_1902, %iota3A_1901 : vector<16xi32>
      %and3A_1904 = arith.constant 2047 : i32
      %and3A_1905 = vector.broadcast %and3A_1904 : i32 to vector<16xi32>
      %and3A_1906 = arith.andi %add3A_1903, %and3A_1905 : vector<16xi32>
      %add3A_1907 = arith.constant 20000 : i32
      %add3A_1908 = vector.broadcast %add3A_1907 : i32 to vector<16xi32>
      %add3A_1909 = arith.addi %add3A_1908, %and3A_1906 : vector<16xi32>
      %select_n3A_1910 = arith.select %and3A_1896, %sub3A_1889, %add3A_1909 : vector<16xi1>, vector<16xi32>
      %swap3A_1911 = arith.constant 6 : i32
      %swap3A_1912 = arith.index_cast %swap3A_1911 : i32 to index
      %swap3A_1913 = arith.constant 112 : index
      %swap3A_1914 = tpu.vector_load %arg8[%swap3A_1912, %swap3A_1913] {strides = array<i32>} : memref<8x128xi32, #tpu.memory_space<vmem>>, vector<1x16xi32>,
      %swap3A_1915 = vector.shape_cast %swap3A_1914 : vector<1x16xi32> to vector<16xi32>
      %swap3A_1916 = vector.shape_cast %select_n3A_1910 : vector<16xi32> to vector<1x16xi32>
      tpu.vector_store %arg8[%swap3A_1912, %swap3A_1913], %swap3A_1916 {strides = array<i32>} : memref<8x128xi32, #tpu.memory_space<vmem>>, vector<1x16xi32>,
      %get3A_1917 = arith.constant 7 : i32
      %get3A_1918 = arith.index_cast %get3A_1917 : i32 to index
      %get3A_1919 = arith.constant 0 : index
      %get3A_1920 = tpu.vector_load %arg6[%get3A_1918, %get3A_1919] {strides = array<i32>} : memref<8x128xi32, #tpu.memory_space<vmem>>, vector<1x16xi32>,
      %get3A_1921 = vector.shape_cast %get3A_1920 : vector<1x16xi32> to vector<16xi32>
      %sub3A_1922 = vector.broadcast %add3A : i32 to vector<16xi32>
      %sub3A_1923 = arith.subi %get3A_1921, %sub3A_1922 : vector<16xi32>
      %ge3A_1924 = arith.constant 0 : i32
      %ge3A_1925 = vector.broadcast %ge3A_1924 : i32 to vector<16xi32>
      %ge3A_1926 = arith.cmpi sge, %sub3A_1923, %ge3A_1925 : vector<16xi32>
      %lt3A_1927 = arith.constant 20000 : i32
      %lt3A_1928 = vector.broadcast %lt3A_1927 : i32 to vector<16xi32>
      %lt3A_1929 = arith.cmpi slt, %sub3A_1923, %lt3A_1928 : vector<16xi32>
      %and3A_1930 = arith.andi %ge3A_1926, %lt3A_1929 : vector<16xi1>
      %mul3A_1931 = arith.constant 1024 : i32
      %mul3A_1932 = arith.muli %arg1, %mul3A_1931 : i32
      %add3A_1933 = arith.constant 896 : i32
      %add3A_1934 = arith.addi %mul3A_1932, %add3A_1933 : i32
      %iota3A_1935 = tpu.iota {dimensions = array<i32: 0>} : vector<16xi32>
      %add3A_1936 = vector.broadcast %add3A_1934 : i32 to vector<16xi32>
      %add3A_1937 = arith.addi %add3A_1936, %iota3A_1935 : vector<16xi32>
      %and3A_1938 = arith.constant 2047 : i32
      %and3A_1939 = vector.broadcast %and3A_1938 : i32 to vector<16xi32>
      %and3A_1940 = arith.andi %add3A_1937, %and3A_1939 : vector<16xi32>
      %add3A_1941 = arith.constant 20000 : i32
      %add3A_1942 = vector.broadcast %add3A_1941 : i32 to vector<16xi32>
      %add3A_1943 = arith.addi %add3A_1942, %and3A_1940 : vector<16xi32>
      %select_n3A_1944 = arith.select %and3A_1930, %sub3A_1923, %add3A_1943 : vector<16xi1>, vector<16xi32>
      %swap3A_1945 = arith.constant 7 : i32
      %swap3A_1946 = arith.index_cast %swap3A_1945 : i32 to index
      %swap3A_1947 = arith.constant 0 : index
      %swap3A_1948 = tpu.vector_load %arg8[%swap3A_1946, %swap3A_1947] {strides = array<i32>} : memref<8x128xi32, #tpu.memory_space<vmem>>, vector<1x16xi32>,
      %swap3A_1949 = vector.shape_cast %swap3A_1948 : vector<1x16xi32> to vector<16xi32>
      %swap3A_1950 = vector.shape_cast %select_n3A_1944 : vector<16xi32> to vector<1x16xi32>
      tpu.vector_store %arg8[%swap3A_1946, %swap3A_1947], %swap3A_1950 {strides = array<i32>} : memref<8x128xi32, #tpu.memory_space<vmem>>, vector<1x16xi32>,
      %get3A_1951 = arith.constant 7 : i32
      %get3A_1952 = arith.index_cast %get3A_1951 : i32 to index
      %get3A_1953 = arith.constant 16 : index
      %get3A_1954 = tpu.vector_load %arg6[%get3A_1952, %get3A_1953] {strides = array<i32>} : memref<8x128xi32, #tpu.memory_space<vmem>>, vector<1x16xi32>,
      %get3A_1955 = vector.shape_cast %get3A_1954 : vector<1x16xi32> to vector<16xi32>
      %sub3A_1956 = vector.broadcast %add3A : i32 to vector<16xi32>
      %sub3A_1957 = arith.subi %get3A_1955, %sub3A_1956 : vector<16xi32>
      %ge3A_1958 = arith.constant 0 : i32
      %ge3A_1959 = vector.broadcast %ge3A_1958 : i32 to vector<16xi32>
      %ge3A_1960 = arith.cmpi sge, %sub3A_1957, %ge3A_1959 : vector<16xi32>
      %lt3A_1961 = arith.constant 20000 : i32
      %lt3A_1962 = vector.broadcast %lt3A_1961 : i32 to vector<16xi32>
      %lt3A_1963 = arith.cmpi slt, %sub3A_1957, %lt3A_1962 : vector<16xi32>
      %and3A_1964 = arith.andi %ge3A_1960, %lt3A_1963 : vector<16xi1>
      %mul3A_1965 = arith.constant 1024 : i32
      %mul3A_1966 = arith.muli %arg1, %mul3A_1965 : i32
      %add3A_1967 = arith.constant 912 : i32
      %add3A_1968 = arith.addi %mul3A_1966, %add3A_1967 : i32
      %iota3A_1969 = tpu.iota {dimensions = array<i32: 0>} : vector<16xi32>
      %add3A_1970 = vector.broadcast %add3A_1968 : i32 to vector<16xi32>
      %add3A_1971 = arith.addi %add3A_1970, %iota3A_1969 : vector<16xi32>
      %and3A_1972 = arith.constant 2047 : i32
      %and3A_1973 = vector.broadcast %and3A_1972 : i32 to vector<16xi32>
      %and3A_1974 = arith.andi %add3A_1971, %and3A_1973 : vector<16xi32>
      %add3A_1975 = arith.constant 20000 : i32
      %add3A_1976 = vector.broadcast %add3A_1975 : i32 to vector<16xi32>
      %add3A_1977 = arith.addi %add3A_1976, %and3A_1974 : vector<16xi32>
      %select_n3A_1978 = arith.select %and3A_1964, %sub3A_1957, %add3A_1977 : vector<16xi1>, vector<16xi32>
      %swap3A_1979 = arith.constant 7 : i32
      %swap3A_1980 = arith.index_cast %swap3A_1979 : i32 to index
      %swap3A_1981 = arith.constant 16 : index
      %swap3A_1982 = tpu.vector_load %arg8[%swap3A_1980, %swap3A_1981] {strides = array<i32>} : memref<8x128xi32, #tpu.memory_space<vmem>>, vector<1x16xi32>,
      %swap3A_1983 = vector.shape_cast %swap3A_1982 : vector<1x16xi32> to vector<16xi32>
      %swap3A_1984 = vector.shape_cast %select_n3A_1978 : vector<16xi32> to vector<1x16xi32>
      tpu.vector_store %arg8[%swap3A_1980, %swap3A_1981], %swap3A_1984 {strides = array<i32>} : memref<8x128xi32, #tpu.memory_space<vmem>>, vector<1x16xi32>,
      %get3A_1985 = arith.constant 7 : i32
      %get3A_1986 = arith.index_cast %get3A_1985 : i32 to index
      %get3A_1987 = arith.constant 32 : index
      %get3A_1988 = tpu.vector_load %arg6[%get3A_1986, %get3A_1987] {strides = array<i32>} : memref<8x128xi32, #tpu.memory_space<vmem>>, vector<1x16xi32>,
      %get3A_1989 = vector.shape_cast %get3A_1988 : vector<1x16xi32> to vector<16xi32>
      %sub3A_1990 = vector.broadcast %add3A : i32 to vector<16xi32>
      %sub3A_1991 = arith.subi %get3A_1989, %sub3A_1990 : vector<16xi32>
      %ge3A_1992 = arith.constant 0 : i32
      %ge3A_1993 = vector.broadcast %ge3A_1992 : i32 to vector<16xi32>
      %ge3A_1994 = arith.cmpi sge, %sub3A_1991, %ge3A_1993 : vector<16xi32>
      %lt3A_1995 = arith.constant 20000 : i32
      %lt3A_1996 = vector.broadcast %lt3A_1995 : i32 to vector<16xi32>
      %lt3A_1997 = arith.cmpi slt, %sub3A_1991, %lt3A_1996 : vector<16xi32>
      %and3A_1998 = arith.andi %ge3A_1994, %lt3A_1997 : vector<16xi1>
      %mul3A_1999 = arith.constant 1024 : i32
      %mul3A_2000 = arith.muli %arg1, %mul3A_1999 : i32
      %add3A_2001 = arith.constant 928 : i32
      %add3A_2002 = arith.addi %mul3A_2000, %add3A_2001 : i32
      %iota3A_2003 = tpu.iota {dimensions = array<i32: 0>} : vector<16xi32>
      %add3A_2004 = vector.broadcast %add3A_2002 : i32 to vector<16xi32>
      %add3A_2005 = arith.addi %add3A_2004, %iota3A_2003 : vector<16xi32>
      %and3A_2006 = arith.constant 2047 : i32
      %and3A_2007 = vector.broadcast %and3A_2006 : i32 to vector<16xi32>
      %and3A_2008 = arith.andi %add3A_2005, %and3A_2007 : vector<16xi32>
      %add3A_2009 = arith.constant 20000 : i32
      %add3A_2010 = vector.broadcast %add3A_2009 : i32 to vector<16xi32>
      %add3A_2011 = arith.addi %add3A_2010, %and3A_2008 : vector<16xi32>
      %select_n3A_2012 = arith.select %and3A_1998, %sub3A_1991, %add3A_2011 : vector<16xi1>, vector<16xi32>
      %swap3A_2013 = arith.constant 7 : i32
      %swap3A_2014 = arith.index_cast %swap3A_2013 : i32 to index
      %swap3A_2015 = arith.constant 32 : index
      %swap3A_2016 = tpu.vector_load %arg8[%swap3A_2014, %swap3A_2015] {strides = array<i32>} : memref<8x128xi32, #tpu.memory_space<vmem>>, vector<1x16xi32>,
      %swap3A_2017 = vector.shape_cast %swap3A_2016 : vector<1x16xi32> to vector<16xi32>
      %swap3A_2018 = vector.shape_cast %select_n3A_2012 : vector<16xi32> to vector<1x16xi32>
      tpu.vector_store %arg8[%swap3A_2014, %swap3A_2015], %swap3A_2018 {strides = array<i32>} : memref<8x128xi32, #tpu.memory_space<vmem>>, vector<1x16xi32>,
      %get3A_2019 = arith.constant 7 : i32
      %get3A_2020 = arith.index_cast %get3A_2019 : i32 to index
      %get3A_2021 = arith.constant 48 : index
      %get3A_2022 = tpu.vector_load %arg6[%get3A_2020, %get3A_2021] {strides = array<i32>} : memref<8x128xi32, #tpu.memory_space<vmem>>, vector<1x16xi32>,
      %get3A_2023 = vector.shape_cast %get3A_2022 : vector<1x16xi32> to vector<16xi32>
      %sub3A_2024 = vector.broadcast %add3A : i32 to vector<16xi32>
      %sub3A_2025 = arith.subi %get3A_2023, %sub3A_2024 : vector<16xi32>
      %ge3A_2026 = arith.constant 0 : i32
      %ge3A_2027 = vector.broadcast %ge3A_2026 : i32 to vector<16xi32>
      %ge3A_2028 = arith.cmpi sge, %sub3A_2025, %ge3A_2027 : vector<16xi32>
      %lt3A_2029 = arith.constant 20000 : i32
      %lt3A_2030 = vector.broadcast %lt3A_2029 : i32 to vector<16xi32>
      %lt3A_2031 = arith.cmpi slt, %sub3A_2025, %lt3A_2030 : vector<16xi32>
      %and3A_2032 = arith.andi %ge3A_2028, %lt3A_2031 : vector<16xi1>
      %mul3A_2033 = arith.constant 1024 : i32
      %mul3A_2034 = arith.muli %arg1, %mul3A_2033 : i32
      %add3A_2035 = arith.constant 944 : i32
      %add3A_2036 = arith.addi %mul3A_2034, %add3A_2035 : i32
      %iota3A_2037 = tpu.iota {dimensions = array<i32: 0>} : vector<16xi32>
      %add3A_2038 = vector.broadcast %add3A_2036 : i32 to vector<16xi32>
      %add3A_2039 = arith.addi %add3A_2038, %iota3A_2037 : vector<16xi32>
      %and3A_2040 = arith.constant 2047 : i32
      %and3A_2041 = vector.broadcast %and3A_2040 : i32 to vector<16xi32>
      %and3A_2042 = arith.andi %add3A_2039, %and3A_2041 : vector<16xi32>
      %add3A_2043 = arith.constant 20000 : i32
      %add3A_2044 = vector.broadcast %add3A_2043 : i32 to vector<16xi32>
      %add3A_2045 = arith.addi %add3A_2044, %and3A_2042 : vector<16xi32>
      %select_n3A_2046 = arith.select %and3A_2032, %sub3A_2025, %add3A_2045 : vector<16xi1>, vector<16xi32>
      %swap3A_2047 = arith.constant 7 : i32
      %swap3A_2048 = arith.index_cast %swap3A_2047 : i32 to index
      %swap3A_2049 = arith.constant 48 : index
      %swap3A_2050 = tpu.vector_load %arg8[%swap3A_2048, %swap3A_2049] {strides = array<i32>} : memref<8x128xi32, #tpu.memory_space<vmem>>, vector<1x16xi32>,
      %swap3A_2051 = vector.shape_cast %swap3A_2050 : vector<1x16xi32> to vector<16xi32>
      %swap3A_2052 = vector.shape_cast %select_n3A_2046 : vector<16xi32> to vector<1x16xi32>
      tpu.vector_store %arg8[%swap3A_2048, %swap3A_2049], %swap3A_2052 {strides = array<i32>} : memref<8x128xi32, #tpu.memory_space<vmem>>, vector<1x16xi32>,
      %get3A_2053 = arith.constant 7 : i32
      %get3A_2054 = arith.index_cast %get3A_2053 : i32 to index
      %get3A_2055 = arith.constant 64 : index
      %get3A_2056 = tpu.vector_load %arg6[%get3A_2054, %get3A_2055] {strides = array<i32>} : memref<8x128xi32, #tpu.memory_space<vmem>>, vector<1x16xi32>,
      %get3A_2057 = vector.shape_cast %get3A_2056 : vector<1x16xi32> to vector<16xi32>
      %sub3A_2058 = vector.broadcast %add3A : i32 to vector<16xi32>
      %sub3A_2059 = arith.subi %get3A_2057, %sub3A_2058 : vector<16xi32>
      %ge3A_2060 = arith.constant 0 : i32
      %ge3A_2061 = vector.broadcast %ge3A_2060 : i32 to vector<16xi32>
      %ge3A_2062 = arith.cmpi sge, %sub3A_2059, %ge3A_2061 : vector<16xi32>
      %lt3A_2063 = arith.constant 20000 : i32
      %lt3A_2064 = vector.broadcast %lt3A_2063 : i32 to vector<16xi32>
      %lt3A_2065 = arith.cmpi slt, %sub3A_2059, %lt3A_2064 : vector<16xi32>
      %and3A_2066 = arith.andi %ge3A_2062, %lt3A_2065 : vector<16xi1>
      %mul3A_2067 = arith.constant 1024 : i32
      %mul3A_2068 = arith.muli %arg1, %mul3A_2067 : i32
      %add3A_2069 = arith.constant 960 : i32
      %add3A_2070 = arith.addi %mul3A_2068, %add3A_2069 : i32
      %iota3A_2071 = tpu.iota {dimensions = array<i32: 0>} : vector<16xi32>
      %add3A_2072 = vector.broadcast %add3A_2070 : i32 to vector<16xi32>
      %add3A_2073 = arith.addi %add3A_2072, %iota3A_2071 : vector<16xi32>
      %and3A_2074 = arith.constant 2047 : i32
      %and3A_2075 = vector.broadcast %and3A_2074 : i32 to vector<16xi32>
      %and3A_2076 = arith.andi %add3A_2073, %and3A_2075 : vector<16xi32>
      %add3A_2077 = arith.constant 20000 : i32
      %add3A_2078 = vector.broadcast %add3A_2077 : i32 to vector<16xi32>
      %add3A_2079 = arith.addi %add3A_2078, %and3A_2076 : vector<16xi32>
      %select_n3A_2080 = arith.select %and3A_2066, %sub3A_2059, %add3A_2079 : vector<16xi1>, vector<16xi32>
      %swap3A_2081 = arith.constant 7 : i32
      %swap3A_2082 = arith.index_cast %swap3A_2081 : i32 to index
      %swap3A_2083 = arith.constant 64 : index
      %swap3A_2084 = tpu.vector_load %arg8[%swap3A_2082, %swap3A_2083] {strides = array<i32>} : memref<8x128xi32, #tpu.memory_space<vmem>>, vector<1x16xi32>,
      %swap3A_2085 = vector.shape_cast %swap3A_2084 : vector<1x16xi32> to vector<16xi32>
      %swap3A_2086 = vector.shape_cast %select_n3A_2080 : vector<16xi32> to vector<1x16xi32>
      tpu.vector_store %arg8[%swap3A_2082, %swap3A_2083], %swap3A_2086 {strides = array<i32>} : memref<8x128xi32, #tpu.memory_space<vmem>>, vector<1x16xi32>,
      %get3A_2087 = arith.constant 7 : i32
      %get3A_2088 = arith.index_cast %get3A_2087 : i32 to index
      %get3A_2089 = arith.constant 80 : index
      %get3A_2090 = tpu.vector_load %arg6[%get3A_2088, %get3A_2089] {strides = array<i32>} : memref<8x128xi32, #tpu.memory_space<vmem>>, vector<1x16xi32>,
      %get3A_2091 = vector.shape_cast %get3A_2090 : vector<1x16xi32> to vector<16xi32>
      %sub3A_2092 = vector.broadcast %add3A : i32 to vector<16xi32>
      %sub3A_2093 = arith.subi %get3A_2091, %sub3A_2092 : vector<16xi32>
      %ge3A_2094 = arith.constant 0 : i32
      %ge3A_2095 = vector.broadcast %ge3A_2094 : i32 to vector<16xi32>
      %ge3A_2096 = arith.cmpi sge, %sub3A_2093, %ge3A_2095 : vector<16xi32>
      %lt3A_2097 = arith.constant 20000 : i32
      %lt3A_2098 = vector.broadcast %lt3A_2097 : i32 to vector<16xi32>
      %lt3A_2099 = arith.cmpi slt, %sub3A_2093, %lt3A_2098 : vector<16xi32>
      %and3A_2100 = arith.andi %ge3A_2096, %lt3A_2099 : vector<16xi1>
      %mul3A_2101 = arith.constant 1024 : i32
      %mul3A_2102 = arith.muli %arg1, %mul3A_2101 : i32
      %add3A_2103 = arith.constant 976 : i32
      %add3A_2104 = arith.addi %mul3A_2102, %add3A_2103 : i32
      %iota3A_2105 = tpu.iota {dimensions = array<i32: 0>} : vector<16xi32>
      %add3A_2106 = vector.broadcast %add3A_2104 : i32 to vector<16xi32>
      %add3A_2107 = arith.addi %add3A_2106, %iota3A_2105 : vector<16xi32>
      %and3A_2108 = arith.constant 2047 : i32
      %and3A_2109 = vector.broadcast %and3A_2108 : i32 to vector<16xi32>
      %and3A_2110 = arith.andi %add3A_2107, %and3A_2109 : vector<16xi32>
      %add3A_2111 = arith.constant 20000 : i32
      %add3A_2112 = vector.broadcast %add3A_2111 : i32 to vector<16xi32>
      %add3A_2113 = arith.addi %add3A_2112, %and3A_2110 : vector<16xi32>
      %select_n3A_2114 = arith.select %and3A_2100, %sub3A_2093, %add3A_2113 : vector<16xi1>, vector<16xi32>
      %swap3A_2115 = arith.constant 7 : i32
      %swap3A_2116 = arith.index_cast %swap3A_2115 : i32 to index
      %swap3A_2117 = arith.constant 80 : index
      %swap3A_2118 = tpu.vector_load %arg8[%swap3A_2116, %swap3A_2117] {strides = array<i32>} : memref<8x128xi32, #tpu.memory_space<vmem>>, vector<1x16xi32>,
      %swap3A_2119 = vector.shape_cast %swap3A_2118 : vector<1x16xi32> to vector<16xi32>
      %swap3A_2120 = vector.shape_cast %select_n3A_2114 : vector<16xi32> to vector<1x16xi32>
      tpu.vector_store %arg8[%swap3A_2116, %swap3A_2117], %swap3A_2120 {strides = array<i32>} : memref<8x128xi32, #tpu.memory_space<vmem>>, vector<1x16xi32>,
      %get3A_2121 = arith.constant 7 : i32
      %get3A_2122 = arith.index_cast %get3A_2121 : i32 to index
      %get3A_2123 = arith.constant 96 : index
      %get3A_2124 = tpu.vector_load %arg6[%get3A_2122, %get3A_2123] {strides = array<i32>} : memref<8x128xi32, #tpu.memory_space<vmem>>, vector<1x16xi32>,
      %get3A_2125 = vector.shape_cast %get3A_2124 : vector<1x16xi32> to vector<16xi32>
      %sub3A_2126 = vector.broadcast %add3A : i32 to vector<16xi32>
      %sub3A_2127 = arith.subi %get3A_2125, %sub3A_2126 : vector<16xi32>
      %ge3A_2128 = arith.constant 0 : i32
      %ge3A_2129 = vector.broadcast %ge3A_2128 : i32 to vector<16xi32>
      %ge3A_2130 = arith.cmpi sge, %sub3A_2127, %ge3A_2129 : vector<16xi32>
      %lt3A_2131 = arith.constant 20000 : i32
      %lt3A_2132 = vector.broadcast %lt3A_2131 : i32 to vector<16xi32>
      %lt3A_2133 = arith.cmpi slt, %sub3A_2127, %lt3A_2132 : vector<16xi32>
      %and3A_2134 = arith.andi %ge3A_2130, %lt3A_2133 : vector<16xi1>
      %mul3A_2135 = arith.constant 1024 : i32
      %mul3A_2136 = arith.muli %arg1, %mul3A_2135 : i32
      %add3A_2137 = arith.constant 992 : i32
      %add3A_2138 = arith.addi %mul3A_2136, %add3A_2137 : i32
      %iota3A_2139 = tpu.iota {dimensions = array<i32: 0>} : vector<16xi32>
      %add3A_2140 = vector.broadcast %add3A_2138 : i32 to vector<16xi32>
      %add3A_2141 = arith.addi %add3A_2140, %iota3A_2139 : vector<16xi32>
      %and3A_2142 = arith.constant 2047 : i32
      %and3A_2143 = vector.broadcast %and3A_2142 : i32 to vector<16xi32>
      %and3A_2144 = arith.andi %add3A_2141, %and3A_2143 : vector<16xi32>
      %add3A_2145 = arith.constant 20000 : i32
      %add3A_2146 = vector.broadcast %add3A_2145 : i32 to vector<16xi32>
      %add3A_2147 = arith.addi %add3A_2146, %and3A_2144 : vector<16xi32>
      %select_n3A_2148 = arith.select %and3A_2134, %sub3A_2127, %add3A_2147 : vector<16xi1>, vector<16xi32>
      %swap3A_2149 = arith.constant 7 : i32
      %swap3A_2150 = arith.index_cast %swap3A_2149 : i32 to index
      %swap3A_2151 = arith.constant 96 : index
      %swap3A_2152 = tpu.vector_load %arg8[%swap3A_2150, %swap3A_2151] {strides = array<i32>} : memref<8x128xi32, #tpu.memory_space<vmem>>, vector<1x16xi32>,
      %swap3A_2153 = vector.shape_cast %swap3A_2152 : vector<1x16xi32> to vector<16xi32>
      %swap3A_2154 = vector.shape_cast %select_n3A_2148 : vector<16xi32> to vector<1x16xi32>
      tpu.vector_store %arg8[%swap3A_2150, %swap3A_2151], %swap3A_2154 {strides = array<i32>} : memref<8x128xi32, #tpu.memory_space<vmem>>, vector<1x16xi32>,
      %get3A_2155 = arith.constant 7 : i32
      %get3A_2156 = arith.index_cast %get3A_2155 : i32 to index
      %get3A_2157 = arith.constant 112 : index
      %get3A_2158 = tpu.vector_load %arg6[%get3A_2156, %get3A_2157] {strides = array<i32>} : memref<8x128xi32, #tpu.memory_space<vmem>>, vector<1x16xi32>,
      %get3A_2159 = vector.shape_cast %get3A_2158 : vector<1x16xi32> to vector<16xi32>
      %sub3A_2160 = vector.broadcast %add3A : i32 to vector<16xi32>
      %sub3A_2161 = arith.subi %get3A_2159, %sub3A_2160 : vector<16xi32>
      %ge3A_2162 = arith.constant 0 : i32
      %ge3A_2163 = vector.broadcast %ge3A_2162 : i32 to vector<16xi32>
      %ge3A_2164 = arith.cmpi sge, %sub3A_2161, %ge3A_2163 : vector<16xi32>
      %lt3A_2165 = arith.constant 20000 : i32
      %lt3A_2166 = vector.broadcast %lt3A_2165 : i32 to vector<16xi32>
      %lt3A_2167 = arith.cmpi slt, %sub3A_2161, %lt3A_2166 : vector<16xi32>
      %and3A_2168 = arith.andi %ge3A_2164, %lt3A_2167 : vector<16xi1>
      %mul3A_2169 = arith.constant 1024 : i32
      %mul3A_2170 = arith.muli %arg1, %mul3A_2169 : i32
      %add3A_2171 = arith.constant 1008 : i32
      %add3A_2172 = arith.addi %mul3A_2170, %add3A_2171 : i32
      %iota3A_2173 = tpu.iota {dimensions = array<i32: 0>} : vector<16xi32>
      %add3A_2174 = vector.broadcast %add3A_2172 : i32 to vector<16xi32>
      %add3A_2175 = arith.addi %add3A_2174, %iota3A_2173 : vector<16xi32>
      %and3A_2176 = arith.constant 2047 : i32
      %and3A_2177 = vector.broadcast %and3A_2176 : i32 to vector<16xi32>
      %and3A_2178 = arith.andi %add3A_2175, %and3A_2177 : vector<16xi32>
      %add3A_2179 = arith.constant 20000 : i32
      %add3A_2180 = vector.broadcast %add3A_2179 : i32 to vector<16xi32>
      %add3A_2181 = arith.addi %add3A_2180, %and3A_2178 : vector<16xi32>
      %select_n3A_2182 = arith.select %and3A_2168, %sub3A_2161, %add3A_2181 : vector<16xi1>, vector<16xi32>
      %swap3A_2183 = arith.constant 7 : i32
      %swap3A_2184 = arith.index_cast %swap3A_2183 : i32 to index
      %swap3A_2185 = arith.constant 112 : index
      %swap3A_2186 = tpu.vector_load %arg8[%swap3A_2184, %swap3A_2185] {strides = array<i32>} : memref<8x128xi32, #tpu.memory_space<vmem>>, vector<1x16xi32>,
      %swap3A_2187 = vector.shape_cast %swap3A_2186 : vector<1x16xi32> to vector<16xi32>
      %swap3A_2188 = vector.shape_cast %select_n3A_2182 : vector<16xi32> to vector<1x16xi32>
      tpu.vector_store %arg8[%swap3A_2184, %swap3A_2185], %swap3A_2188 {strides = array<i32>} : memref<8x128xi32, #tpu.memory_space<vmem>>, vector<1x16xi32>,
      %run_scoped3A = arith.constant 0 : i32
      "tpu.region"() ({
        %run_scoped3A_2210 = tpu.sem_alloc : memref<!tpu.dma_semaphore, #tpu.memory_space<semaphore_mem>>
        %dma_start3A = arith.constant 0 : i32
        %dma_start3A_2211 = arith.constant 0 : i32
        %dma_start3A_2212 = tpu.memref_slice %arg7[%dma_start3A, %dma_start3A_2211] : memref<1024x32xf32, #tpu.memory_space<vmem>> -> memref<128x32xf32, #tpu.memory_space<vmem>>
        %dma_start3A_2213 = arith.constant 0 : i32
        %dma_start3A_2214 = tpu.memref_slice %arg8[%run_scoped3A, %dma_start3A_2213] : memref<8x128xi32, #tpu.memory_space<vmem>> -> memref<1x128xi32, #tpu.memory_space<vmem>>
        %dma_start3A_2215 = tpu.memref_squeeze %dma_start3A_2214 : memref<1x128xi32, #tpu.memory_space<vmem>> -> memref<128xi32, #tpu.memory_space<vmem>>
        %dma_start3A_2216 = arith.constant 0 : i32
        %dma_start3A_2217 = arith.constant 0 : i32
        %dma_start3A_2218 = tpu.memref_slice %arg9[%dma_start3A_2216, %dma_start3A_2217] : memref<22048x32xf32, #tpu.memory_space<vmem_shared>> -> memref<22048x32xf32, #tpu.memory_space<vmem_shared>>
        tpu.enqueue_indirect_dma source(%dma_start3A_2212 : memref<128x32xf32, #tpu.memory_space<vmem>>) target(%dma_start3A_2218 : memref<22048x32xf32, #tpu.memory_space<vmem_shared>>) offsets(%dma_start3A_2215 : memref<128xi32, #tpu.memory_space<vmem>>) semaphore(%run_scoped3A_2210 : memref<!tpu.dma_semaphore, #tpu.memory_space<semaphore_mem>>) {add = true}
        %dma_wait3A = arith.constant 0 : i32
        %dma_wait3A_2219 = arith.constant 0 : i32
        %dma_wait3A_2220 = tpu.memref_slice %arg7[%dma_wait3A, %dma_wait3A_2219] : memref<1024x32xf32, #tpu.memory_space<vmem>> -> memref<128x32xf32, #tpu.memory_space<vmem>>
        %dma_wait3A_2221 = arith.constant 0 : i32
        %dma_wait3A_2222 = tpu.memref_slice %arg8[%run_scoped3A, %dma_wait3A_2221] : memref<8x128xi32, #tpu.memory_space<vmem>> -> memref<1x128xi32, #tpu.memory_space<vmem>>
        %dma_wait3A_2223 = tpu.memref_squeeze %dma_wait3A_2222 : memref<1x128xi32, #tpu.memory_space<vmem>> -> memref<128xi32, #tpu.memory_space<vmem>>
        %dma_wait3A_2224 = arith.constant 0 : i32
        %dma_wait3A_2225 = arith.constant 0 : i32
        %dma_wait3A_2226 = tpu.memref_slice %arg9[%dma_wait3A_2224, %dma_wait3A_2225] : memref<22048x32xf32, #tpu.memory_space<vmem_shared>> -> memref<22048x32xf32, #tpu.memory_space<vmem_shared>>
        tpu.wait_indirect_dma semaphore(%run_scoped3A_2210 : memref<!tpu.dma_semaphore, #tpu.memory_space<semaphore_mem>>) src(%dma_wait3A_2220 : memref<128x32xf32, #tpu.memory_space<vmem>>) dst(%dma_wait3A_2226 : memref<22048x32xf32, #tpu.memory_space<vmem_shared>>)
        tpu.yield
      }) : () -> ()
      %run_scoped3A_2189 = arith.constant 1 : i32
      "tpu.region"() ({
        %run_scoped3A_2210 = tpu.sem_alloc : memref<!tpu.dma_semaphore, #tpu.memory_space<semaphore_mem>>
        %dma_start3A = arith.constant 128 : i32
        %dma_start3A_2211 = arith.constant 0 : i32
        %dma_start3A_2212 = tpu.memref_slice %arg7[%dma_start3A, %dma_start3A_2211] : memref<1024x32xf32, #tpu.memory_space<vmem>> -> memref<128x32xf32, #tpu.memory_space<vmem>>
        %dma_start3A_2213 = arith.constant 0 : i32
        %dma_start3A_2214 = tpu.memref_slice %arg8[%run_scoped3A_2189, %dma_start3A_2213] : memref<8x128xi32, #tpu.memory_space<vmem>> -> memref<1x128xi32, #tpu.memory_space<vmem>>
        %dma_start3A_2215 = tpu.memref_squeeze %dma_start3A_2214 : memref<1x128xi32, #tpu.memory_space<vmem>> -> memref<128xi32, #tpu.memory_space<vmem>>
        %dma_start3A_2216 = arith.constant 0 : i32
        %dma_start3A_2217 = arith.constant 0 : i32
        %dma_start3A_2218 = tpu.memref_slice %arg9[%dma_start3A_2216, %dma_start3A_2217] : memref<22048x32xf32, #tpu.memory_space<vmem_shared>> -> memref<22048x32xf32, #tpu.memory_space<vmem_shared>>
        tpu.enqueue_indirect_dma source(%dma_start3A_2212 : memref<128x32xf32, #tpu.memory_space<vmem>>) target(%dma_start3A_2218 : memref<22048x32xf32, #tpu.memory_space<vmem_shared>>) offsets(%dma_start3A_2215 : memref<128xi32, #tpu.memory_space<vmem>>) semaphore(%run_scoped3A_2210 : memref<!tpu.dma_semaphore, #tpu.memory_space<semaphore_mem>>) {add = true}
        %dma_wait3A = arith.constant 128 : i32
        %dma_wait3A_2219 = arith.constant 0 : i32
        %dma_wait3A_2220 = tpu.memref_slice %arg7[%dma_wait3A, %dma_wait3A_2219] : memref<1024x32xf32, #tpu.memory_space<vmem>> -> memref<128x32xf32, #tpu.memory_space<vmem>>
        %dma_wait3A_2221 = arith.constant 0 : i32
        %dma_wait3A_2222 = tpu.memref_slice %arg8[%run_scoped3A_2189, %dma_wait3A_2221] : memref<8x128xi32, #tpu.memory_space<vmem>> -> memref<1x128xi32, #tpu.memory_space<vmem>>
        %dma_wait3A_2223 = tpu.memref_squeeze %dma_wait3A_2222 : memref<1x128xi32, #tpu.memory_space<vmem>> -> memref<128xi32, #tpu.memory_space<vmem>>
        %dma_wait3A_2224 = arith.constant 0 : i32
        %dma_wait3A_2225 = arith.constant 0 : i32
        %dma_wait3A_2226 = tpu.memref_slice %arg9[%dma_wait3A_2224, %dma_wait3A_2225] : memref<22048x32xf32, #tpu.memory_space<vmem_shared>> -> memref<22048x32xf32, #tpu.memory_space<vmem_shared>>
        tpu.wait_indirect_dma semaphore(%run_scoped3A_2210 : memref<!tpu.dma_semaphore, #tpu.memory_space<semaphore_mem>>) src(%dma_wait3A_2220 : memref<128x32xf32, #tpu.memory_space<vmem>>) dst(%dma_wait3A_2226 : memref<22048x32xf32, #tpu.memory_space<vmem_shared>>)
        tpu.yield
      }) : () -> ()
      %run_scoped3A_2190 = arith.constant 2 : i32
      "tpu.region"() ({
        %run_scoped3A_2210 = tpu.sem_alloc : memref<!tpu.dma_semaphore, #tpu.memory_space<semaphore_mem>>
        %dma_start3A = arith.constant 256 : i32
        %dma_start3A_2211 = arith.constant 0 : i32
        %dma_start3A_2212 = tpu.memref_slice %arg7[%dma_start3A, %dma_start3A_2211] : memref<1024x32xf32, #tpu.memory_space<vmem>> -> memref<128x32xf32, #tpu.memory_space<vmem>>
        %dma_start3A_2213 = arith.constant 0 : i32
        %dma_start3A_2214 = tpu.memref_slice %arg8[%run_scoped3A_2190, %dma_start3A_2213] : memref<8x128xi32, #tpu.memory_space<vmem>> -> memref<1x128xi32, #tpu.memory_space<vmem>>
        %dma_start3A_2215 = tpu.memref_squeeze %dma_start3A_2214 : memref<1x128xi32, #tpu.memory_space<vmem>> -> memref<128xi32, #tpu.memory_space<vmem>>
        %dma_start3A_2216 = arith.constant 0 : i32
        %dma_start3A_2217 = arith.constant 0 : i32
        %dma_start3A_2218 = tpu.memref_slice %arg9[%dma_start3A_2216, %dma_start3A_2217] : memref<22048x32xf32, #tpu.memory_space<vmem_shared>> -> memref<22048x32xf32, #tpu.memory_space<vmem_shared>>
        tpu.enqueue_indirect_dma source(%dma_start3A_2212 : memref<128x32xf32, #tpu.memory_space<vmem>>) target(%dma_start3A_2218 : memref<22048x32xf32, #tpu.memory_space<vmem_shared>>) offsets(%dma_start3A_2215 : memref<128xi32, #tpu.memory_space<vmem>>) semaphore(%run_scoped3A_2210 : memref<!tpu.dma_semaphore, #tpu.memory_space<semaphore_mem>>) {add = true}
        %dma_wait3A = arith.constant 256 : i32
        %dma_wait3A_2219 = arith.constant 0 : i32
        %dma_wait3A_2220 = tpu.memref_slice %arg7[%dma_wait3A, %dma_wait3A_2219] : memref<1024x32xf32, #tpu.memory_space<vmem>> -> memref<128x32xf32, #tpu.memory_space<vmem>>
        %dma_wait3A_2221 = arith.constant 0 : i32
        %dma_wait3A_2222 = tpu.memref_slice %arg8[%run_scoped3A_2190, %dma_wait3A_2221] : memref<8x128xi32, #tpu.memory_space<vmem>> -> memref<1x128xi32, #tpu.memory_space<vmem>>
        %dma_wait3A_2223 = tpu.memref_squeeze %dma_wait3A_2222 : memref<1x128xi32, #tpu.memory_space<vmem>> -> memref<128xi32, #tpu.memory_space<vmem>>
        %dma_wait3A_2224 = arith.constant 0 : i32
        %dma_wait3A_2225 = arith.constant 0 : i32
        %dma_wait3A_2226 = tpu.memref_slice %arg9[%dma_wait3A_2224, %dma_wait3A_2225] : memref<22048x32xf32, #tpu.memory_space<vmem_shared>> -> memref<22048x32xf32, #tpu.memory_space<vmem_shared>>
        tpu.wait_indirect_dma semaphore(%run_scoped3A_2210 : memref<!tpu.dma_semaphore, #tpu.memory_space<semaphore_mem>>) src(%dma_wait3A_2220 : memref<128x32xf32, #tpu.memory_space<vmem>>) dst(%dma_wait3A_2226 : memref<22048x32xf32, #tpu.memory_space<vmem_shared>>)
        tpu.yield
      }) : () -> ()
      %run_scoped3A_2191 = arith.constant 3 : i32
      "tpu.region"() ({
        %run_scoped3A_2210 = tpu.sem_alloc : memref<!tpu.dma_semaphore, #tpu.memory_space<semaphore_mem>>
        %dma_start3A = arith.constant 384 : i32
        %dma_start3A_2211 = arith.constant 0 : i32
        %dma_start3A_2212 = tpu.memref_slice %arg7[%dma_start3A, %dma_start3A_2211] : memref<1024x32xf32, #tpu.memory_space<vmem>> -> memref<128x32xf32, #tpu.memory_space<vmem>>
        %dma_start3A_2213 = arith.constant 0 : i32
        %dma_start3A_2214 = tpu.memref_slice %arg8[%run_scoped3A_2191, %dma_start3A_2213] : memref<8x128xi32, #tpu.memory_space<vmem>> -> memref<1x128xi32, #tpu.memory_space<vmem>>
        %dma_start3A_2215 = tpu.memref_squeeze %dma_start3A_2214 : memref<1x128xi32, #tpu.memory_space<vmem>> -> memref<128xi32, #tpu.memory_space<vmem>>
        %dma_start3A_2216 = arith.constant 0 : i32
        %dma_start3A_2217 = arith.constant 0 : i32
        %dma_start3A_2218 = tpu.memref_slice %arg9[%dma_start3A_2216, %dma_start3A_2217] : memref<22048x32xf32, #tpu.memory_space<vmem_shared>> -> memref<22048x32xf32, #tpu.memory_space<vmem_shared>>
        tpu.enqueue_indirect_dma source(%dma_start3A_2212 : memref<128x32xf32, #tpu.memory_space<vmem>>) target(%dma_start3A_2218 : memref<22048x32xf32, #tpu.memory_space<vmem_shared>>) offsets(%dma_start3A_2215 : memref<128xi32, #tpu.memory_space<vmem>>) semaphore(%run_scoped3A_2210 : memref<!tpu.dma_semaphore, #tpu.memory_space<semaphore_mem>>) {add = true}
        %dma_wait3A = arith.constant 384 : i32
        %dma_wait3A_2219 = arith.constant 0 : i32
        %dma_wait3A_2220 = tpu.memref_slice %arg7[%dma_wait3A, %dma_wait3A_2219] : memref<1024x32xf32, #tpu.memory_space<vmem>> -> memref<128x32xf32, #tpu.memory_space<vmem>>
        %dma_wait3A_2221 = arith.constant 0 : i32
        %dma_wait3A_2222 = tpu.memref_slice %arg8[%run_scoped3A_2191, %dma_wait3A_2221] : memref<8x128xi32, #tpu.memory_space<vmem>> -> memref<1x128xi32, #tpu.memory_space<vmem>>
        %dma_wait3A_2223 = tpu.memref_squeeze %dma_wait3A_2222 : memref<1x128xi32, #tpu.memory_space<vmem>> -> memref<128xi32, #tpu.memory_space<vmem>>
        %dma_wait3A_2224 = arith.constant 0 : i32
        %dma_wait3A_2225 = arith.constant 0 : i32
        %dma_wait3A_2226 = tpu.memref_slice %arg9[%dma_wait3A_2224, %dma_wait3A_2225] : memref<22048x32xf32, #tpu.memory_space<vmem_shared>> -> memref<22048x32xf32, #tpu.memory_space<vmem_shared>>
        tpu.wait_indirect_dma semaphore(%run_scoped3A_2210 : memref<!tpu.dma_semaphore, #tpu.memory_space<semaphore_mem>>) src(%dma_wait3A_2220 : memref<128x32xf32, #tpu.memory_space<vmem>>) dst(%dma_wait3A_2226 : memref<22048x32xf32, #tpu.memory_space<vmem_shared>>)
        tpu.yield
      }) : () -> ()
      %run_scoped3A_2192 = arith.constant 4 : i32
      "tpu.region"() ({
        %run_scoped3A_2210 = tpu.sem_alloc : memref<!tpu.dma_semaphore, #tpu.memory_space<semaphore_mem>>
        %dma_start3A = arith.constant 512 : i32
        %dma_start3A_2211 = arith.constant 0 : i32
        %dma_start3A_2212 = tpu.memref_slice %arg7[%dma_start3A, %dma_start3A_2211] : memref<1024x32xf32, #tpu.memory_space<vmem>> -> memref<128x32xf32, #tpu.memory_space<vmem>>
        %dma_start3A_2213 = arith.constant 0 : i32
        %dma_start3A_2214 = tpu.memref_slice %arg8[%run_scoped3A_2192, %dma_start3A_2213] : memref<8x128xi32, #tpu.memory_space<vmem>> -> memref<1x128xi32, #tpu.memory_space<vmem>>
        %dma_start3A_2215 = tpu.memref_squeeze %dma_start3A_2214 : memref<1x128xi32, #tpu.memory_space<vmem>> -> memref<128xi32, #tpu.memory_space<vmem>>
        %dma_start3A_2216 = arith.constant 0 : i32
        %dma_start3A_2217 = arith.constant 0 : i32
        %dma_start3A_2218 = tpu.memref_slice %arg9[%dma_start3A_2216, %dma_start3A_2217] : memref<22048x32xf32, #tpu.memory_space<vmem_shared>> -> memref<22048x32xf32, #tpu.memory_space<vmem_shared>>
        tpu.enqueue_indirect_dma source(%dma_start3A_2212 : memref<128x32xf32, #tpu.memory_space<vmem>>) target(%dma_start3A_2218 : memref<22048x32xf32, #tpu.memory_space<vmem_shared>>) offsets(%dma_start3A_2215 : memref<128xi32, #tpu.memory_space<vmem>>) semaphore(%run_scoped3A_2210 : memref<!tpu.dma_semaphore, #tpu.memory_space<semaphore_mem>>) {add = true}
        %dma_wait3A = arith.constant 512 : i32
        %dma_wait3A_2219 = arith.constant 0 : i32
        %dma_wait3A_2220 = tpu.memref_slice %arg7[%dma_wait3A, %dma_wait3A_2219] : memref<1024x32xf32, #tpu.memory_space<vmem>> -> memref<128x32xf32, #tpu.memory_space<vmem>>
        %dma_wait3A_2221 = arith.constant 0 : i32
        %dma_wait3A_2222 = tpu.memref_slice %arg8[%run_scoped3A_2192, %dma_wait3A_2221] : memref<8x128xi32, #tpu.memory_space<vmem>> -> memref<1x128xi32, #tpu.memory_space<vmem>>
        %dma_wait3A_2223 = tpu.memref_squeeze %dma_wait3A_2222 : memref<1x128xi32, #tpu.memory_space<vmem>> -> memref<128xi32, #tpu.memory_space<vmem>>
        %dma_wait3A_2224 = arith.constant 0 : i32
        %dma_wait3A_2225 = arith.constant 0 : i32
        %dma_wait3A_2226 = tpu.memref_slice %arg9[%dma_wait3A_2224, %dma_wait3A_2225] : memref<22048x32xf32, #tpu.memory_space<vmem_shared>> -> memref<22048x32xf32, #tpu.memory_space<vmem_shared>>
        tpu.wait_indirect_dma semaphore(%run_scoped3A_2210 : memref<!tpu.dma_semaphore, #tpu.memory_space<semaphore_mem>>) src(%dma_wait3A_2220 : memref<128x32xf32, #tpu.memory_space<vmem>>) dst(%dma_wait3A_2226 : memref<22048x32xf32, #tpu.memory_space<vmem_shared>>)
        tpu.yield
      }) : () -> ()
      %run_scoped3A_2193 = arith.constant 5 : i32
      "tpu.region"() ({
        %run_scoped3A_2210 = tpu.sem_alloc : memref<!tpu.dma_semaphore, #tpu.memory_space<semaphore_mem>>
        %dma_start3A = arith.constant 640 : i32
        %dma_start3A_2211 = arith.constant 0 : i32
        %dma_start3A_2212 = tpu.memref_slice %arg7[%dma_start3A, %dma_start3A_2211] : memref<1024x32xf32, #tpu.memory_space<vmem>> -> memref<128x32xf32, #tpu.memory_space<vmem>>
        %dma_start3A_2213 = arith.constant 0 : i32
        %dma_start3A_2214 = tpu.memref_slice %arg8[%run_scoped3A_2193, %dma_start3A_2213] : memref<8x128xi32, #tpu.memory_space<vmem>> -> memref<1x128xi32, #tpu.memory_space<vmem>>
        %dma_start3A_2215 = tpu.memref_squeeze %dma_start3A_2214 : memref<1x128xi32, #tpu.memory_space<vmem>> -> memref<128xi32, #tpu.memory_space<vmem>>
        %dma_start3A_2216 = arith.constant 0 : i32
        %dma_start3A_2217 = arith.constant 0 : i32
        %dma_start3A_2218 = tpu.memref_slice %arg9[%dma_start3A_2216, %dma_start3A_2217] : memref<22048x32xf32, #tpu.memory_space<vmem_shared>> -> memref<22048x32xf32, #tpu.memory_space<vmem_shared>>
        tpu.enqueue_indirect_dma source(%dma_start3A_2212 : memref<128x32xf32, #tpu.memory_space<vmem>>) target(%dma_start3A_2218 : memref<22048x32xf32, #tpu.memory_space<vmem_shared>>) offsets(%dma_start3A_2215 : memref<128xi32, #tpu.memory_space<vmem>>) semaphore(%run_scoped3A_2210 : memref<!tpu.dma_semaphore, #tpu.memory_space<semaphore_mem>>) {add = true}
        %dma_wait3A = arith.constant 640 : i32
        %dma_wait3A_2219 = arith.constant 0 : i32
        %dma_wait3A_2220 = tpu.memref_slice %arg7[%dma_wait3A, %dma_wait3A_2219] : memref<1024x32xf32, #tpu.memory_space<vmem>> -> memref<128x32xf32, #tpu.memory_space<vmem>>
        %dma_wait3A_2221 = arith.constant 0 : i32
        %dma_wait3A_2222 = tpu.memref_slice %arg8[%run_scoped3A_2193, %dma_wait3A_2221] : memref<8x128xi32, #tpu.memory_space<vmem>> -> memref<1x128xi32, #tpu.memory_space<vmem>>
        %dma_wait3A_2223 = tpu.memref_squeeze %dma_wait3A_2222 : memref<1x128xi32, #tpu.memory_space<vmem>> -> memref<128xi32, #tpu.memory_space<vmem>>
        %dma_wait3A_2224 = arith.constant 0 : i32
        %dma_wait3A_2225 = arith.constant 0 : i32
        %dma_wait3A_2226 = tpu.memref_slice %arg9[%dma_wait3A_2224, %dma_wait3A_2225] : memref<22048x32xf32, #tpu.memory_space<vmem_shared>> -> memref<22048x32xf32, #tpu.memory_space<vmem_shared>>
        tpu.wait_indirect_dma semaphore(%run_scoped3A_2210 : memref<!tpu.dma_semaphore, #tpu.memory_space<semaphore_mem>>) src(%dma_wait3A_2220 : memref<128x32xf32, #tpu.memory_space<vmem>>) dst(%dma_wait3A_2226 : memref<22048x32xf32, #tpu.memory_space<vmem_shared>>)
        tpu.yield
      }) : () -> ()
      %run_scoped3A_2194 = arith.constant 6 : i32
      "tpu.region"() ({
        %run_scoped3A_2210 = tpu.sem_alloc : memref<!tpu.dma_semaphore, #tpu.memory_space<semaphore_mem>>
        %dma_start3A = arith.constant 768 : i32
        %dma_start3A_2211 = arith.constant 0 : i32
        %dma_start3A_2212 = tpu.memref_slice %arg7[%dma_start3A, %dma_start3A_2211] : memref<1024x32xf32, #tpu.memory_space<vmem>> -> memref<128x32xf32, #tpu.memory_space<vmem>>
        %dma_start3A_2213 = arith.constant 0 : i32
        %dma_start3A_2214 = tpu.memref_slice %arg8[%run_scoped3A_2194, %dma_start3A_2213] : memref<8x128xi32, #tpu.memory_space<vmem>> -> memref<1x128xi32, #tpu.memory_space<vmem>>
        %dma_start3A_2215 = tpu.memref_squeeze %dma_start3A_2214 : memref<1x128xi32, #tpu.memory_space<vmem>> -> memref<128xi32, #tpu.memory_space<vmem>>
        %dma_start3A_2216 = arith.constant 0 : i32
        %dma_start3A_2217 = arith.constant 0 : i32
        %dma_start3A_2218 = tpu.memref_slice %arg9[%dma_start3A_2216, %dma_start3A_2217] : memref<22048x32xf32, #tpu.memory_space<vmem_shared>> -> memref<22048x32xf32, #tpu.memory_space<vmem_shared>>
        tpu.enqueue_indirect_dma source(%dma_start3A_2212 : memref<128x32xf32, #tpu.memory_space<vmem>>) target(%dma_start3A_2218 : memref<22048x32xf32, #tpu.memory_space<vmem_shared>>) offsets(%dma_start3A_2215 : memref<128xi32, #tpu.memory_space<vmem>>) semaphore(%run_scoped3A_2210 : memref<!tpu.dma_semaphore, #tpu.memory_space<semaphore_mem>>) {add = true}
        %dma_wait3A = arith.constant 768 : i32
        %dma_wait3A_2219 = arith.constant 0 : i32
        %dma_wait3A_2220 = tpu.memref_slice %arg7[%dma_wait3A, %dma_wait3A_2219] : memref<1024x32xf32, #tpu.memory_space<vmem>> -> memref<128x32xf32, #tpu.memory_space<vmem>>
        %dma_wait3A_2221 = arith.constant 0 : i32
        %dma_wait3A_2222 = tpu.memref_slice %arg8[%run_scoped3A_2194, %dma_wait3A_2221] : memref<8x128xi32, #tpu.memory_space<vmem>> -> memref<1x128xi32, #tpu.memory_space<vmem>>
        %dma_wait3A_2223 = tpu.memref_squeeze %dma_wait3A_2222 : memref<1x128xi32, #tpu.memory_space<vmem>> -> memref<128xi32, #tpu.memory_space<vmem>>
        %dma_wait3A_2224 = arith.constant 0 : i32
        %dma_wait3A_2225 = arith.constant 0 : i32
        %dma_wait3A_2226 = tpu.memref_slice %arg9[%dma_wait3A_2224, %dma_wait3A_2225] : memref<22048x32xf32, #tpu.memory_space<vmem_shared>> -> memref<22048x32xf32, #tpu.memory_space<vmem_shared>>
        tpu.wait_indirect_dma semaphore(%run_scoped3A_2210 : memref<!tpu.dma_semaphore, #tpu.memory_space<semaphore_mem>>) src(%dma_wait3A_2220 : memref<128x32xf32, #tpu.memory_space<vmem>>) dst(%dma_wait3A_2226 : memref<22048x32xf32, #tpu.memory_space<vmem_shared>>)
        tpu.yield
      }) : () -> ()
      %run_scoped3A_2195 = arith.constant 7 : i32
      "tpu.region"() ({
        %run_scoped3A_2210 = tpu.sem_alloc : memref<!tpu.dma_semaphore, #tpu.memory_space<semaphore_mem>>
        %dma_start3A = arith.constant 896 : i32
        %dma_start3A_2211 = arith.constant 0 : i32
        %dma_start3A_2212 = tpu.memref_slice %arg7[%dma_start3A, %dma_start3A_2211] : memref<1024x32xf32, #tpu.memory_space<vmem>> -> memref<128x32xf32, #tpu.memory_space<vmem>>
        %dma_start3A_2213 = arith.constant 0 : i32
        %dma_start3A_2214 = tpu.memref_slice %arg8[%run_scoped3A_2195, %dma_start3A_2213] : memref<8x128xi32, #tpu.memory_space<vmem>> -> memref<1x128xi32, #tpu.memory_space<vmem>>
        %dma_start3A_2215 = tpu.memref_squeeze %dma_start3A_2214 : memref<1x128xi32, #tpu.memory_space<vmem>> -> memref<128xi32, #tpu.memory_space<vmem>>
        %dma_start3A_2216 = arith.constant 0 : i32
        %dma_start3A_2217 = arith.constant 0 : i32
        %dma_start3A_2218 = tpu.memref_slice %arg9[%dma_start3A_2216, %dma_start3A_2217] : memref<22048x32xf32, #tpu.memory_space<vmem_shared>> -> memref<22048x32xf32, #tpu.memory_space<vmem_shared>>
        tpu.enqueue_indirect_dma source(%dma_start3A_2212 : memref<128x32xf32, #tpu.memory_space<vmem>>) target(%dma_start3A_2218 : memref<22048x32xf32, #tpu.memory_space<vmem_shared>>) offsets(%dma_start3A_2215 : memref<128xi32, #tpu.memory_space<vmem>>) semaphore(%run_scoped3A_2210 : memref<!tpu.dma_semaphore, #tpu.memory_space<semaphore_mem>>) {add = true}
        %dma_wait3A = arith.constant 896 : i32
        %dma_wait3A_2219 = arith.constant 0 : i32
        %dma_wait3A_2220 = tpu.memref_slice %arg7[%dma_wait3A, %dma_wait3A_2219] : memref<1024x32xf32, #tpu.memory_space<vmem>> -> memref<128x32xf32, #tpu.memory_space<vmem>>
        %dma_wait3A_2221 = arith.constant 0 : i32
        %dma_wait3A_2222 = tpu.memref_slice %arg8[%run_scoped3A_2195, %dma_wait3A_2221] : memref<8x128xi32, #tpu.memory_space<vmem>> -> memref<1x128xi32, #tpu.memory_space<vmem>>
        %dma_wait3A_2223 = tpu.memref_squeeze %dma_wait3A_2222 : memref<1x128xi32, #tpu.memory_space<vmem>> -> memref<128xi32, #tpu.memory_space<vmem>>
        %dma_wait3A_2224 = arith.constant 0 : i32
        %dma_wait3A_2225 = arith.constant 0 : i32
        %dma_wait3A_2226 = tpu.memref_slice %arg9[%dma_wait3A_2224, %dma_wait3A_2225] : memref<22048x32xf32, #tpu.memory_space<vmem_shared>> -> memref<22048x32xf32, #tpu.memory_space<vmem_shared>>
        tpu.wait_indirect_dma semaphore(%run_scoped3A_2210 : memref<!tpu.dma_semaphore, #tpu.memory_space<semaphore_mem>>) src(%dma_wait3A_2220 : memref<128x32xf32, #tpu.memory_space<vmem>>) dst(%dma_wait3A_2226 : memref<22048x32xf32, #tpu.memory_space<vmem_shared>>)
        tpu.yield
      }) : () -> ()
      %barrier3A_2196 = arith.constant 0 : index
      tpu.barrier barrier_id(%barrier3A_2196)
      %mul3A_2197 = arith.constant 1248 : i32
      %mul3A_2198 = arith.muli %arg1, %mul3A_2197 : i32
      %multiple_of3A_2199 = tpu.assume_multiple %mul3A_2198, 8 : i32
      %mul3A_2200 = arith.constant 1248 : i32
      %mul3A_2201 = arith.muli %arg1, %mul3A_2200 : i32
      %add3A_2202 = arith.addi %add3A, %mul3A_2201 : i32
      %multiple_of3A_2203 = tpu.assume_multiple %add3A_2202, 8 : i32
      "tpu.region"() ({
        %run_scoped3A_2210 = tpu.sem_alloc : memref<!tpu.dma_semaphore, #tpu.memory_space<semaphore_mem>>
        %dma_start3A = arith.constant 0 : i32
        %dma_start3A_2211 = tpu.memref_slice %arg5[%multiple_of3A_2203, %dma_start3A] : memref<1000000x32xf32, #tpu.memory_space<hbm>> -> memref<1248x32xf32, #tpu.memory_space<hbm>>
        %dma_start3A_2212 = arith.constant 0 : i32
        %dma_start3A_2213 = tpu.memref_slice %arg9[%multiple_of3A_2199, %dma_start3A_2212] : memref<22048x32xf32, #tpu.memory_space<vmem_shared>> -> memref<1248x32xf32, #tpu.memory_space<vmem_shared>>
        tpu.enqueue_dma source(%dma_start3A_2213 : memref<1248x32xf32, #tpu.memory_space<vmem_shared>>) target(%dma_start3A_2211 : memref<1248x32xf32, #tpu.memory_space<hbm>>) target_semaphore(%run_scoped3A_2210 : memref<!tpu.dma_semaphore, #tpu.memory_space<semaphore_mem>>)
        %dma_wait3A = arith.constant 0 : i32
        %dma_wait3A_2214 = tpu.memref_slice %arg5[%multiple_of3A_2203, %dma_wait3A] : memref<1000000x32xf32, #tpu.memory_space<hbm>> -> memref<1248x32xf32, #tpu.memory_space<hbm>>
        %dma_wait3A_2215 = arith.constant 0 : i32
        %dma_wait3A_2216 = tpu.memref_slice %arg9[%multiple_of3A_2199, %dma_wait3A_2215] : memref<22048x32xf32, #tpu.memory_space<vmem_shared>> -> memref<1248x32xf32, #tpu.memory_space<vmem_shared>>
        tpu.wait_dma2 semaphore(%run_scoped3A_2210 : memref<!tpu.dma_semaphore, #tpu.memory_space<semaphore_mem>>) src(%dma_wait3A_2216 : memref<1248x32xf32, #tpu.memory_space<vmem_shared>>) dst(%dma_wait3A_2214 : memref<1248x32xf32, #tpu.memory_space<hbm>>)
        tpu.yield
      }) : () -> ()
      %eq3A_2204 = arith.constant 0 : i32
      %eq3A_2205 = arith.cmpi eq, %arg1, %eq3A_2204 : i32
      %convert_element_type3A_2206 = arith.extui %eq3A_2205 : i1 to i32
      %cond3A_2207 = arith.constant 0 : i32
      %cond3A_2208 = arith.cmpi ne, %convert_element_type3A_2206, %cond3A_2207 : i32
      scf.if %cond3A_2208 {
        %add3A_2210 = arith.constant 19968 : i32
        %add3A_2211 = arith.addi %add3A, %add3A_2210 : i32
        %multiple_of3A_2212 = tpu.assume_multiple %add3A_2211, 8 : i32
        "tpu.region"() ({
          %run_scoped3A_2213 = tpu.sem_alloc : memref<!tpu.dma_semaphore, #tpu.memory_space<semaphore_mem>>
          %dma_start3A = arith.constant 0 : i32
          %dma_start3A_2214 = tpu.memref_slice %arg5[%multiple_of3A_2212, %dma_start3A] : memref<1000000x32xf32, #tpu.memory_space<hbm>> -> memref<32x32xf32, #tpu.memory_space<hbm>>
          %dma_start3A_2215 = arith.constant 19968 : i32
          %dma_start3A_2216 = arith.constant 0 : i32
          %dma_start3A_2217 = tpu.memref_slice %arg9[%dma_start3A_2215, %dma_start3A_2216] : memref<22048x32xf32, #tpu.memory_space<vmem_shared>> -> memref<32x32xf32, #tpu.memory_space<vmem_shared>>
          tpu.enqueue_dma source(%dma_start3A_2217 : memref<32x32xf32, #tpu.memory_space<vmem_shared>>) target(%dma_start3A_2214 : memref<32x32xf32, #tpu.memory_space<hbm>>) target_semaphore(%run_scoped3A_2213 : memref<!tpu.dma_semaphore, #tpu.memory_space<semaphore_mem>>)
          %dma_wait3A = arith.constant 0 : i32
          %dma_wait3A_2218 = tpu.memref_slice %arg5[%multiple_of3A_2212, %dma_wait3A] : memref<1000000x32xf32, #tpu.memory_space<hbm>> -> memref<32x32xf32, #tpu.memory_space<hbm>>
          %dma_wait3A_2219 = arith.constant 19968 : i32
          %dma_wait3A_2220 = arith.constant 0 : i32
          %dma_wait3A_2221 = tpu.memref_slice %arg9[%dma_wait3A_2219, %dma_wait3A_2220] : memref<22048x32xf32, #tpu.memory_space<vmem_shared>> -> memref<32x32xf32, #tpu.memory_space<vmem_shared>>
          tpu.wait_dma2 semaphore(%run_scoped3A_2213 : memref<!tpu.dma_semaphore, #tpu.memory_space<semaphore_mem>>) src(%dma_wait3A_2221 : memref<32x32xf32, #tpu.memory_space<vmem_shared>>) dst(%dma_wait3A_2218 : memref<32x32xf32, #tpu.memory_space<hbm>>)
          tpu.yield
        }) : () -> ()
      } else {
      }
      %barrier3A_2209 = arith.constant 0 : index
      tpu.barrier barrier_id(%barrier3A_2209)
    }
    %scan3A_7 = arith.constant 25 : i32
    return
  }
}

</mosaic_0001>

<sc_bundles>
// kernel: kernel.3.cloned.1.call-start
scs
__scs_entry_jumppad:
0x0: {  	(pc) =	sbr.rel $0x88, $3  }
0x1: {  	(tag) =	ssettag $0x0;
	lr =	simm.s32 $0x1  }
0x2: {  	[smem:$0x3F9E] =	sst lr;
	_ =	strace $0xD0000000  }
0x3: {  	_ = 	snop  }
0x4: {  	_ = 	snop  }
0x5: {  	_ = 	snop  }
0x6: {  	_ = 	snop  }
0x7: {  	_ = 	snop  }
__scs_overlays_trampoline_lowered:
0x8: {  	[smem:$0x3FAD] =	sst s0  }
0x9: {  	[smem:$0x3FAE] =	sst s1  }
0xa: {  	[smem:$0x3FAF] =	sst s2  }
0xb: {  	[smem:$0x3FB0] =	sst s3  }
0xc: {  	[smem:$0x3FB1] =	sst s4  }
0xd: {  	[smem:$0x3FB2] =	sst s5  }
0xe: {  	[smem:$0x3FB3] =	sst s6  }
0xf: {  	[smem:$0x3FB4] =	sst s7  }
0x10: {  	[smem:$0x3FB5] =	sst s8  }
0x11: {  	[smem:$0x3FB6] =	sst s9;
	s0 =	simm.s32 @!p0 $0x0  }
0x12: {  	s1 =	sld [smem:$0x3F9C];
	s0 =	simm.s32 @p0 $0x1  }
0x13: {  	[smem:$0x3FB7] =	sst s0;
	s0 =	simm.s32 @!p1 $0x0  }
0x14: {  	s2 =	sld [smem:$0x3F9B];
	s0 =	simm.s32 @p1 $0x1  }
0x15: {  	[smem:$0x3FB8] =	sst s0;
	s0 =	simm.s32 @!p2 $0x0  }
0x16: {  	s3 =	sld [smem:$0x3FDB];
	s0 =	simm.s32 @p2 $0x1  }
0x17: {  	s4 =	simm.s32 $0x1BF5;
	[smem:$0x3FBA] =	sst s0  }
0x18: {  	s0 =	sld [smem:$0x3F9D];
	_ =	swait.ge [sflag:s4], $0x0  }
0x19: {  	s7 =	sld [smem:$0x3F9E]  }
0x1a: {  	s8 =	sadd.s32 $0xFFFFE003, lr  }
0x1b: {  	s9 =	sadd.s32 $0xFFFFFEF7, lr;
	s5 =	simm.s32 $0xFFFFFFFF;
	p2 =	slt.u32 s8, $0xFFFFF086  }
0x1c: {  	p1 =	slt.u32 s9, $0xF7A;
	s5 =	simm.s32 @!p2 $0x0  }
0x1d: {  	s5 =	simm.s32 @p1 $0x1;
	p0 =	seq.s32 s7, s2  }
0x1e: {  	s7 =	smul.u32 @!p0 $0xF7A, s2;
	p2 =	seq.s32 @!p0 s5, $0x0  }
0x1f: {  	s9 =	smul.u32 $0xF7A, s1;
	s8 =	simm.s32 @!p0 $0x1BF5;
	p2 =	por !p2, p0  }
0x20: {  	[sflag:s8] =	ssyncset.s32 @!p0 $0xFFFFF086;
	s6 =	sadd.s32 @!p0 s3, s7;
	s7 =	simm.s32 @!p0 $0x108  }
0x21: {  	s3 =	sadd.s32 s3, s9;
	s6 =	sadd.s32 @!p0 $0x88, s6;
	s7 =	simm.s32 @p2 $0x1082  }
0x22: {  	[simem:s7], [sflag:s8] =	dma.local @!p0 [hbm:s6], $0xF7A  }
0x23: {  	s9 =	sor.u32 $0xD0000000, s2;
	s6 =	simm.s32 $0x108;
	_ =	swait.ge @!p0 [sflag:s8], $0x0  }
0x24: {  	s3 =	sadd.s32 $0x88, s3;
	s6 =	simm.s32 @!p1 $0x1082;
	[sflag:s4] =	ssyncset.s32 $0xFFFFF086  }
0x25: {  	[simem:s6], [sflag:s4] =	dma.local [hbm:s3], $0xF7A  }
0x26: {  	[smem:$0x3F9E] =	sst s1;
	(tag) =	ssettag s2;
	_ =	strace s9  }
0x27: {  	s1 =	sld [smem:$0x3FAE]  }
0x28: {  	s2 =	sld [smem:$0x3FAF]  }
0x29: {  	s4 =	sld [smem:$0x3FB1]  }
0x2a: {  	p0 =	seq.s32 s5, $0x0;
	s5 =	sld [smem:$0x3FB2]  }
0x2b: {  	s6 =	sld [smem:$0x3FB3]  }
0x2c: {  	s7 =	sld [smem:$0x3FB4]  }
0x2d: {  	s3 =	simm.s32 $0x108;
	s8 =	sld [smem:$0x3FB5]  }
0x2e: {  	s3 =	simm.s32 @!p0 $0x1082;
	s9 =	sld [smem:$0x3FB6]  }
0x2f: {  	lr =	sadd.s32 s0, s3;
	s0 =	sld [smem:$0x3FAD]  }
0x30: {  	s3 =	sld [smem:$0x3FB0]  }
0x31: {  	[smem:$0x3FB9] =	sst s10  }
0x32: {  	s10 =	sld [smem:$0x3FB7];
	_ =	sdelay $0x3  }
0x33: {  	p0 =	seq.s32 s10, $0x1;
	s10 =	sld [smem:$0x3FB9];
	_ =	sdelay $0x3  }
0x34: {  	[smem:$0x3FB9] =	sst s10  }
0x35: {  	s10 =	sld [smem:$0x3FB8];
	_ =	sdelay $0x3  }
0x36: {  	p1 =	seq.s32 s10, $0x1;
	s10 =	sld [smem:$0x3FB9];
	_ =	sdelay $0x3  }
0x37: {  	[smem:$0x3FB9] =	sst s10  }
0x38: {  	s10 =	sld [smem:$0x3FBA]  }
0x39: {  	_ = 	snop;
	(pc) =	sbr.ind lr, $3  }
0x3a: {  	_ = 	snop  }
0x3b: {  	_ = 	snop  }
0x3c: {  	p2 =	seq.s32 s10, $0x1;
	s10 =	sld [smem:$0x3FB9]  }
0x3d: {  	_ =	shalt  }
0x3e: {  	_ =	shalt  }
0x3f: {  	_ =	shalt  }
0x40: {  	_ =	shalt  }
0x41: {  	_ =	shalt  }
0x42: {  	_ =	shalt  }
0x43: {  	_ =	shalt  }
0x44: {  	_ =	shalt  }
0x45: {  	_ =	shalt  }
0x46: {  	_ =	shalt  }
0x47: {  	_ =	shalt  }
0x48: {  	_ =	shalt  }
0x49: {  	_ =	shalt  }
0x4a: {  	_ =	shalt  }
0x4b: {  	_ =	shalt  }
0x4c: {  	_ =	shalt  }
0x4d: {  	_ =	shalt  }
0x4e: {  	_ =	shalt  }
0x4f: {  	_ =	shalt  }
0x50: {  	_ =	shalt  }
0x51: {  	_ =	shalt  }
0x52: {  	_ =	shalt  }
0x53: {  	_ =	shalt  }
0x54: {  	_ =	shalt  }
0x55: {  	_ =	shalt  }
0x56: {  	_ =	shalt  }
0x57: {  	_ =	shalt  }
0x58: {  	_ =	shalt  }
0x59: {  	_ =	shalt  }
0x5a: {  	_ =	shalt  }
0x5b: {  	_ =	shalt  }
0x5c: {  	_ =	shalt  }
0x5d: {  	_ =	shalt  }
0x5e: {  	_ =	shalt  }
0x5f: {  	_ =	shalt  }
0x60: {  	_ =	shalt  }
0x61: {  	_ =	shalt  }
0x62: {  	_ =	shalt  }
0x63: {  	_ =	shalt  }
0x64: {  	_ =	shalt  }
0x65: {  	_ =	shalt  }
0x66: {  	_ =	shalt  }
0x67: {  	_ =	shalt  }
0x68: {  	_ =	shalt  }
0x69: {  	_ =	shalt  }
0x6a: {  	_ =	shalt  }
0x6b: {  	_ =	shalt  }
0x6c: {  	_ =	shalt  }
0x6d: {  	_ =	shalt  }
0x6e: {  	_ =	shalt  }
0x6f: {  	_ =	shalt  }
0x70: {  	_ =	shalt  }
0x71: {  	_ =	shalt  }
0x72: {  	_ =	shalt  }
0x73: {  	_ =	shalt  }
0x74: {  	_ =	shalt  }
0x75: {  	_ =	shalt  }
0x76: {  	_ =	shalt  }
0x77: {  	_ =	shalt  }
0x78: {  	_ =	shalt  }
0x79: {  	_ =	shalt  }
0x7a: {  	_ =	shalt  }
0x7b: {  	_ =	shalt  }
0x7c: {  	_ =	shalt  }
0x7d: {  	_ =	shalt  }
0x7e: {  	_ =	shalt  }
0x7f: {  	_ =	shalt  }
0x80: {  	_ =	shalt  }
0x81: {  	_ =	shalt  }
0x82: {  	_ =	shalt  }
0x83: {  	_ =	shalt  }
0x84: {  	_ =	shalt  }
0x85: {  	_ =	shalt  }
0x86: {  	_ =	shalt  }
0x87: {  	_ =	shalt  }
.Lfunc_end0:
.L_simem_size_0:
called_computation.1_lowered:
.L_overlay_start_0:
0x88: {  	s2 =	sld [smem:$0x3FD9]  }
0x89: {  	s3 =	sld [smem:$0x3FFE];
	_ =	sdelay $0x1  }
0x8a: {  	s1 =	srdreg.scid  }
0x8b: {  	s0 =	sand.u32 $0x1, s1  }
0x8c: {  	s17 =	sshll.u32 s0, $0xA;
	s2 =	sadd.s32 s3, s2  }
0x8d: {  	s2 =	sadd.s32 s2, s17  }
0x8e: {  	[smem:$0x3FC5] =	sst s2  }
0x8f: {  	_ = 	snop  }
0x90: {  	s2 =	sld [smem:$0x3FC8]  }
0x91: {  	s18 =	sld [smem:$0x3FD0];
	(tm) =	ssettm $0x1  }
0x92: {  	s4 =	sld [smem:$0x3FFB];
	_ =	sdelay $0x3  }
0x93: {  	_ =	strace s4  }
0x94: {  	s4 =	sld [smem:$0x3FFC];
	_ =	sdelay $0x3  }
0x95: {  	_ =	strace s4  }
0x96: {  	s4 =	sld [smem:$0x3FFD];
	_ =	sdelay $0x3  }
0x97: {  	_ =	strace s4  }
0x98: {  	_ =	strace $0x8FFFFFFF  }
0x99: {  	s19 =	sld [smem:$0x3FDB];
	_ =	sdelay $0x1  }
0x9a: {  	s5 =	simm.s32 $_scs_section_size  }
0x9b: {  	s6 =	simm.s32 $_size__tile_overlayer_lowered;
	s7 =	simm.s32 $_tile_overlayer_lowered  }
0x9c: {  	s22 =	simm.s32 $0x1BFF;
	s21 =	sshll.u32 s7, $0x1;
	s4 =	sadd.s32 s5, s19  }
0x9d: {  	s8 =	simm.s32 $0x0;
	s20 =	sshll.u32 s6, $0x1;
	s6 =	sadd.s32 s21, s4  }
0x9e: {  	[timem:s8], [sflag:s22] =	dma.local [hbm:s6], s20  }
0x9f: {  	_ =	swait.ge [sflag:s22], s20  }
0xa0: {  	s5 =	ssub.s32 $0x0, s20;
	[sflag:s22] =	ssyncset.done $0x0  }
0xa1: {  	[sflag:s22] =	ssyncadd.s32 s5;
	_ =	sdelay $0x1  }
0xa2: {  	s23 =	simm.s32 $0x1B8B  }
0xa3: {  	_ =	swait.ge [sflag:s23], $0x1  }
0xa4: {  	[sflag:s23] =	ssyncset.done $0x0  }
0xa5: {  	s25 =	simm.s32 $0x1B8E;
	s24 =	sld [smem:$0x3FFE];
	[sflag:s23] =	ssyncadd.s32 $0xFFFFFFFF  }
0xa6: {  	s26 =	simm.s32 $execute0_lowered;
	[smem:$0x3FD2] =	sst s25  }
0xa7: {  	s6 =	sshll.u32 s26, $0x1;
	_ =	strace $0x80000046;
	[dreg:$0x1] =	wrdreg $0xFFFFFFFF  }
0xa8: {  	s28 =	simm.s32 $_size_execute0_lowered;
	s4 =	sadd.s32 s4, s6;
	[dreg:$0x0] =	wrdreg $0x0  }
0xa9: {  	s6 =	sshll.u32 s28, $0x1;
	[dreg:$0x2] =	wrdreg s4  }
0xaa: {  	[dreg:$0x3] =	wrdreg s6  }
0xab: {  	[dreg:$0x4] =	wrdreg $0xC0  }
0xac: {  	_ =	task [dreg:s8], $0x5FFFF  }
0xad: {  	[dreg:$0x1] =	wrdreg $0xFFFFFFFF  }
0xae: {  	[dreg:$0x0] =	wrdreg $0x60  }
0xaf: {  	[dreg:$0x2] =	wrdreg s18  }
0xb0: {  	[dreg:$0x3] =	wrdreg s2  }
0xb1: {  	[dreg:$0x4] =	wrdreg s24  }
0xb2: {  	[dreg:$0x5] =	wrdreg $0x88000  }
0xb3: {  	[dreg:$0x6] =	wrdreg $0x9  }
0xb4: {  	_ =	task.clear_ibuf [dreg:s8], $0x7FFFF;
	_ =	strace $0x90000046  }
0xb5: {  	s29 =	simm.s32 $0x9;
	_ =	strace $0x80000048  }
0xb6: {  	_ =	swait.ge [sflag:s29], $0x1  }
0xb7: {  	[sflag:s29] =	ssyncadd.s32 $0xFFFFFFFF  }
0xb8: {  	_ =	strace $0x90000048  }
0xb9: {  	_ =	sfence  }
0xba: {  	s30 =	sld [smem:$0x0];
	_ =	sdelay $0x2  }
0xbb: {  	s31 =	sshll.u32 s1, $0xD;
	s1 =	sshrl.u32 s1, $0x2  }
0xbc: {  	s3 =	sand.u32 $0x4000, s31;
	s1 =	sadd.s32 s1, s30  }
0xbd: {  	s0 =	sor.u32 s3, s0;
	s1 =	sshll.u32 s1, $0x11  }
0xbe: {  	s0 =	sor.u32 s1, s0  }
0xbf: {  	s0 =	sadd.s32 $0x8F2B, s0  }
0xc0: {  	[sflag:s0] =	ssyncadd.remote.s32 $0x1  }
0xc1: {  	_ =	sfence.sel $0xFFFF  }
0xc2: {  	[dreg:$0x0] =	wrdreg $0xFFFFFFFF;
	(pc) =	sbr.abs _section_cstart, $3  }
0xc3: {  	[dreg:$0x1] =	wrdreg $0xFFFFFFFF  }
0xc4: {  	_ =	task.clear_ibuf [dreg:s8], $0x2FFFF;
	_ =	strace $0x9FFFFFFF  }
0xc5: {  	(tm) =	ssettm $0x7FFFFFFF  }
tec
execute0_lowered:
.L_overlay_start_1:
0x0: {  	(tag) =	ssettag $0x1  }
0x1: {  	s11 =	stileid.u32  }
0x2: {  	v0 =	vlaneseq.u32;
	s8 =	sshll.u32 s11, $0xA  }
0x3: {  	v1 =	vor.u32 s8, v0;
	s0 =	sor.u32 $0x10, s8  }
0x4: {  	s1 =	sor.u32 $0x20, s8;
	s2 =	sor.u32 $0x30, s8;
	s18 =	sor.u32 $0x40, s8;
	v1 =	vand.u32 $0x40F, v1;
	v59 =	vor.u32 s0, v0  }
0x5: {  	s19 =	sor.u32 $0x50, s8;
	v2 =	vor.u32 s1, v0;
	v3 =	vor.u32 s2, v0;
	v4 =	vor.u32 s18, v0  }
0x6: {  	s20 =	sor.u32 $0x60, s8;
	v5 =	vor.u32 s19, v0;
	v1 =	vadd.s32 $0x4E20, v1;
	v2 =	vand.u32 $0x42F, v2  }
0x7: {  	s21 =	sor.u32 $0x70, s8;
	v6 =	vor.u32 s20, v0;
	v3 =	vand.u32 $0x43F, v3;
	[tilespmem:$0x1FC60] =	vst v1;
	v60 =	vadd.s32 $0x4E20, v2  }
0x8: {  	s22 =	sor.u32 $0x80, s8;
	v7 =	vor.u32 s21, v0;
	v4 =	vand.u32 $0x44F, v4;
	v61 =	vadd.s32 $0x4E20, v3;
	[tilespmem:$0x1FC80] =	vst v60  }
0x9: {  	s23 =	sor.u32 $0x90, s8;
	v8 =	vor.u32 s22, v0;
	v5 =	vand.u32 $0x45F, v5;
	v62 =	vadd.s32 $0x4E20, v4;
	[tilespmem:$0x1FC90] =	vst v61  }
0xa: {  	s24 =	sor.u32 $0xA0, s8;
	v9 =	vor.u32 s23, v0;
	v6 =	vand.u32 $0x46F, v6;
	v63 =	vadd.s32 $0x4E20, v5;
	[tilespmem:$0x1FCA0] =	vst v62  }
0xb: {  	s25 =	sor.u32 $0xB0, s8;
	v10 =	vor.u32 s24, v0;
	v7 =	vand.u32 $0x47F, v7;
	v4 =	vadd.s32 $0x4E20, v6;
	[tilespmem:$0x1FCB0] =	vst v63  }
0xc: {  	s26 =	sor.u32 $0xC0, s8;
	v11 =	vor.u32 s25, v0;
	v8 =	vand.u32 $0x48F, v8;
	v5 =	vadd.s32 $0x4E20, v7;
	[tilespmem:$0x1FCC0] =	vst v4  }
0xd: {  	s29 =	sor.u32 $0xD0, s8;
	v12 =	vor.u32 s26, v0;
	v9 =	vand.u32 $0x49F, v9;
	v6 =	vadd.s32 $0x4E20, v8;
	[tilespmem:$0x1FCD0] =	vst v5  }
0xe: {  	s30 =	sor.u32 $0xE0, s8;
	v13 =	vor.u32 s29, v0;
	v10 =	vand.u32 $0x4AF, v10;
	v7 =	vadd.s32 $0x4E20, v9;
	[tilespmem:$0x1FCE0] =	vst v6  }
0xf: {  	s31 =	sor.u32 $0xF0, s8;
	v14 =	vor.u32 s30, v0;
	v11 =	vand.u32 $0x4BF, v11;
	v8 =	vadd.s32 $0x4E20, v10;
	[tilespmem:$0x1FCF0] =	vst v7  }
0x10: {  	s3 =	sor.u32 $0x110, s8;
	v15 =	vor.u32 s31, v0;
	v12 =	vand.u32 $0x4CF, v12;
	v9 =	vadd.s32 $0x4E20, v11;
	[tilespmem:$0x1FD00] =	vst v8  }
0x11: {  	s4 =	sor.u32 $0x120, s8;
	v17 =	vor.u32 s3, v0;
	v13 =	vand.u32 $0x4DF, v13;
	v10 =	vadd.s32 $0x4E20, v12;
	[tilespmem:$0x1FD10] =	vst v9  }
0x12: {  	s5 =	sor.u32 $0x130, s8;
	v18 =	vor.u32 s4, v0;
	v14 =	vand.u32 $0x4EF, v14;
	v11 =	vadd.s32 $0x4E20, v13;
	[tilespmem:$0x1FD20] =	vst v10  }
0x13: {  	s2 =	sor.u32 $0x100, s8;
	v19 =	vor.u32 s5, v0;
	v15 =	vand.u32 $0x4FF, v15;
	v20 =	vadd.s32 $0x4E20, v14;
	[tilespmem:$0x1FD30] =	vst v11  }
0x14: {  	v16 =	vor.u32 s2, v0;
	v17 =	vand.u32 $0x51F, v17;
	v21 =	vadd.s32 $0x4E20, v15;
	[tilespmem:$0x1FD40] =	vst v20  }
0x15: {  	v18 =	vand.u32 $0x52F, v18;
	v19 =	vand.u32 $0x53F, v19;
	v23 =	vadd.s32 $0x4E20, v17;
	[tilespmem:$0x1FD50] =	vst v21  }
0x16: {  	v1 =	vand.u32 $0x41F, v59;
	v16 =	vand.u32 $0x50F, v16;
	v24 =	vadd.s32 $0x4E20, v18;
	[tilespmem:$0x1FD70] =	vst v23  }
0x17: {  	s6 =	sor.u32 $0x140, s8;
	s7 =	sor.u32 $0x150, s8;
	s10 =	sor.u32 $0x170, s8;
	v25 =	vadd.s32 $0x4E20, v19;
	v1 =	vadd.s32 $0x4E20, v1;
	v22 =	vadd.s32 $0x4E20, v16;
	[tilespmem:$0x1FD80] =	vst v24  }
0x18: {  	s12 =	sor.u32 $0x180, s8;
	s13 =	sor.u32 $0x190, s8;
	v20 =	vor.u32 s6, v0;
	v21 =	vor.u32 s7, v0;
	[tilespmem:$0x1FD90] =	vst v25;
	v23 =	vor.u32 s10, v0  }
0x19: {  	s9 =	sor.u32 $0x160, s8;
	v24 =	vor.u32 s12, v0;
	v25 =	vor.u32 s13, v0;
	[tilespmem:$0x1FC70] =	vst v1;
	v20 =	vand.u32 $0x54F, v20  }
0x1a: {  	[tilespmem:$0x1FD60] =	vst v22;
	v21 =	vand.u32 $0x55F, v21;
	v22 =	vor.u32 s9, v0;
	v26 =	vadd.s32 $0x4E20, v20  }
0x1b: {  	v23 =	vand.u32 $0x57F, v23;
	v24 =	vand.u32 $0x58F, v24;
	v27 =	vadd.s32 $0x4E20, v21;
	[tilespmem:$0x1FDA0] =	vst v26  }
0x1c: {  	v25 =	vand.u32 $0x59F, v25;
	v22 =	vand.u32 $0x56F, v22;
	v29 =	vadd.s32 $0x4E20, v23;
	[tilespmem:$0x1FDB0] =	vst v27  }
0x1d: {  	s14 =	sor.u32 $0x1A0, s8;
	s15 =	sor.u32 $0x1B0, s8;
	s17 =	sor.u32 $0x1D0, s8;
	v30 =	vadd.s32 $0x4E20, v24;
	v31 =	vadd.s32 $0x4E20, v25;
	v28 =	vadd.s32 $0x4E20, v22;
	[tilespmem:$0x1FDD0] =	vst v29  }
0x1e: {  	s18 =	sor.u32 $0x1E0, s8;
	s19 =	sor.u32 $0x1F0, s8;
	[tilespmem:$0x1FDE0] =	vst v30;
	v26 =	vor.u32 s14, v0;
	v27 =	vor.u32 s15, v0;
	v29 =	vor.u32 s17, v0  }
0x1f: {  	s16 =	sor.u32 $0x1C0, s8;
	[tilespmem:$0x1FDF0] =	vst v31;
	v30 =	vor.u32 s18, v0;
	v31 =	vor.u32 s19, v0;
	v26 =	vand.u32 $0x5AF, v26  }
0x20: {  	[tilespmem:$0x1FDC0] =	vst v28;
	v27 =	vand.u32 $0x5BF, v27;
	v28 =	vor.u32 s16, v0;
	v32 =	vadd.s32 $0x4E20, v26  }
0x21: {  	v29 =	vand.u32 $0x5DF, v29;
	v30 =	vand.u32 $0x5EF, v30;
	v33 =	vadd.s32 $0x4E20, v27;
	[tilespmem:$0x1FE00] =	vst v32  }
0x22: {  	v31 =	vand.u32 $0x5FF, v31;
	v28 =	vand.u32 $0x5CF, v28;
	v35 =	vadd.s32 $0x4E20, v29;
	[tilespmem:$0x1FE10] =	vst v33  }
0x23: {  	s20 =	sor.u32 $0x200, s8;
	s21 =	sor.u32 $0x210, s8;
	s23 =	sor.u32 $0x230, s8;
	v36 =	vadd.s32 $0x4E20, v30;
	v37 =	vadd.s32 $0x4E20, v31;
	v34 =	vadd.s32 $0x4E20, v28;
	[tilespmem:$0x1FE30] =	vst v35  }
0x24: {  	s5 =	sor.u32 $0x240, s8;
	s25 =	sor.u32 $0x250, s8;
	[tilespmem:$0x1FE40] =	vst v36;
	v32 =	vor.u32 s20, v0;
	v33 =	vor.u32 s21, v0;
	v35 =	vor.u32 s23, v0  }
0x25: {  	s22 =	sor.u32 $0x220, s8;
	[tilespmem:$0x1FE50] =	vst v37;
	v36 =	vor.u32 s5, v0;
	v37 =	vor.u32 s25, v0;
	v32 =	vand.u32 $0x60F, v32  }
0x26: {  	[tilespmem:$0x1FE20] =	vst v34;
	v33 =	vand.u32 $0x61F, v33;
	v34 =	vor.u32 s22, v0;
	v38 =	vadd.s32 $0x4E20, v32  }
0x27: {  	s3 =	rddreg [dreg:$0x1];
	v35 =	vand.u32 $0x63F, v35;
	v36 =	vand.u32 $0x64F, v36;
	v39 =	vadd.s32 $0x4E20, v33;
	[tilespmem:$0x1FE60] =	vst v38  }
0x28: {  	s28 =	simm.s32 $0x0;
	p0 =	sne.s32 s11, $0x0;
	s4 =	rddreg [dreg:$0x2];
	v37 =	vand.u32 $0x65F, v37;
	v34 =	vand.u32 $0x62F, v34;
	v41 =	vadd.s32 $0x4E20, v35;
	[tilespmem:$0x1FE70] =	vst v39  }
0x29: {  	s30 =	sor.u32 $0x290, s8;
	s6 =	sor.u32 $0x260, s8;
	s9 =	sor.u32 $0x270, s8;
	v42 =	vadd.s32 $0x4E20, v36;
	v43 =	vadd.s32 $0x4E20, v37;
	v40 =	vadd.s32 $0x4E20, v34;
	[tilespmem:$0x1FE90] =	vst v41  }
0x2a: {  	s1 =	rddreg [dreg:$0x3];
	s24 =	simm.s32 $0x0;
	s12 =	sor.u32 $0x2A0, s8;
	[tilespmem:$0x1FEA0] =	vst v42;
	v38 =	vor.u32 s6, v0;
	v39 =	vor.u32 s9, v0;
	v41 =	vor.u32 s30, v0  }
0x2b: {  	s29 =	sor.u32 $0x280, s8;
	[smem:$0x7FF] =	sst s24;
	s2 =	smul.u32 $0x27000, s11;
	v42 =	vor.u32 s12, v0;
	[tilespmem:$0x1FE80] =	vst v40;
	v38 =	vand.u32 $0x66F, v38;
	v39 =	vand.u32 $0x67F, v39  }
0x2c: {  	s24 =	sor.u32 $0x320, s8;
	s7 =	rddreg [dreg:$0x0];
	v40 =	vor.u32 s29, v0;
	v41 =	vand.u32 $0x69F, v41;
	_ =	strace $0x80000047;
	[tilespmem:$0x1FEB0] =	vst v43;
	v44 =	vadd.s32 $0x4E20, v38  }
0x2d: {  	s10 =	srdreg.scid;
	s13 =	sshll.u32 s11, $0xC;
	s18 =	sor.u32 $0x2B0, s8;
	v42 =	vand.u32 $0x6AF, v42;
	v45 =	vadd.s32 $0x4E20, v39;
	v40 =	vand.u32 $0x68F, v40;
	[tilespmem:$0x1FEC0] =	vst v44  }
0x2e: {  	s26 =	sand.u32 $0x1, s10;
	s14 =	sor.u32 $0x2C0, s8;
	s15 =	sor.u32 $0x2D0, s8;
	v47 =	vadd.s32 $0x4E20, v41;
	v48 =	vadd.s32 $0x4E20, v42;
	v43 =	vor.u32 s18, v0;
	[tilespmem:$0x1FED0] =	vst v45  }
0x2f: {  	s0 =	ssub.s32 $0x2, s26;
	s21 =	sor.u32 $0x2F0, s8;
	s22 =	sor.u32 $0x300, s8;
	v46 =	vadd.s32 $0x4E20, v40;
	[tilespmem:$0x1FEF0] =	vst v47;
	v44 =	vor.u32 s14, v0;
	v45 =	vor.u32 s15, v0  }
0x30: {  	s31 =	sadd.s32 s13, s4;
	s13 =	sadd.s32 $0x9C000, s1;
	s19 =	sshrl.u32 s0, $0x1;
	[tilespmem:$0x1FF00] =	vst v48;
	v43 =	vand.u32 $0x6BF, v43;
	v47 =	vor.u32 s21, v0;
	v48 =	vor.u32 s22, v0  }
0x31: {  	s17 =	sshll.u32 s11, $0x7;
	s10 =	ssub.s32 s0, s19;
	s20 =	sor.u32 $0x2E0, s8;
	[tilespmem:$0x1FEE0] =	vst v46;
	v44 =	vand.u32 $0x6CF, v44;
	v45 =	vand.u32 $0x6DF, v45;
	v49 =	vadd.s32 $0x4E20, v43  }
0x32: {  	s3 =	sadd.s32 s3, s17;
	s19 =	sor.u32 $0x380, s8;
	s17 =	simm.s32 $0x8580;
	v46 =	vor.u32 s20, v0;
	v47 =	vand.u32 $0x6FF, v47;
	[tilespmem:$0x1FF10] =	vst v49;
	v50 =	vadd.s32 $0x4E20, v44  }
0x33: {  	s13 =	sshrl.u32 @!p0 s13, $0x3;
	s5 =	smul.u32 $0x7A120, s26;
	s23 =	sor.u32 $0x310, s8;
	v48 =	vand.u32 $0x70F, v48;
	v51 =	vadd.s32 $0x4E20, v45;
	v46 =	vand.u32 $0x6EF, v46;
	[tilespmem:$0x1FF20] =	vst v50  }
0x34: {  	s25 =	sor.u32 $0x330, s8;
	s9 =	smul.u32 $0x1E8480, s26;
	s12 =	sshrl.u32 s2, $0x2;
	v53 =	vadd.s32 $0x4E20, v47;
	v54 =	vadd.s32 $0x4E20, v48;
	v49 =	vor.u32 s23, v0;
	[tilespmem:$0x1FF30] =	vst v51  }
0x35: {  	s26 =	sor.u32 $0x340, s8;
	s29 =	sor.u32 $0x360, s8;
	s18 =	sor.u32 $0x350, s8;
	v52 =	vadd.s32 $0x4E20, v46;
	[tilespmem:$0x1FF50] =	vst v53;
	v50 =	vor.u32 s24, v0;
	v51 =	vor.u32 s25, v0  }
0x36: {  	s30 =	sor.u32 $0x370, s8;
	s2 =	sor.u32 $0x3F0, s8;
	s12 =	sadd.s32 s12, s1;
	[tilespmem:$0x1FF60] =	vst v54;
	v49 =	vand.u32 $0x71F, v49;
	v53 =	vor.u32 s18, v0;
	v54 =	vor.u32 s29, v0  }
0x37: {  	s16 =	sadd.s32 s9, s4;
	s4 =	sadd.s32 $0xA00, s31;
	s7 =	sadd.s32 s9, s7;
	[tilespmem:$0x1FF40] =	vst v52;
	v50 =	vand.u32 $0x72F, v50;
	v51 =	vand.u32 $0x73F, v51;
	v55 =	vadd.s32 $0x4E20, v49  }
0x38: {  	s9 =	simm.s32 $0x1;
	s12 =	sshrl.u32 s12, $0x3;
	s21 =	sor.u32 $0x3A0, s8;
	v52 =	vor.u32 s26, v0;
	v53 =	vand.u32 $0x75F, v53;
	[tilespmem:$0x1FF70] =	vst v55;
	v56 =	vadd.s32 $0x4E20, v50  }
0x39: {  	s22 =	smul.u32 $0x1380, s11;
	s6 =	sadd.s32 $0x10A00, s16;
	s14 =	simm.s32 $0x80;
	v54 =	vand.u32 $0x76F, v54;
	v57 =	vadd.s32 $0x4E20, v51;
	v52 =	vand.u32 $0x74F, v52;
	[tilespmem:$0x1FF80] =	vst v56  }
0x3a: {  	s15 =	simm.s32 $0x8500;
	s16 =	simm.s32 $0x2400;
	s20 =	sor.u32 $0x390, s8;
	v59 =	vadd.s32 $0x4E20, v53;
	v60 =	vadd.s32 $0x4E20, v54;
	v55 =	vor.u32 s30, v0;
	[tilespmem:$0x1FF90] =	vst v57  }
0x3b: {  	s23 =	sor.u32 $0x3B0, s8;
	s31 =	sadd.s32 s22, s6;
	s24 =	sor.u32 $0x3C0, s8;
	v58 =	vadd.s32 $0x4E20, v52;
	[tilespmem:$0x1FFB0] =	vst v59;
	v56 =	vor.u32 s19, v0;
	v57 =	vor.u32 s20, v0  }
0x3c: {  	s0 =	sadd.s32 s22, s7;
	s22 =	simm.s32 $0x5400;
	[dreg:$0x5] =	wrdreg s31;
	[tilespmem:$0x1FFC0] =	vst v60;
	v55 =	vand.u32 $0x77F, v55;
	v59 =	vor.u32 s23, v0;
	v60 =	vor.u32 s24, v0  }
0x3d: {  	s25 =	sor.u32 $0x3D0, s8;
	[dreg:$0x6] =	wrdreg s0;
	s29 =	simm.s32 $0x8400;
	v56 =	vand.u32 $0x78F, v56;
	v57 =	vand.u32 $0x79F, v57;
	v61 =	vadd.s32 $0x4E20, v55  }
0x3e: {  	s31 =	simm.s32 $0x1400;
	s18 =	simm.s32 $0x3400;
	s26 =	sor.u32 $0x3E0, s8;
	[tilespmem:$0x1FFA0] =	vst v58;
	v58 =	vor.u32 s21, v0;
	v59 =	vand.u32 $0x7BF, v59;
	v60 =	vand.u32 $0x7CF, v60  }
0x3f: {  	s8 =	smax.u32 s10, $0x1;
	s10 =	simm.s32 $0x400;
	[dreg:$0x7] =	wrdreg s29;
	v62 =	vadd.s32 $0x4E20, v56;
	v63 =	vadd.s32 $0x4E20, v57;
	v58 =	vand.u32 $0x7AF, v58  }
0x40: {  	[dreg:$0x9] =	wrdreg s31;
	s30 =	simm.s32 $0x8480;
	s20 =	sshll.u32 s11, $0x6;
	[tilespmem:$0x1FFD0] =	vst v61;
	v13 =	vadd.s32 $0x4E20, v59;
	v14 =	vadd.s32 $0x4E20, v60;
	v61 =	vor.u32 s25, v0  }
0x41: {  	[dreg:$0x8] =	wrdreg s30;
	s19 =	simm.s32 $0x8600;
	s23 =	simm.s32 $0x8700;
	[tilespmem:$0x1FFE0] =	vst v62;
	v12 =	vadd.s32 $0x4E20, v58;
	v62 =	vor.u32 s26, v0;
	v0 =	vor.u32 s2, v0  }
0x42: {  	s24 =	simm.s32 $0x6400;
	s11 =	sor.u32 $0x1C01, s20;
	s20 =	simm.s32 $0x4400;
	v61 =	vand.u32 $0x7DF, v61;
	v62 =	vand.u32 $0x7EF, v62;
	v0 =	vand.u32 $0x7FF, v0  }
0x43: {  	s21 =	simm.s32 $0x8680;
	s25 =	simm.s32 $0x8780;
	[tilespmem:$0x1FFF0] =	vst v63;
	s26 =	simm.s32 $0x7400;
	v15 =	vadd.s32 $0x4E20, v61;
	v16 =	vadd.s32 $0x4E20, v62;
	v17 =	vadd.s32 $0x4E20, v0  }
.LBB2_1:
0x44: {  	s0 =	simm.s32 $0x0  }
0x45: {  	[tilespmem:s0], [sflag:$0x1] =	stream.linear.gather [hbm4b:s3+s0], $0x400, $0x38;
	[tilespmem:$0x13440] =	vst v63  }
0x46: {  	_ =	swait.ge [sflag:s9], $0x400  }
0x47: {  	[sflag:s9] =	ssyncset.done $0x0  }
0x48: {  	[sflag:s9] =	ssyncadd.s32 $0xFFFFFC00  }
0x49: {  	[tilespmem:s10], [sflag:$0x1] =	stream.linear.gather [hbm4b:s4+s0], $0x8000, $0x38;
	[tilespmem:$0x13440] =	vst v63  }
0x4a: {  	_ =	swait.ge [sflag:s9], $0x8000  }
0x4b: {  	v18 =	vld [tilespmem:$0x1FCF0]  }
0x4c: {  	v19 =	vld [tilespmem:$0x1FD00]  }
0x4d: {  	v20 =	vld [tilespmem:$0x1FD10]  }
0x4e: {  	v21 =	vld [tilespmem:$0x1FD20]  }
0x4f: {  	v22 =	vld [tilespmem:$0x1FD30]  }
0x50: {  	v23 =	vld [tilespmem:$0x1FD40]  }
0x51: {  	v24 =	vld [tilespmem:$0x1FD50]  }
0x52: {  	v25 =	vld [tilespmem:$0x1FD60]  }
0x53: {  	v26 =	vld [tilespmem:$0x1FD70]  }
0x54: {  	v27 =	vld [tilespmem:$0x1FD80]  }
0x55: {  	v28 =	vld [tilespmem:$0x1FD90]  }
0x56: {  	v29 =	vld [tilespmem:$0x1FDA0]  }
0x57: {  	v30 =	vld [tilespmem:$0x1FDB0]  }
0x58: {  	v31 =	vld [tilespmem:$0x1FDC0]  }
0x59: {  	v32 =	vld [tilespmem:$0x1FDD0]  }
0x5a: {  	v33 =	vld [tilespmem:$0x1FDE0]  }
0x5b: {  	v34 =	vld [tilespmem:$0x1FDF0]  }
0x5c: {  	v35 =	vld [tilespmem:$0x1FE00]  }
0x5d: {  	v36 =	vld [tilespmem:$0x1FE10]  }
0x5e: {  	v37 =	vld [tilespmem:$0x1FE20]  }
0x5f: {  	v38 =	vld [tilespmem:$0x1FE30]  }
0x60: {  	v39 =	vld [tilespmem:$0x1FE40]  }
0x61: {  	v40 =	vld [tilespmem:$0x1FE50]  }
0x62: {  	v41 =	vld [tilespmem:$0x1FE60]  }
0x63: {  	v42 =	vld [tilespmem:$0x1FE70]  }
0x64: {  	v43 =	vld [tilespmem:$0x1FE80]  }
0x65: {  	v44 =	vld [tilespmem:$0x1FE90]  }
0x66: {  	v45 =	vld [tilespmem:$0x1FEA0]  }
0x67: {  	v46 =	vld [tilespmem:$0x1FEB0]  }
0x68: {  	v47 =	vld [tilespmem:$0x1FEC0]  }
0x69: {  	v48 =	vld [tilespmem:$0x1FED0]  }
0x6a: {  	v49 =	vld [tilespmem:$0x1FEE0]  }
0x6b: {  	v50 =	vld [tilespmem:$0x1FEF0]  }
0x6c: {  	v51 =	vld [tilespmem:$0x1FF00]  }
0x6d: {  	v52 =	vld [tilespmem:$0x1FF10]  }
0x6e: {  	v53 =	vld [tilespmem:$0x1FF20]  }
0x6f: {  	v54 =	vld [tilespmem:$0x1FF30]  }
0x70: {  	v55 =	vld [tilespmem:$0x1FF40]  }
0x71: {  	v56 =	vld [tilespmem:$0x1FF50]  }
0x72: {  	v57 =	vld [tilespmem:$0x1FF60]  }
0x73: {  	v58 =	vld [tilespmem:$0x1FF70]  }
0x74: {  	v59 =	vld [tilespmem:$0x1FF80]  }
0x75: {  	v60 =	vld [tilespmem:$0x1FF90]  }
0x76: {  	v61 =	vld [tilespmem:$0x1FFA0]  }
0x77: {  	v62 =	vld [tilespmem:$0x1FFB0]  }
0x78: {  	v63 =	vld [tilespmem:$0x1FFC0]  }
0x79: {  	v9 =	vld [tilespmem:$0x1FFD0]  }
0x7a: {  	[sflag:s9] =	ssyncset.done $0x0;
	v10 =	vld [tilespmem:$0x1FFE0]  }
0x7b: {  	s29 =	smov.u32 s5;
	s30 =	simm.s32 $0x0;
	v11 =	vld [tilespmem:$0x1FFF0];
	[sflag:s9] =	ssyncadd.s32 $0xFFFF8000  }
.LBB2_2:
0x7c: {  	s31 =	rddreg [dreg:$0x6]  }
0x7d: {  	s31 =	sadd.s32 s30, s31  }
0x7e: {  	[spmem:s12], [sflag:s11] =	dma.local [hbm:s31], $0x1380  }
0x7f: {  	_ =	swait.ge [sflag:s9], $0x1380  }
0x80: {  	s31 =	sadd.s32 @!p0 s30, s7;
	[sflag:s9] =	ssyncset.done $0x0  }
0x81: {  	s31 =	sadd.s32 @!p0 $0x13800, s31;
	[sflag:s9] =	ssyncadd.s32 $0xFFFFEC80  }
0x82: {  	[spmem:s13], [sflag:s11] =	dma.local @!p0 [hbm:s31], $0x80  }
0x83: {  	s31 =	simm.s32 @!p0 $0x1  }
0x84: {  	_ =	swait.ge @!p0 [sflag:s31], $0x80  }
0x85: {  	[sflag:s31] =	ssyncset.done @!p0 $0x0  }
0x86: {  	[sflag:s31] =	ssyncadd.s32 @!p0 $0xFFFFFF80  }
0x87: {  	[bflag:$0x0] =	sbarrier.arrive $0xFFFF  }
0x88: {  	v1 =	vld [tilespmem:$0x0];
	_ =	sdelay $0x1  }
0x89: {  	v8 =	vld [tilespmem:$0x1FC60];
	_ =	sdelay $0x1  }
0x8a: {  	v0 =	vmov s29  }
0x8b: {  	v1 =	vsub.s32 v1, v0  }
0x8c: {  	v2 =	vld [tilespmem:$0x10];
	vm0 =	vlt.u32 v1, $0x4E20  }
0x8d: {  	v1 =	vsel vm0, v1, v8  }
0x8e: {  	[tilespmem:$0x8400] =	vst v1;
	v1 =	vld [tilespmem:$0x1FC70];
	_ =	sdelay $0x2  }
0x8f: {  	v2 =	vsub.s32 v2, v0  }
0x90: {  	v3 =	vld [tilespmem:$0x20];
	vm13 =	vlt.u32 v2, $0x4E20  }
0x91: {  	v1 =	vsel vm13, v2, v1  }
0x92: {  	[tilespmem:$0x8410] =	vst v1;
	v1 =	vld [tilespmem:$0x1FC80];
	_ =	sdelay $0x2  }
0x93: {  	v3 =	vsub.s32 v3, v0  }
0x94: {  	v4 =	vld [tilespmem:$0x30];
	vm14 =	vlt.u32 v3, $0x4E20  }
0x95: {  	v1 =	vsel vm14, v3, v1  }
0x96: {  	[tilespmem:$0x8420] =	vst v1;
	v1 =	vld [tilespmem:$0x1FC90];
	_ =	sdelay $0x2  }
0x97: {  	v2 =	vsub.s32 v4, v0  }
0x98: {  	v5 =	vld [tilespmem:$0x40];
	vm15 =	vlt.u32 v2, $0x4E20  }
0x99: {  	v1 =	vsel vm15, v2, v1  }
0x9a: {  	[tilespmem:$0x8430] =	vst v1;
	v1 =	vld [tilespmem:$0x1FCA0];
	_ =	sdelay $0x2  }
0x9b: {  	v3 =	vsub.s32 v5, v0  }
0x9c: {  	v6 =	vld [tilespmem:$0x50];
	vm4 =	vlt.u32 v3, $0x4E20  }
0x9d: {  	v1 =	vsel vm4, v3, v1  }
0x9e: {  	[tilespmem:$0x8440] =	vst v1;
	v1 =	vld [tilespmem:$0x1FCB0];
	_ =	sdelay $0x2  }
0x9f: {  	v2 =	vsub.s32 v6, v0  }
0xa0: {  	v7 =	vld [tilespmem:$0x60];
	vm5 =	vlt.u32 v2, $0x4E20  }
0xa1: {  	v1 =	vsel vm5, v2, v1  }
0xa2: {  	[tilespmem:$0x8450] =	vst v1;
	v1 =	vld [tilespmem:$0x1FCC0];
	_ =	sdelay $0x2  }
0xa3: {  	v3 =	vsub.s32 v7, v0  }
0xa4: {  	v8 =	vld [tilespmem:$0x70];
	vm6 =	vlt.u32 v3, $0x4E20  }
0xa5: {  	v1 =	vsel vm6, v3, v1  }
0xa6: {  	[tilespmem:$0x8460] =	vst v1;
	v1 =	vld [tilespmem:$0x1FCD0];
	_ =	sdelay $0x2  }
0xa7: {  	v4 =	vld [tilespmem:$0x80];
	v2 =	vsub.s32 v8, v0  }
0xa8: {  	v5 =	vld [tilespmem:$0x90];
	vm7 =	vlt.u32 v2, $0x4E20  }
0xa9: {  	v6 =	vld [tilespmem:$0xA0];
	v1 =	vsel vm7, v2, v1  }
0xaa: {  	[tilespmem:$0x8470] =	vst v1;
	v1 =	vld [tilespmem:$0x1FCE0]  }
0xab: {  	v7 =	vld [tilespmem:$0xB0]  }
0xac: {  	v8 =	vld [tilespmem:$0xC0]  }
0xad: {  	v3 =	vsub.s32 v4, v0;
	v4 =	vld [tilespmem:$0xD0]  }
0xae: {  	vm8 =	vlt.u32 v3, $0x4E20;
	v2 =	vsub.s32 v5, v0;
	v5 =	vld [tilespmem:$0xE0]  }
0xaf: {  	vm9 =	vlt.u32 v2, $0x4E20;
	v1 =	vsel vm8, v3, v1;
	v3 =	vsub.s32 v6, v0;
	v6 =	vld [tilespmem:$0xF0]  }
0xb0: {  	[tilespmem:$0x8480] =	vst v1;
	v1 =	vsel vm9, v2, v18;
	vm10 =	vlt.u32 v3, $0x4E20;
	v2 =	vsub.s32 v7, v0;
	v7 =	vld [tilespmem:$0x100]  }
0xb1: {  	[tilespmem:$0x8490] =	vst v1;
	v1 =	vsel vm10, v3, v19;
	vm11 =	vlt.u32 v2, $0x4E20;
	v3 =	vsub.s32 v8, v0;
	v8 =	vld [tilespmem:$0x110]  }
0xb2: {  	[tilespmem:$0x84A0] =	vst v1;
	v1 =	vsel vm11, v2, v20;
	vm12 =	vlt.u32 v3, $0x4E20;
	v2 =	vsub.s32 v4, v0;
	v4 =	vld [tilespmem:$0x120]  }
0xb3: {  	[tilespmem:$0x84B0] =	vst v1;
	v1 =	vsel vm12, v3, v21;
	vm13 =	vlt.u32 v2, $0x4E20;
	v3 =	vsub.s32 v5, v0;
	v5 =	vld [tilespmem:$0x130]  }
0xb4: {  	[tilespmem:$0x84C0] =	vst v1;
	v1 =	vsel vm13, v2, v22;
	vm14 =	vlt.u32 v3, $0x4E20;
	v2 =	vsub.s32 v6, v0;
	v6 =	vld [tilespmem:$0x140]  }
0xb5: {  	[tilespmem:$0x84D0] =	vst v1;
	v1 =	vsel vm14, v3, v23;
	vm15 =	vlt.u32 v2, $0x4E20;
	v3 =	vsub.s32 v7, v0;
	v7 =	vld [tilespmem:$0x150]  }
0xb6: {  	[tilespmem:$0x84E0] =	vst v1;
	v1 =	vsel vm15, v2, v24;
	vm4 =	vlt.u32 v3, $0x4E20;
	v2 =	vsub.s32 v8, v0;
	v8 =	vld [tilespmem:$0x160]  }
0xb7: {  	[tilespmem:$0x84F0] =	vst v1;
	v1 =	vsel vm4, v3, v25;
	vm5 =	vlt.u32 v2, $0x4E20;
	v3 =	vsub.s32 v4, v0;
	v4 =	vld [tilespmem:$0x170]  }
0xb8: {  	[tilespmem:$0x8500] =	vst v1;
	v1 =	vsel vm5, v2, v26;
	vm6 =	vlt.u32 v3, $0x4E20;
	v2 =	vsub.s32 v5, v0;
	v5 =	vld [tilespmem:$0x180]  }
0xb9: {  	[tilespmem:$0x8510] =	vst v1;
	v1 =	vsel vm6, v3, v27;
	vm7 =	vlt.u32 v2, $0x4E20;
	v3 =	vsub.s32 v6, v0;
	v6 =	vld [tilespmem:$0x190]  }
0xba: {  	[tilespmem:$0x8520] =	vst v1;
	v1 =	vsel vm7, v2, v28;
	vm8 =	vlt.u32 v3, $0x4E20;
	v2 =	vsub.s32 v7, v0;
	v7 =	vld [tilespmem:$0x1A0]  }
0xbb: {  	[tilespmem:$0x8530] =	vst v1;
	v1 =	vsel vm8, v3, v29;
	vm9 =	vlt.u32 v2, $0x4E20;
	v3 =	vsub.s32 v8, v0;
	v8 =	vld [tilespmem:$0x1B0]  }
0xbc: {  	[tilespmem:$0x8540] =	vst v1;
	v1 =	vsel vm9, v2, v30;
	vm10 =	vlt.u32 v3, $0x4E20;
	v2 =	vsub.s32 v4, v0;
	v4 =	vld [tilespmem:$0x1C0]  }
0xbd: {  	[tilespmem:$0x8550] =	vst v1;
	v1 =	vsel vm10, v3, v31;
	vm11 =	vlt.u32 v2, $0x4E20;
	v3 =	vsub.s32 v5, v0;
	v5 =	vld [tilespmem:$0x1D0]  }
0xbe: {  	[tilespmem:$0x8560] =	vst v1;
	v1 =	vsel vm11, v2, v32;
	vm12 =	vlt.u32 v3, $0x4E20;
	v2 =	vsub.s32 v6, v0;
	v6 =	vld [tilespmem:$0x1E0]  }
0xbf: {  	[tilespmem:$0x8570] =	vst v1;
	v1 =	vsel vm12, v3, v33;
	vm13 =	vlt.u32 v2, $0x4E20;
	v3 =	vsub.s32 v7, v0;
	v7 =	vld [tilespmem:$0x1F0]  }
0xc0: {  	[tilespmem:$0x8580] =	vst v1;
	v1 =	vsel vm13, v2, v34;
	vm14 =	vlt.u32 v3, $0x4E20;
	v2 =	vsub.s32 v8, v0;
	v8 =	vld [tilespmem:$0x200]  }
0xc1: {  	[tilespmem:$0x8590] =	vst v1;
	v1 =	vsel vm14, v3, v35;
	vm15 =	vlt.u32 v2, $0x4E20;
	v3 =	vsub.s32 v4, v0;
	v4 =	vld [tilespmem:$0x210]  }
0xc2: {  	[tilespmem:$0x85A0] =	vst v1;
	v1 =	vsel vm15, v2, v36;
	vm4 =	vlt.u32 v3, $0x4E20;
	v2 =	vsub.s32 v5, v0;
	v5 =	vld [tilespmem:$0x220]  }
0xc3: {  	[tilespmem:$0x85B0] =	vst v1;
	v1 =	vsel vm4, v3, v37;
	vm5 =	vlt.u32 v2, $0x4E20;
	v3 =	vsub.s32 v6, v0;
	v6 =	vld [tilespmem:$0x230]  }
0xc4: {  	[tilespmem:$0x85C0] =	vst v1;
	v1 =	vsel vm5, v2, v38;
	vm6 =	vlt.u32 v3, $0x4E20;
	v2 =	vsub.s32 v7, v0;
	v7 =	vld [tilespmem:$0x240]  }
0xc5: {  	[tilespmem:$0x85D0] =	vst v1;
	v1 =	vsel vm6, v3, v39;
	vm7 =	vlt.u32 v2, $0x4E20;
	v3 =	vsub.s32 v8, v0;
	v8 =	vld [tilespmem:$0x250]  }
0xc6: {  	[tilespmem:$0x85E0] =	vst v1;
	v1 =	vsel vm7, v2, v40;
	vm8 =	vlt.u32 v3, $0x4E20;
	v2 =	vsub.s32 v4, v0;
	v4 =	vld [tilespmem:$0x260]  }
0xc7: {  	[tilespmem:$0x85F0] =	vst v1;
	v1 =	vsel vm8, v3, v41;
	vm9 =	vlt.u32 v2, $0x4E20;
	v3 =	vsub.s32 v5, v0;
	v5 =	vld [tilespmem:$0x270]  }
0xc8: {  	[tilespmem:$0x8600] =	vst v1;
	v1 =	vsel vm9, v2, v42;
	vm10 =	vlt.u32 v3, $0x4E20;
	v2 =	vsub.s32 v6, v0;
	v6 =	vld [tilespmem:$0x280]  }
0xc9: {  	[tilespmem:$0x8610] =	vst v1;
	v1 =	vsel vm10, v3, v43;
	vm11 =	vlt.u32 v2, $0x4E20;
	v3 =	vsub.s32 v7, v0;
	v7 =	vld [tilespmem:$0x290]  }
0xca: {  	[tilespmem:$0x8620] =	vst v1;
	v1 =	vsel vm11, v2, v44;
	vm12 =	vlt.u32 v3, $0x4E20;
	v2 =	vsub.s32 v8, v0;
	v8 =	vld [tilespmem:$0x2A0]  }
0xcb: {  	[tilespmem:$0x8630] =	vst v1;
	v1 =	vsel vm12, v3, v45;
	vm13 =	vlt.u32 v2, $0x4E20;
	v3 =	vsub.s32 v4, v0;
	v4 =	vld [tilespmem:$0x2B0]  }
0xcc: {  	[tilespmem:$0x8640] =	vst v1;
	v1 =	vsel vm13, v2, v46;
	vm14 =	vlt.u32 v3, $0x4E20;
	v2 =	vsub.s32 v5, v0;
	v5 =	vld [tilespmem:$0x2C0]  }
0xcd: {  	[tilespmem:$0x8650] =	vst v1;
	v1 =	vsel vm14, v3, v47;
	vm15 =	vlt.u32 v2, $0x4E20;
	v3 =	vsub.s32 v6, v0;
	v6 =	vld [tilespmem:$0x2D0]  }
0xce: {  	[tilespmem:$0x8660] =	vst v1;
	v1 =	vsel vm15, v2, v48;
	vm4 =	vlt.u32 v3, $0x4E20;
	v2 =	vsub.s32 v7, v0;
	v7 =	vld [tilespmem:$0x2E0]  }
0xcf: {  	[tilespmem:$0x8670] =	vst v1;
	v1 =	vsel vm4, v3, v49;
	vm5 =	vlt.u32 v2, $0x4E20;
	v3 =	vsub.s32 v8, v0;
	v8 =	vld [tilespmem:$0x2F0]  }
0xd0: {  	[tilespmem:$0x8680] =	vst v1;
	v1 =	vsel vm5, v2, v50;
	vm6 =	vlt.u32 v3, $0x4E20;
	v2 =	vsub.s32 v4, v0;
	v4 =	vld [tilespmem:$0x300]  }
0xd1: {  	[tilespmem:$0x8690] =	vst v1;
	v1 =	vsel vm6, v3, v51;
	vm7 =	vlt.u32 v2, $0x4E20;
	v3 =	vsub.s32 v5, v0;
	v5 =	vld [tilespmem:$0x310]  }
0xd2: {  	[tilespmem:$0x86A0] =	vst v1;
	v1 =	vsel vm7, v2, v52;
	vm8 =	vlt.u32 v3, $0x4E20;
	v2 =	vsub.s32 v6, v0;
	v6 =	vld [tilespmem:$0x320]  }
0xd3: {  	[tilespmem:$0x86B0] =	vst v1;
	v1 =	vsel vm8, v3, v53;
	vm9 =	vlt.u32 v2, $0x4E20;
	v3 =	vsub.s32 v7, v0;
	v7 =	vld [tilespmem:$0x330]  }
0xd4: {  	[tilespmem:$0x86C0] =	vst v1;
	v1 =	vsel vm9, v2, v54;
	vm10 =	vlt.u32 v3, $0x4E20;
	v2 =	vsub.s32 v8, v0;
	v8 =	vld [tilespmem:$0x340]  }
0xd5: {  	[tilespmem:$0x86D0] =	vst v1;
	v1 =	vsel vm10, v3, v55;
	vm11 =	vlt.u32 v2, $0x4E20;
	v3 =	vsub.s32 v4, v0;
	v4 =	vld [tilespmem:$0x350]  }
0xd6: {  	[tilespmem:$0x86E0] =	vst v1;
	v1 =	vsel vm11, v2, v56;
	vm12 =	vlt.u32 v3, $0x4E20;
	v2 =	vsub.s32 v5, v0;
	v5 =	vld [tilespmem:$0x360]  }
0xd7: {  	[tilespmem:$0x86F0] =	vst v1;
	v1 =	vsel vm12, v3, v57;
	vm13 =	vlt.u32 v2, $0x4E20;
	v3 =	vsub.s32 v6, v0;
	v6 =	vld [tilespmem:$0x370]  }
0xd8: {  	[tilespmem:$0x8700] =	vst v1;
	v1 =	vsel vm13, v2, v58;
	vm14 =	vlt.u32 v3, $0x4E20;
	v2 =	vsub.s32 v7, v0;
	v7 =	vld [tilespmem:$0x380]  }
0xd9: {  	[tilespmem:$0x8710] =	vst v1;
	v1 =	vsel vm14, v3, v59;
	vm15 =	vlt.u32 v2, $0x4E20;
	v3 =	vsub.s32 v8, v0;
	v8 =	vld [tilespmem:$0x390]  }
0xda: {  	[tilespmem:$0x8720] =	vst v1;
	v1 =	vsel vm15, v2, v60;
	vm4 =	vlt.u32 v3, $0x4E20;
	v2 =	vsub.s32 v4, v0;
	v4 =	vld [tilespmem:$0x3A0]  }
0xdb: {  	[tilespmem:$0x8730] =	vst v1;
	v1 =	vsel vm4, v3, v61;
	vm5 =	vlt.u32 v2, $0x4E20;
	v3 =	vsub.s32 v5, v0;
	v5 =	vld [tilespmem:$0x3B0]  }
0xdc: {  	[tilespmem:$0x8740] =	vst v1;
	v1 =	vsel vm5, v2, v62;
	vm6 =	vlt.u32 v3, $0x4E20;
	v2 =	vsub.s32 v6, v0;
	v6 =	vld [tilespmem:$0x3C0]  }
0xdd: {  	[tilespmem:$0x8750] =	vst v1;
	v1 =	vsel vm6, v3, v63;
	vm7 =	vlt.u32 v2, $0x4E20;
	v3 =	vsub.s32 v7, v0;
	v7 =	vld [tilespmem:$0x3D0]  }
0xde: {  	[tilespmem:$0x8760] =	vst v1;
	v1 =	vsel vm7, v2, v9;
	vm8 =	vlt.u32 v3, $0x4E20;
	v2 =	vsub.s32 v8, v0;
	v8 =	vld [tilespmem:$0x3E0]  }
0xdf: {  	[tilespmem:$0x8770] =	vst v1;
	v1 =	vsel vm8, v3, v10;
	vm9 =	vlt.u32 v2, $0x4E20;
	v3 =	vsub.s32 v4, v0;
	v4 =	vld [tilespmem:$0x3F0]  }
0xe0: {  	[tilespmem:$0x8780] =	vst v1;
	v1 =	vsel vm9, v2, v11;
	vm10 =	vlt.u32 v3, $0x4E20;
	v2 =	vsub.s32 v5, v0  }
0xe1: {  	[tilespmem:$0x8790] =	vst v1;
	v1 =	vsel vm10, v3, v12;
	vm11 =	vlt.u32 v2, $0x4E20;
	v6 =	vsub.s32 v6, v0  }
0xe2: {  	[tilespmem:$0x87A0] =	vst v1;
	v5 =	vsel vm11, v2, v13;
	vm12 =	vlt.u32 v6, $0x4E20;
	v2 =	vsub.s32 v7, v0  }
0xe3: {  	[tilespmem:$0x87B0] =	vst v5;
	v6 =	vsel vm12, v6, v14;
	vm13 =	vlt.u32 v2, $0x4E20;
	v7 =	vsub.s32 v8, v0  }
0xe4: {  	[tilespmem:$0x87C0] =	vst v6;
	v0 =	vsub.s32 v4, v0;
	v6 =	vsel vm13, v2, v15;
	vm14 =	vlt.u32 v7, $0x4E20  }
0xe5: {  	[tilespmem:$0x87D0] =	vst v6;
	v7 =	vsel vm14, v7, v16;
	vm15 =	vlt.u32 v0, $0x4E20  }
0xe6: {  	[tilespmem:$0x87E0] =	vst v7;
	v0 =	vsel vm15, v0, v17  }
0xe7: {  	s0 =	rddreg [dreg:$0x7];
	[tilespmem:$0x87F0] =	vst v0  }
0xe8: {  	[spmem:s1] =	stream.indirect.scatter.add.f32 [tilespmem:s10], [sflag:$0x1], $0x20, s0, s14, $0xb8;
	[tilespmem:$0x13440] =	vst v63  }
0xe9: {  	_ =	swait.ge [sflag:s9], $0x1000  }
0xea: {  	s0 =	rddreg [dreg:$0x8];
	[sflag:s9] =	ssyncset.done $0x0  }
0xeb: {  	s2 =	rddreg [dreg:$0x9];
	[sflag:s9] =	ssyncadd.s32 $0xFFFFF000  }
0xec: {  	[spmem:s1] =	stream.indirect.scatter.add.f32 [tilespmem:s2], [sflag:$0x1], $0x20, s0, s14, $0xb8;
	[tilespmem:$0x13440] =	vst v63  }
0xed: {  	_ =	swait.ge [sflag:s9], $0x1000  }
0xee: {  	[sflag:s9] =	ssyncset.done $0x0  }
0xef: {  	[sflag:s9] =	ssyncadd.s32 $0xFFFFF000  }
0xf0: {  	[spmem:s1] =	stream.indirect.scatter.add.f32 [tilespmem:s16], [sflag:$0x1], $0x20, s15, s14, $0xb8;
	[tilespmem:$0x13440] =	vst v63  }
0xf1: {  	_ =	swait.ge [sflag:s9], $0x1000  }
0xf2: {  	[sflag:s9] =	ssyncset.done $0x0  }
0xf3: {  	[sflag:s9] =	ssyncadd.s32 $0xFFFFF000  }
0xf4: {  	[spmem:s1] =	stream.indirect.scatter.add.f32 [tilespmem:s18], [sflag:$0x1], $0x20, s17, s14, $0xb8;
	[tilespmem:$0x13440] =	vst v63  }
0xf5: {  	_ =	swait.ge [sflag:s9], $0x1000  }
0xf6: {  	[sflag:s9] =	ssyncset.done $0x0  }
0xf7: {  	[sflag:s9] =	ssyncadd.s32 $0xFFFFF000  }
0xf8: {  	[spmem:s1] =	stream.indirect.scatter.add.f32 [tilespmem:s20], [sflag:$0x1], $0x20, s19, s14, $0xb8;
	[tilespmem:$0x13440] =	vst v63  }
0xf9: {  	_ =	swait.ge [sflag:s9], $0x1000  }
0xfa: {  	[sflag:s9] =	ssyncset.done $0x0  }
0xfb: {  	[sflag:s9] =	ssyncadd.s32 $0xFFFFF000  }
0xfc: {  	[spmem:s1] =	stream.indirect.scatter.add.f32 [tilespmem:s22], [sflag:$0x1], $0x20, s21, s14, $0xb8;
	[tilespmem:$0x13440] =	vst v63  }
0xfd: {  	_ =	swait.ge [sflag:s9], $0x1000  }
0xfe: {  	[sflag:s9] =	ssyncset.done $0x0  }
0xff: {  	[sflag:s9] =	ssyncadd.s32 $0xFFFFF000  }
0x100: {  	[spmem:s1] =	stream.indirect.scatter.add.f32 [tilespmem:s24], [sflag:$0x1], $0x20, s23, s14, $0xb8;
	[tilespmem:$0x13440] =	vst v63  }
0x101: {  	_ =	swait.ge [sflag:s9], $0x1000  }
0x102: {  	[sflag:s9] =	ssyncset.done $0x0  }
0x103: {  	[sflag:s9] =	ssyncadd.s32 $0xFFFFF000  }
0x104: {  	[spmem:s1] =	stream.indirect.scatter.add.f32 [tilespmem:s26], [sflag:$0x1], $0x20, s25, s14, $0xb8;
	[tilespmem:$0x13440] =	vst v63  }
0x105: {  	_ =	swait.ge [sflag:s9], $0x1000  }
0x106: {  	[sflag:s9] =	ssyncset.done $0x0  }
0x107: {  	[sflag:s9] =	ssyncadd.s32 $0xFFFFF000  }
0x108: {  	[bflag:$0x0] =	sbarrier.arrive $0xFFFF  }
0x109: {  	s2 =	rddreg [dreg:$0x5]  }
0x10a: {  	s0 =	sadd.s32 s30, s2  }
0x10b: {  	[hbm:s0], [sflag:s11] =	dma.local [spmem:s12], $0x1380  }
0x10c: {  	_ =	swait.ge [sflag:s9], $0x1380  }
0x10d: {  	s0 =	sadd.s32 @!p0 s30, s6;
	s30 =	sadd.s32 $0x13880, s30;
	[sflag:s9] =	ssyncset.done $0x0  }
0x10e: {  	s0 =	sadd.s32 @!p0 $0x13800, s0;
	p1 =	sne.s32 s30, $0x1E8480;
	[sflag:s9] =	ssyncadd.s32 $0xFFFFEC80  }
0x10f: {  	[hbm:s0], [sflag:s11] =	dma.local @!p0 [spmem:s13], $0x80  }
.Ltmp0:
0x110: {  	_ =	swait.ge @!p0 [sflag:s31], $0x80;
	(pc) =	sbr.rel @p1 .LBB2_2-.Ltmp0, $4  }
0x111: {  	[sflag:s31] =	ssyncset.done @!p0 $0x0  }
0x112: {  	[sflag:s31] =	ssyncadd.s32 @!p0 $0xFFFFFF80  }
0x113: {  	[bflag:$0x0] =	sbarrier.arrive $0xFFFF  }
0x114: {  	s29 =	sadd.s32 $0x4E20, s29  }
0x115: {  	s28 =	sadd.s32 $0x1, s28  }
0x116: {  	p1 =	sne.s32 s28, s8  }
.Ltmp1:
0x117: {  	_ = 	snop;
	(pc) =	sbr.rel @p1 .LBB2_1-.Ltmp1, $1  }
0x118: {  	_ =	sdelay $0x3  }
0x119: {  	_ =	sfence.sel $0x180000  }
0x11a: {  	[bflag:$0x0] =	sbarrier.arrive $0xFFFF  }
0x11b: {  	_ =	strace $0x90000047  }
0x11c: {  	[bflag:$0x2] =	sbarrier.arrive $0xFFFF  }
0x11d: {  	s0 =	rddreg [dreg:$0x4]  }
0x11e: {  	s0 =	sadd.s32 @!p0 $0x100000, s0  }
0x11f: {  	[sflag:s0] =	ssyncadd.tile.s32 @!p0 $0x1;
	_ =	shalt  }
.Lfunc_end2:
_tile_overlayer_lowered:
.L_overlay_start_2:
0x120: {  	(tag) =	ssettag $0x2  }
0x121: {  	s0 =	rddreg [dreg:$0x0];
	s2 =	stileid.u32  }
0x122: {  	s1 =	rddreg [dreg:$0x1];
	p0 =	sne.s32 s2, $0x0  }
0x123: {  	s3 =	rddreg [dreg:$0x2];
	[bflag:$0x3] =	sbarrier.arrive $0xFFFF;
	s2 =	simm.s32 @!p0 $0x1C01  }
0x124: {  	[timem:s3], [sflag:s2] =	dma.local @!p0 [hbm:s0], s1  }
0x125: {  	s0 =	simm.s32 @!p0 $0x1  }
0x126: {  	_ =	swait.ge @!p0 [sflag:s0], s1  }
0x127: {  	s1 =	ssub.s32 @!p0 $0x0, s1;
	[sflag:s0] =	ssyncset.done @!p0 $0x0  }
0x128: {  	[sflag:s0] =	ssyncadd.s32 @!p0 s1  }
0x129: {  	[bflag:$0x3] =	sbarrier.arrive $0xFFFF  }
0x12a: {  	_ =	shalt  }

// kernel: sparse-core-data-format-call.cloned.1.call-start
scs
called_computation_lowered:
.L_overlay_start_0:
0x0: {  	s2 =	sld [smem:$0x3FD9]  }
0x1: {  	s3 =	sld [smem:$0x3FFE];
	_ =	sdelay $0x1  }
0x2: {  	s1 =	srdreg.scid  }
0x3: {  	s0 =	sand.u32 $0x1, s1  }
0x4: {  	s18 =	sshll.u32 s0, $0xA;
	s2 =	sadd.s32 s3, s2  }
0x5: {  	s2 =	sadd.s32 s2, s18  }
0x6: {  	[smem:$0x3FC5] =	sst s2  }
0x7: {  	_ = 	snop  }
0x8: {  	s2 =	sld [smem:$0x3FD0];
	(tm) =	ssettm $0x1  }
0x9: {  	s19 =	sld [smem:$0x3FFB];
	_ =	sdelay $0x3  }
0xa: {  	_ =	strace s19  }
0xb: {  	s3 =	sld [smem:$0x3FFC];
	_ =	sdelay $0x3  }
0xc: {  	_ =	strace s3  }
0xd: {  	s3 =	sld [smem:$0x3FFD];
	_ =	sdelay $0x3  }
0xe: {  	_ =	strace s3  }
0xf: {  	_ =	strace $0x8FFFFFFF  }
0x10: {  	s20 =	sld [smem:$0x3FDB];
	_ =	sdelay $0x1  }
0x11: {  	s4 =	simm.s32 $_scs_section_size  }
0x12: {  	s5 =	simm.s32 $_size__tile_overlayer_lowered;
	s6 =	simm.s32 $_tile_overlayer_lowered  }
0x13: {  	s23 =	simm.s32 $0x1BFF;
	s22 =	sshll.u32 s6, $0x1;
	s3 =	sadd.s32 s4, s20  }
0x14: {  	s7 =	simm.s32 $0x0;
	s21 =	sshll.u32 s5, $0x1;
	s5 =	sadd.s32 s22, s3  }
0x15: {  	[timem:s7], [sflag:s23] =	dma.local [hbm:s5], s21  }
0x16: {  	_ =	swait.ge [sflag:s23], s21  }
0x17: {  	s4 =	ssub.s32 $0x0, s21;
	[sflag:s23] =	ssyncset.done $0x0  }
0x18: {  	[sflag:s23] =	ssyncadd.s32 s4;
	_ =	sdelay $0x1  }
0x19: {  	s24 =	simm.s32 $0x1B8B  }
0x1a: {  	_ =	swait.ge [sflag:s24], $0x1  }
0x1b: {  	[sflag:s24] =	ssyncset.done $0x0  }
0x1c: {  	s26 =	simm.s32 $0x1B8E;
	s25 =	sld [smem:$0x3FFE];
	[sflag:s24] =	ssyncadd.s32 $0xFFFFFFFF  }
0x1d: {  	s27 =	simm.s32 $execute0_lowered;
	[smem:$0x3FD2] =	sst s26  }
0x1e: {  	s5 =	sshll.u32 s27, $0x1;
	_ =	strace $0x80000049;
	[dreg:$0x1] =	wrdreg $0xFFFFFFFF  }
0x1f: {  	s28 =	simm.s32 $_size_execute0_lowered;
	s3 =	sadd.s32 s3, s5;
	[dreg:$0x0] =	wrdreg $0x0  }
0x20: {  	s5 =	sshll.u32 s28, $0x1;
	[dreg:$0x2] =	wrdreg s3  }
0x21: {  	[dreg:$0x3] =	wrdreg s5  }
0x22: {  	[dreg:$0x4] =	wrdreg $0xC0  }
0x23: {  	_ =	task [dreg:s7], $0x5FFFF  }
0x24: {  	[dreg:$0x1] =	wrdreg $0xFFFFFFFF  }
0x25: {  	[dreg:$0x0] =	wrdreg $0x60  }
0x26: {  	[dreg:$0x2] =	wrdreg s25  }
0x27: {  	[dreg:$0x3] =	wrdreg s2  }
0x28: {  	[dreg:$0x4] =	wrdreg $0x9  }
0x29: {  	_ =	task.clear_ibuf [dreg:s7], $0x5FFFF;
	_ =	strace $0x90000049  }
0x2a: {  	s29 =	simm.s32 $0x9;
	_ =	strace $0x8000004B  }
0x2b: {  	_ =	swait.ge [sflag:s29], $0x1  }
0x2c: {  	[sflag:s29] =	ssyncadd.s32 $0xFFFFFFFF  }
0x2d: {  	_ =	strace $0x9000004B  }
0x2e: {  	_ =	sfence  }
0x2f: {  	s30 =	sld [smem:$0x0];
	_ =	sdelay $0x2  }
0x30: {  	s31 =	sshll.u32 s1, $0xD;
	s1 =	sshrl.u32 s1, $0x2  }
0x31: {  	s3 =	sand.u32 $0x4000, s31;
	s1 =	sadd.s32 s1, s30  }
0x32: {  	s0 =	sor.u32 s3, s0;
	s1 =	sshll.u32 s1, $0x11  }
0x33: {  	s0 =	sor.u32 s1, s0  }
0x34: {  	s0 =	sadd.s32 $0x8F2B, s0  }
0x35: {  	[sflag:s0] =	ssyncadd.remote.s32 $0x1  }
0x36: {  	_ =	sfence.sel $0xFFFF  }
0x37: {  	[dreg:$0x0] =	wrdreg $0xFFFFFFFF;
	(pc) =	sbr.abs _section_cstart, $3  }
0x38: {  	[dreg:$0x1] =	wrdreg $0xFFFFFFFF  }
0x39: {  	_ =	task.clear_ibuf [dreg:s7], $0x2FFFF;
	_ =	strace $0x9FFFFFFF  }
0x3a: {  	(tm) =	ssettm $0x7FFFFFFF  }
0x3b: {  	_ =	shalt  }
tec
execute0_lowered:
.L_overlay_start_1:
0x0: {  	(tag) =	ssettag $0x1  }
0x1: {  	s4 =	rddreg [dreg:$0x0]  }
0x2: {  	s0 =	srdreg.scid;
	s2 =	rddreg [dreg:$0x1]  }
0x3: {  	s1 =	stileid.u32;
	s5 =	simm.s32 $0x1;
	s0 =	sshll.u32 s0, $0x4  }
0x4: {  	s7 =	simm.s32 $0x2;
	s11 =	simm.s32 $0x0;
	s3 =	sand.u32 $0x10, s0  }
.Ltmp0:
0x5: {  	p0 =	por $0x0, $0x0;
	s3 =	sor.u32 s1, s3;
	(pc) =	sbr.rel .LBB1_1-.Ltmp0, $4  }
0x6: {  	s8 =	simm.s32 $0x7A1400;
	s10 =	simm.s32 $0x0;
	s3 =	sshll.u32 s3, $0x7  }
0x7: {  	s0 =	rddreg [dreg:$0x2];
	_ =	strace $0x8000004A;
	s6 =	ssub.s32 $0xF4200, s3  }
0x8: {  	s4 =	sadd.s32 $0x3E1400, s4;
	[sflag:s5] =	ssyncpa.u1 $0x0;
	s6 =	sshrl.u32 s6, $0xC  }
0x9: {  	[sflag:s7] =	ssyncpa.u1 $0x0;
	s9 =	smov.u32 s3;
	s7 =	sadd.s32 $0x2, s6  }
.LBB1_5:
0xa: {  	s13 =	sadd.s32 $0x1000, s9  }
0xb: {  	p2 =	sgt.s32 s13, $0xF423F  }
0xc: {  	s13 =	smov.u32 @p2 s3;
	p2 =	sne.s32 s10, s7  }
.Ltmp1:
0xd: {  	p1 =	slt.u32 s10, $0x2;
	(pc) =	sbr.rel @!p2 .LBB1_6-.Ltmp1, $4  }
0xe: {  	s12 =	simm.s32 @!p1 $0x2  }
0xf: {  	s14 =	sadd.s32 $0x1, s10;
	_ =	swait.ge @!p1 [sflag:s12], $0x1000  }
0x10: {  	s11 =	smov.u32 s9;
	p0 =	por !p0, !p0;
	[sflag:s12] =	ssyncset.done @!p1 $0x0  }
0x11: {  	s10 =	smov.u32 s14;
	s9 =	smov.u32 s13;
	[sflag:s12] =	ssyncadd.s32 @!p1 $0xFFFFF000  }
.LBB1_1:
0x12: {  	p1 =	sgt.u32 s10, s6  }
0x13: {  	s13 =	smov.u32 s9;
	p2 =	sgt.s32 @!p1 s9, $0xF41C0  }
0x14: {  	s12 =	sand.u32 @!p1 $0x1FFFFFF, s9;
	s14 =	sshra.s32 @!p1 s9, $0x1F;
	p2 =	por !p2, p1  }
0x15: {  	s15 =	smulhi.u32 @!p1 $0x218DEF5, s12;
	s14 =	sand.u32 @!p1 s14, s9;
	s13 =	simm.s32 @p2 $0xF41C0  }
0x16: {  	s13 =	ssub.s32 @!p1 s13, s14  }
0x17: {  	s14 =	sshrl.u32 @!p1 s15, $0xD;
	s13 =	sadd.s32 @!p1 $0xFFF0BE40, s13  }
0x18: {  	s15 =	sxor.u32 @!p1 $0xFFFFFFFF, s10;
	s14 =	smul.u32 @!p1 $0xF4240, s14;
	s16 =	sshll.u32 @!p1 s13, $0x7  }
0x19: {  	s15 =	sshll.u32 @!p1 s15, $0xC;
	p2 =	sgt.s32 @!p1 s13, $0x7F;
	s13 =	ssub.s32 @!p1 $0x4000, s16  }
0x1a: {  	s12 =	ssub.s32 @!p1 s12, s14;
	p2 =	por !p2, p1;
	s14 =	sand.u32 @!p1 $0x1000, s15  }
0x1b: {  	s15 =	simm.s32 @!p1 $0x20;
	s13 =	sshrl.u32 @!p1 s13, $0x2;
	s12 =	sshll.u32 @!p1 s12, $0x4  }
0x1c: {  	s16 =	simm.s32 @!p1 $0x80;
	s13 =	simm.s32 @!p2 $0x0;
	s12 =	sadd.s32 @!p1 s4, s12  }
0x1d: {  	[tilespmem:s14], [sflag:$0x1] =	stream.strided.gather @!p1 [hbm4b:s12+s15], s13, s16, s15, $0x38;
	[tilespmem:$0x4040] =	vst v63  }
0x1e: {  	p1 =	seq.s32 s10, $0x0  }
0x1f: {  	p2 =	sge.u32 @!p1 s10, s7  }
0x20: {  	p1 =	por p1, p2  }
.Ltmp2:
0x21: {  	_ = 	snop;
	(pc) =	sbr.rel @p1 .LBB1_5-.Ltmp2, $1  }
0x22: {  	_ =	sdelay $0x3  }
0x23: {  	p1 =	sgt.s32 s11, $0xF41C0;
	s12 =	smov.u32 s11;
	s13 =	sshra.s32 s11, $0x1F  }
0x24: {  	s12 =	simm.s32 @!p1 $0xF41C0;
	s13 =	sand.u32 s13, s11  }
0x25: {  	s12 =	ssub.s32 s12, s13  }
0x26: {  	s12 =	sadd.s32 $0xFFF0BE40, s12  }
0x27: {  	s28 =	sshll.u32 s12, $0x7  }
0x28: {  	s13 =	ssub.s32 $0x4000, s28  }
0x29: {  	p1 =	sgt.s32 s12, $0x7F;
	s12 =	sshrl.u32 s13, $0x2  }
0x2a: {  	s13 =	simm.s32 $0x1;
	s12 =	simm.s32 @p1 $0x0  }
0x2b: {  	s13 =	simm.s32 @!p0 $0x0;
	_ =	swait.ge [sflag:s5], s12  }
0x2c: {  	s14 =	sshll.u32 s13, $0xC;
	s12 =	ssub.s32 $0x0, s12;
	[sflag:s5] =	ssyncset.done $0x0  }
0x2d: {  	s16 =	sor.u32 $0x10, s14;
	[sflag:s5] =	ssyncadd.s32 s12  }
0x2e: {  	s29 =	smul.u32 $0x4080, s13;
	v1 =	vld [tilespmem:s16+$0x0]  }
0x2f: {  	s30 =	sand.u32 $0x1, s10;
	v0 =	vld [tilespmem:s16+$0xFFFFFFF0]  }
0x30: {  	s13 =	smul.u32 $0x4080, s30;
	s12 =	sshrl.u32 s29, $0x2  }
0x31: {  	s14 =	sor.u32 $0x2000, s12  }
0x32: {  	s31 =	sshrl.u32 s13, $0x2;
	s13 =	sadd.s32 $0x0, s14  }
0x33: {  	s15 =	simm.s32 $0x4;
	s12 =	sor.u32 $0x2000, s31;
	s16 =	sadd.s32 $0x20, s16;
	[tilespmem:s13+$0x810 ss:$0x81] =	vst.msk $0xffff, v1  }
.LBB1_3:
0x34: {  	v1 =	vld [tilespmem:s16+$0x0];
	p1 =	sne.s32 s15, $0x1FC;
	[tilespmem:s13+$0x0 ss:$0x81] =	vst.msk $0xffff, v0;
	s13 =	smov.u32 s15;
	s15 =	sadd.s32 $0x4, s15  }
.Ltmp3:
0x35: {  	v0 =	vld [tilespmem:s16+$0xFFFFFFF0];
	(pc) =	sbr.rel @p1 .LBB1_3-.Ltmp3, $4  }
0x36: {  	_ = 	snop  }
0x37: {  	s13 =	sshra.s32 s13, $0x2  }
0x38: {  	s13 =	sadd.s32 s13, s14  }
0x39: {  	s16 =	sadd.s32 $0x20, s16;
	[tilespmem:s13+$0x810 ss:$0x81] =	vst.msk $0xffff, v1  }
0x3a: {  	s14 =	sshll.u32 s11, $0x3  }
0x3b: {  	s30 =	sand.u32 $0x7F, s11;
	s14 =	sand.u32 $0xFFFFFC00, s14  }
0x3c: {  	s11 =	sor.u32 s30, s14  }
0x3d: {  	s15 =	smulhi.u32 $0x218D6287, s11;
	_ =	sdelay $0x1  }
0x3e: {  	s14 =	smulhi.u32 $0x218D6287, s14;
	s15 =	sshrl.u32 s15, $0x11  }
0x3f: {  	s15 =	smul.u32 $0xF4280, s15  }
0x40: {  	s14 =	sshrl.u32 s14, $0x11  }
.Ltmp4:
0x41: {  	s14 =	sand.u32 $0x1F, s14;
	s11 =	ssub.s32 s11, s15;
	(pc) =	sbr.rel .LBB1_5-.Ltmp4, $4  }
0x42: {  	s14 =	smul.u32 $0x1E850, s14;
	s15 =	sshrl.u32 s11, $0x3;
	s11 =	sand.u32 $0x7, s11  }
0x43: {  	s15 =	sadd.s32 s2, s15;
	s11 =	sshll.u32 s11, $0x12  }
0x44: {  	[tilespmem:s13+$0x0 ss:$0x81] =	vst.msk $0xffff, v0;
	s31 =	sadd.s32 s14, s15;
	s11 =	sor.u32 $0x400, s11  }
0x45: {  	[hbm4b:s31+s11] =	stream.strided.scatter [tilespmem:s12], [sflag:$0x2], $0x1000, s8, s11, $0x20;
	[tilespmem:$0x4040] =	vst v63  }
.LBB1_6:
0x46: {  	_ =	sfence.sel $0x180000  }
0x47: {  	s2 =	simm.s32 $0x1;
	[bflag:$0x0] =	sbarrier.arrive $0xFFFF  }
0x48: {  	s31 =	simm.s32 $0x2;
	[sflag:s2] =	ssyncpa.u1 $0x1  }
0x49: {  	[sflag:s31] =	ssyncpa.u1 $0x1  }
0x4a: {  	p0 =	sne.s32 s1, $0x0;
	_ =	strace $0x9000004A  }
0x4b: {  	s0 =	sadd.s32 @!p0 $0x100000, s0;
	[bflag:$0x2] =	sbarrier.arrive $0xFFFF  }
0x4c: {  	[sflag:s0] =	ssyncadd.tile.s32 @!p0 $0x1;
	_ =	shalt  }
.Lfunc_end1:
_tile_overlayer_lowered:
.L_overlay_start_2:
0x4d: {  	(tag) =	ssettag $0x2  }
0x4e: {  	s0 =	rddreg [dreg:$0x0];
	s2 =	stileid.u32  }
0x4f: {  	s1 =	rddreg [dreg:$0x1];
	p0 =	sne.s32 s2, $0x0  }
0x50: {  	s3 =	rddreg [dreg:$0x2];
	[bflag:$0x3] =	sbarrier.arrive $0xFFFF;
	s2 =	simm.s32 @!p0 $0x1C01  }
0x51: {  	[timem:s3], [sflag:s2] =	dma.local @!p0 [hbm:s0], s1  }
0x52: {  	s0 =	simm.s32 @!p0 $0x1  }
0x53: {  	_ =	swait.ge @!p0 [sflag:s0], s1  }
0x54: {  	s1 =	ssub.s32 @!p0 $0x0, s1;
	[sflag:s0] =	ssyncset.done @!p0 $0x0  }
0x55: {  	[sflag:s0] =	ssyncadd.s32 @!p0 s1  }
0x56: {  	[bflag:$0x3] =	sbarrier.arrive $0xFFFF  }
0x57: {  	_ =	shalt  }

</sc_bundles>
